<compile_context>
chip_gen: v7x
topology: tpu7x:2x2x1
jax: 0.10.2.dev20260603
libtpu: 0.0.44.dev20260713+nightly
codegen_flags: <defaults>
</compile_context>

<pallas_src>
import jax
import jax.numpy as jnp
from jax import lax
from jax.experimental import pallas as pl
from jax.experimental.pallas import tpu as pltpu
from jax.experimental.pallas import tpu_sc as plsc

NC = 2
NS = 16
L = 16
NW = NC * NS
K = 32
C = 4
KC = K * C
CH = 128


def _mf_body(tx, itw, buw, biw, bias, utw, uaw, out,
             txv, uidv, iidv, uav, utv, itv, buv, biv, outv, biasv,
             sem0, sem1):
    b = out.shape[0]
    bpw = b // NW
    nchunk = bpw // CH
    wid = lax.axis_index("s") * NC + lax.axis_index("c")
    base = wid * bpw
    sems = (sem0, sem1)

    pltpu.sync_copy(bias, biasv.at[pl.ds(0, 1)])
    b0 = biasv[...][0]
    zeros16 = jnp.zeros((L,), jnp.int32)
    ones16 = jnp.ones((L,), jnp.int32)
    lane = lax.iota(jnp.int32, L)

    def fire(ci, s):
        cbase = base + ci * CH
        ss = jnp.full((L,), s, jnp.int32)
        pltpu.sync_copy(tx.at[pl.ds(cbase, CH)], txv.at[s])

        def extract(j, _):
            e = j * L + lane
            uidv[s, pl.ds(j * L, L)] = plsc.load_gather(txv, [ss, e, zeros16])
            iidv[s, pl.ds(j * L, L)] = plsc.load_gather(txv, [ss, e, ones16])
            return 0
        lax.fori_loop(0, CH // L, extract, 0)
        return [pltpu.async_copy(uaw.at[uidv.at[s]], uav.at[s], sems[s]),
                pltpu.async_copy(utw.at[uidv.at[s]], utv.at[s], sems[s]),
                pltpu.async_copy(itw.at[iidv.at[s]], itv.at[s], sems[s]),
                pltpu.async_copy(buw.at[uidv.at[s]], buv.at[s], sems[s]),
                pltpu.async_copy(biw.at[iidv.at[s]], biv.at[s], sems[s])]

    def compute(ci, s):
        cbase = base + ci * CH
        ss = jnp.full((L,), s, jnp.int32)

        def group(g, _):
            e = g * L + lane
            zf = jnp.zeros((L,), jnp.float32)

            @plsc.parallel_loop(0, K, unroll=4,
                                carry=(zf, zf, zf, zf, zf, zf, zf, zf))
            def acc(k, carry):
                z0, z1, z2, z3, w0, w1, w2, w3 = carry
                kk = jnp.full((L,), k, jnp.int32)
                vi = plsc.load_gather(itv, [ss, e, kk])
                c0 = 4 * k
                f0 = jnp.full((L,), c0, jnp.int32)
                f1 = jnp.full((L,), c0 + 1, jnp.int32)
                f2 = jnp.full((L,), c0 + 2, jnp.int32)
                f3 = jnp.full((L,), c0 + 3, jnp.int32)
                uts = (plsc.load_gather(utv, [ss, e, f0])
                       + plsc.load_gather(utv, [ss, e, f1])
                       + plsc.load_gather(utv, [ss, e, f2])
                       + plsc.load_gather(utv, [ss, e, f3]))
                p = vi * uts
                a0 = jnp.exp(plsc.load_gather(uav, [ss, e, f0]) * vi)
                a1 = jnp.exp(plsc.load_gather(uav, [ss, e, f1]) * vi)
                a2 = jnp.exp(plsc.load_gather(uav, [ss, e, f2]) * vi)
                a3 = jnp.exp(plsc.load_gather(uav, [ss, e, f3]) * vi)
                return (z0 + a0, z1 + a1, z2 + a2, z3 + a3,
                        w0 + p * a0, w1 + p * a1, w2 + p * a2, w3 + p * a3)

            z0, z1, z2, z3, w0, w1, w2, w3 = acc
            dot = w0 / z0 + w1 / z1 + w2 / z2 + w3 / z3
            bu = buv[s, pl.ds(g * L, L)]
            bi_ = biv[s, pl.ds(g * L, L)]
            outv[pl.ds(g * L, L)] = dot + b0 + bu + bi_
            return 0
        lax.fori_loop(0, CH // L, group, 0)
        pltpu.sync_copy(outv, out.at[pl.ds(cbase, CH)])

    pend = {0: fire(0, 0)}
    for ci in range(nchunk):
        s = ci % 2
        if ci + 1 < nchunk:
            pend[ci + 1] = fire(ci + 1, 1 - s)
        for cp in pend.pop(ci):
            cp.wait()
        compute(ci, s)


def kernel(train_x, item_w, bias_user_w, bias_item_w, bias, user_taste, user_attnd):
    b = train_x.shape[0]
    assert b % (NW * CH) == 0
    tx = train_x.astype(jnp.int32)
    ut2 = user_taste.reshape(user_taste.shape[0], KC)
    ua2 = user_attnd.reshape(user_attnd.shape[0], KC)
    bu1 = bias_user_w.reshape(-1)
    bi1 = bias_item_w.reshape(-1)
    mesh = plsc.VectorSubcoreMesh(core_axis_name="c", subcore_axis_name="s")
    kfn = pl.kernel(
        _mf_body,
        mesh=mesh,
        compiler_params=pltpu.CompilerParams(
            needs_layout_passes=False, use_tc_tiling_on_sc=False),
        out_type=jax.ShapeDtypeStruct((b,), jnp.float32),
        scratch_types=[
            pltpu.VMEM((2, CH, 2), jnp.int32),
            pltpu.VMEM((2, CH), jnp.int32),
            pltpu.VMEM((2, CH), jnp.int32),
            pltpu.VMEM((2, CH, KC), jnp.float32),
            pltpu.VMEM((2, CH, KC), jnp.float32),
            pltpu.VMEM((2, CH, K), jnp.float32),
            pltpu.VMEM((2, CH), jnp.float32),
            pltpu.VMEM((2, CH), jnp.float32),
            pltpu.VMEM((CH,), jnp.float32),
            pltpu.VMEM((L,), jnp.float32),
            pltpu.SemaphoreType.DMA,
            pltpu.SemaphoreType.DMA,
        ],
    )
    return kfn(tx, item_w, bu1, bi1, bias, ut2, ua2)

# --- scband reference (transcript-rebuilt; emitter-appended) ---
"""Pipeline reference for scband-mf-28887950033000 (READ-ONLY COPY).

The authoritative reference and input builder live on the scoring server;
editing this copy changes nothing except your own understanding.
"""

import jax, jax.numpy as jnp
import numpy as np

N_USER = 100000
N_ITEM = 100000
K = 32
C = 4
BATCH = 16384


def setup_inputs(seed: int = 0) -> dict:
    key = jax.random.key(seed)
    k0, k1, k2, k3, k4, k5 = jax.random.split(key, 6)
    train_x = jax.random.randint(k0, (BATCH, 2), 0, N_USER, dtype=jnp.int64) if jax.config.jax_enable_x64 else jax.random.randint(k0, (BATCH, 2), 0, N_USER, dtype=jnp.int32)
    item_w = jax.random.normal(k1, (N_ITEM, K), dtype=jnp.float32)
    bias_user_w = jax.random.normal(k2, (N_USER, 1), dtype=jnp.float32)
    bias_item_w = jax.random.normal(k3, (N_ITEM, 1), dtype=jnp.float32)
    bias = jnp.ones((1,), dtype=jnp.float32)
    user_taste = jax.random.normal(k4, (N_USER, K, C), dtype=jnp.float32) * (1.0 / N_USER)
    user_attnd = jax.random.normal(k5, (N_USER, K, C), dtype=jnp.float32) * (1.0 / N_USER)
    return {
        "train_x": train_x,
        "item_w": item_w,
        "bias_user_w": bias_user_w,
        "bias_item_w": bias_item_w,
        "bias": bias,
        "user_taste": user_taste,
        "user_attnd": user_attnd,
    }


def reference(train_x, item_w, bias_user_w, bias_item_w, bias, user_taste, user_attnd):
    user_id = train_x[:, 0]
    item_id = train_x[:, 1]
    vector_item = jnp.take(item_w, item_id, axis=0)            # [B, K]
    bias_user = jnp.take(bias_user_w, user_id, axis=0).squeeze(-1)  # [B]
    bias_item = jnp.take(bias_item_w, item_id, axis=0).squeeze(-1)  # [B]
    biases = bias + bias_user + bias_item                      # [B]
    ut = jnp.take(user_taste, user_id, axis=0)                 # [B, K, C]
    ua = jnp.take(user_attnd, user_id, axis=0)                 # [B, K, C]
    vector_itemx = jnp.broadcast_to(vector_item[:, :, None], ua.shape)
    attention = jax.nn.softmax(ua * vector_itemx, axis=1)      # [B, K, C]
    attentionx = jnp.broadcast_to(attention.sum(axis=2)[:, :, None], ua.shape)
    weighted_preference = (ut * attentionx).sum(axis=2)        # [B, K]
    dot = (weighted_preference * vector_item).sum(axis=1)      # [B]
    prediction = dot + biases
    return prediction

if __name__ == "__main__":
    import jax
    _d = setup_inputs()
    print(jax.jit(kernel)(*tuple(_d.values())))

</pallas_src>

<mosaic_0001>
#map = affine_map<(d0, d1) -> (0, 0)>
#map1 = affine_map<(d0, d1) -> (0)>
module attributes {stable_mosaic.version = 14 : i64} {
  func.func @_mf_body(%arg0: i32, %arg1: i32, %arg2: memref<16384x2xi32, #tpu.memory_space<hbm>>, %arg3: memref<100000x32xf32, #tpu.memory_space<hbm>>, %arg4: memref<100000xf32, #tpu.memory_space<hbm>>, %arg5: memref<100000xf32, #tpu.memory_space<hbm>>, %arg6: memref<1xf32, #tpu.memory_space<hbm>>, %arg7: memref<100000x128xf32, #tpu.memory_space<hbm>>, %arg8: memref<100000x128xf32, #tpu.memory_space<hbm>>, %arg9: memref<16384xf32, #tpu.memory_space<hbm>>, %arg10: memref<2x128x2xi32, #tpu.memory_space<vmem>>, %arg11: memref<2x128xi32, #tpu.memory_space<vmem>>, %arg12: memref<2x128xi32, #tpu.memory_space<vmem>>, %arg13: memref<2x128x128xf32, #tpu.memory_space<vmem>>, %arg14: memref<2x128x128xf32, #tpu.memory_space<vmem>>, %arg15: memref<2x128x32xf32, #tpu.memory_space<vmem>>, %arg16: memref<2x128xf32, #tpu.memory_space<vmem>>, %arg17: memref<2x128xf32, #tpu.memory_space<vmem>>, %arg18: memref<128xf32, #tpu.memory_space<vmem>>, %arg19: memref<16xf32, #tpu.memory_space<vmem>>, %arg20: memref<!tpu.dma_semaphore, #tpu.memory_space<semaphore_mem>>, %arg21: memref<!tpu.dma_semaphore, #tpu.memory_space<semaphore_mem>>) attributes {dimension_semantics = [#tpu.dimension_semantics<core_parallel>, #tpu.dimension_semantics<subcore_parallel>], iteration_bounds = array<i64: 2, 16>, scalar_prefetch = 0 : i64, scratch_operands = 12 : i64, tpu.core_type = #tpu.core_type<sc_vector_subcore>, window_params = [{transform_indices = #map}, {transform_indices = #map}, {transform_indices = #map1}, {transform_indices = #map1}, {transform_indices = #map1}, {transform_indices = #map}, {transform_indices = #map}, {transform_indices = #map1}]} {
    %mul3A = arith.constant 2 : i32
    %mul3A_0 = arith.muli %arg1, %mul3A : i32
    %add3A = arith.addi %mul3A_0, %arg0 : i32
    %mul3A_1 = arith.constant 512 : i32
    %mul3A_2 = arith.muli %add3A, %mul3A_1 : i32
    "tpu.region"() ({
      %run_scoped3A_543 = tpu.sem_alloc : memref<!tpu.dma_semaphore, #tpu.memory_space<semaphore_mem>>
      %dma_start3A_544 = arith.constant 0 : i32
      %dma_start3A_545 = tpu.memref_slice %arg19[%dma_start3A_544] : memref<16xf32, #tpu.memory_space<vmem>> -> memref<1xf32, #tpu.memory_space<vmem>>
      %dma_start3A_546 = arith.constant 0 : i32
      %dma_start3A_547 = tpu.memref_slice %arg19[%dma_start3A_546] : memref<16xf32, #tpu.memory_space<vmem>> -> memref<1xf32, #tpu.memory_space<vmem>>
      tpu.enqueue_dma source(%arg6 : memref<1xf32, #tpu.memory_space<hbm>>) target(%dma_start3A_547 : memref<1xf32, #tpu.memory_space<vmem>>) target_semaphore(%run_scoped3A_543 : memref<!tpu.dma_semaphore, #tpu.memory_space<semaphore_mem>>)
      %dma_wait3A_548 = arith.constant 0 : i32
      %dma_wait3A_549 = tpu.memref_slice %arg19[%dma_wait3A_548] : memref<16xf32, #tpu.memory_space<vmem>> -> memref<1xf32, #tpu.memory_space<vmem>>
      %dma_wait3A_550 = arith.constant 0 : i32
      %dma_wait3A_551 = tpu.memref_slice %arg19[%dma_wait3A_550] : memref<16xf32, #tpu.memory_space<vmem>> -> memref<1xf32, #tpu.memory_space<vmem>>
      tpu.wait_dma2 semaphore(%run_scoped3A_543 : memref<!tpu.dma_semaphore, #tpu.memory_space<semaphore_mem>>) src(%arg6 : memref<1xf32, #tpu.memory_space<hbm>>) dst(%dma_wait3A_551 : memref<1xf32, #tpu.memory_space<vmem>>)
      tpu.yield
    }) : () -> ()
    %get3A = arith.constant 0 : index
    %get3A_3 = tpu.vector_load %arg19[%get3A] {strides = array<i32>} : memref<16xf32, #tpu.memory_space<vmem>>, vector<16xf32>,
    %slice3A = vector.extract_strided_slice %get3A_3 {offsets = [0], sizes = [1], strides = [1]} : vector<16xf32> to vector<1xf32>
    %squeeze3A = vector.extract %slice3A[0] : f32 from vector<1xf32>
    %broadcast_in_dim3A = arith.constant 0 : i32
    %broadcast_in_dim3A_4 = vector.broadcast %broadcast_in_dim3A : i32 to vector<16xi32>
    %broadcast_in_dim3A_5 = arith.constant 1 : i32
    %broadcast_in_dim3A_6 = vector.broadcast %broadcast_in_dim3A_5 : i32 to vector<16xi32>
    %iota3A = tpu.iota {dimensions = array<i32: 0>} : vector<16xi32>
    %add3A_7 = arith.constant 0 : i32
    %add3A_8 = arith.addi %mul3A_2, %add3A_7 : i32
    %broadcast_in_dim3A_9 = arith.constant 0 : i32
    %broadcast_in_dim3A_10 = vector.broadcast %broadcast_in_dim3A_9 : i32 to vector<16xi32>
    %run_scoped3A = arith.constant 0 : i32
    "tpu.region"() ({
      %run_scoped3A_543 = tpu.sem_alloc : memref<!tpu.dma_semaphore, #tpu.memory_space<semaphore_mem>>
      %dma_start3A_544 = arith.constant 0 : i32
      %dma_start3A_545 = arith.constant 0 : i32
      %dma_start3A_546 = tpu.memref_slice %arg10[%run_scoped3A, %dma_start3A_544, %dma_start3A_545] : memref<2x128x2xi32, #tpu.memory_space<vmem>> -> memref<1x128x2xi32, #tpu.memory_space<vmem>>
      %dma_start3A_547 = tpu.memref_squeeze %dma_start3A_546 : memref<1x128x2xi32, #tpu.memory_space<vmem>> -> memref<128x2xi32, #tpu.memory_space<vmem>>
      %dma_start3A_548 = arith.constant 0 : i32
      %dma_start3A_549 = tpu.memref_slice %arg2[%add3A_8, %dma_start3A_548] : memref<16384x2xi32, #tpu.memory_space<hbm>> -> memref<128x2xi32, #tpu.memory_space<hbm>>
      %dma_start3A_550 = arith.constant 0 : i32
      %dma_start3A_551 = arith.constant 0 : i32
      %dma_start3A_552 = tpu.memref_slice %arg10[%run_scoped3A, %dma_start3A_550, %dma_start3A_551] : memref<2x128x2xi32, #tpu.memory_space<vmem>> -> memref<1x128x2xi32, #tpu.memory_space<vmem>>
      %dma_start3A_553 = tpu.memref_squeeze %dma_start3A_552 : memref<1x128x2xi32, #tpu.memory_space<vmem>> -> memref<128x2xi32, #tpu.memory_space<vmem>>
      %dma_start3A_554 = arith.constant 0 : i32
      %dma_start3A_555 = tpu.memref_slice %arg2[%add3A_8, %dma_start3A_554] : memref<16384x2xi32, #tpu.memory_space<hbm>> -> memref<128x2xi32, #tpu.memory_space<hbm>>
      tpu.enqueue_dma source(%dma_start3A_555 : memref<128x2xi32, #tpu.memory_space<hbm>>) target(%dma_start3A_553 : memref<128x2xi32, #tpu.memory_space<vmem>>) target_semaphore(%run_scoped3A_543 : memref<!tpu.dma_semaphore, #tpu.memory_space<semaphore_mem>>)
      %dma_wait3A_556 = arith.constant 0 : i32
      %dma_wait3A_557 = arith.constant 0 : i32
      %dma_wait3A_558 = tpu.memref_slice %arg10[%run_scoped3A, %dma_wait3A_556, %dma_wait3A_557] : memref<2x128x2xi32, #tpu.memory_space<vmem>> -> memref<1x128x2xi32, #tpu.memory_space<vmem>>
      %dma_wait3A_559 = tpu.memref_squeeze %dma_wait3A_558 : memref<1x128x2xi32, #tpu.memory_space<vmem>> -> memref<128x2xi32, #tpu.memory_space<vmem>>
      %dma_wait3A_560 = arith.constant 0 : i32
      %dma_wait3A_561 = tpu.memref_slice %arg2[%add3A_8, %dma_wait3A_560] : memref<16384x2xi32, #tpu.memory_space<hbm>> -> memref<128x2xi32, #tpu.memory_space<hbm>>
      %dma_wait3A_562 = arith.constant 0 : i32
      %dma_wait3A_563 = arith.constant 0 : i32
      %dma_wait3A_564 = tpu.memref_slice %arg10[%run_scoped3A, %dma_wait3A_562, %dma_wait3A_563] : memref<2x128x2xi32, #tpu.memory_space<vmem>> -> memref<1x128x2xi32, #tpu.memory_space<vmem>>
      %dma_wait3A_565 = tpu.memref_squeeze %dma_wait3A_564 : memref<1x128x2xi32, #tpu.memory_space<vmem>> -> memref<128x2xi32, #tpu.memory_space<vmem>>
      %dma_wait3A_566 = arith.constant 0 : i32
      %dma_wait3A_567 = tpu.memref_slice %arg2[%add3A_8, %dma_wait3A_566] : memref<16384x2xi32, #tpu.memory_space<hbm>> -> memref<128x2xi32, #tpu.memory_space<hbm>>
      tpu.wait_dma2 semaphore(%run_scoped3A_543 : memref<!tpu.dma_semaphore, #tpu.memory_space<semaphore_mem>>) src(%dma_wait3A_567 : memref<128x2xi32, #tpu.memory_space<hbm>>) dst(%dma_wait3A_565 : memref<128x2xi32, #tpu.memory_space<vmem>>)
      tpu.yield
    }) : () -> ()
    %scan3A = arith.constant 0 : i32
    %scan3A_11 = arith.constant 0 : i32
    %scan3A_12 = arith.constant 8 : i32
    %scan3A_13 = arith.addi %scan3A_11, %scan3A_12 : i32
    %scan3A_14 = arith.constant 1 : i32
    %scan3A_15 = scf.for %scan3A_543 = %scan3A_11 to %scan3A_13 step %scan3A_14 iter_args(%scan3A_544 = %scan3A) -> (i32)  : i32 {
      %mul3A_545 = arith.constant 16 : i32
      %mul3A_546 = arith.muli %scan3A_543, %mul3A_545 : i32
      %add3A_547 = vector.broadcast %mul3A_546 : i32 to vector<16xi32>
      %add3A_548 = arith.addi %add3A_547, %iota3A : vector<16xi32>
      %gather3A = tpu.vector_load_idx %arg10[%broadcast_in_dim3A_10, %add3A_548, %broadcast_in_dim3A_4] : memref<2x128x2xi32, #tpu.memory_space<vmem>>[vector<16xi32>, vector<16xi32>, vector<16xi32>], vector<16xi32>,
      %mul3A_549 = arith.constant 16 : i32
      %mul3A_550 = arith.muli %scan3A_543, %mul3A_549 : i32
      %swap3A = arith.constant 0 : i32
      %swap3A_551 = arith.index_cast %swap3A : i32 to index
      %swap3A_552 = arith.index_cast %mul3A_550 : i32 to index
      %swap3A_553 = tpu.vector_load %arg11[%swap3A_551, %swap3A_552] {strides = array<i32>} : memref<2x128xi32, #tpu.memory_space<vmem>>, vector<16xi32>,
      tpu.vector_store %arg11[%swap3A_551, %swap3A_552], %gather3A {strides = array<i32>} : memref<2x128xi32, #tpu.memory_space<vmem>>, vector<16xi32>,
      %gather3A_554 = tpu.vector_load_idx %arg10[%broadcast_in_dim3A_10, %add3A_548, %broadcast_in_dim3A_6] : memref<2x128x2xi32, #tpu.memory_space<vmem>>[vector<16xi32>, vector<16xi32>, vector<16xi32>], vector<16xi32>,
      %mul3A_555 = arith.constant 16 : i32
      %mul3A_556 = arith.muli %scan3A_543, %mul3A_555 : i32
      %swap3A_557 = arith.constant 0 : i32
      %swap3A_558 = arith.index_cast %swap3A_557 : i32 to index
      %swap3A_559 = arith.index_cast %mul3A_556 : i32 to index
      %swap3A_560 = tpu.vector_load %arg12[%swap3A_558, %swap3A_559] {strides = array<i32>} : memref<2x128xi32, #tpu.memory_space<vmem>>, vector<16xi32>,
      tpu.vector_store %arg12[%swap3A_558, %swap3A_559], %gather3A_554 {strides = array<i32>} : memref<2x128xi32, #tpu.memory_space<vmem>>, vector<16xi32>,
      %scan3A_561 = arith.constant 0 : i32
      scf.yield %scan3A_561 : i32
    }
    %scan3A_16 = arith.constant 8 : i32
    %dma_start3A = arith.constant 0 : i32
    %dma_start3A_17 = arith.constant 0 : i32
    %dma_start3A_18 = arith.constant 0 : i32
    %dma_start3A_19 = arith.constant 0 : i32
    %dma_start3A_20 = tpu.memref_slice %arg13[%dma_start3A_17, %dma_start3A_18, %dma_start3A_19] : memref<2x128x128xf32, #tpu.memory_space<vmem>> -> memref<1x128x128xf32, #tpu.memory_space<vmem>>
    %dma_start3A_21 = tpu.memref_squeeze %dma_start3A_20 : memref<1x128x128xf32, #tpu.memory_space<vmem>> -> memref<128x128xf32, #tpu.memory_space<vmem>>
    %dma_start3A_22 = arith.constant 0 : i32
    %dma_start3A_23 = tpu.memref_slice %arg11[%dma_start3A, %dma_start3A_22] : memref<2x128xi32, #tpu.memory_space<vmem>> -> memref<1x128xi32, #tpu.memory_space<vmem>>
    %dma_start3A_24 = tpu.memref_squeeze %dma_start3A_23 : memref<1x128xi32, #tpu.memory_space<vmem>> -> memref<128xi32, #tpu.memory_space<vmem>>
    %dma_start3A_25 = arith.constant 0 : i32
    %dma_start3A_26 = arith.constant 0 : i32
    %dma_start3A_27 = tpu.memref_slice %arg8[%dma_start3A_25, %dma_start3A_26] : memref<100000x128xf32, #tpu.memory_space<hbm>> -> memref<100000x128xf32, #tpu.memory_space<hbm>>
    tpu.enqueue_indirect_dma source(%dma_start3A_27 : memref<100000x128xf32, #tpu.memory_space<hbm>>) target(%dma_start3A_21 : memref<128x128xf32, #tpu.memory_space<vmem>>) offsets(%dma_start3A_24 : memref<128xi32, #tpu.memory_space<vmem>>) semaphore(%arg20 : memref<!tpu.dma_semaphore, #tpu.memory_space<semaphore_mem>>)
    %dma_start3A_28 = arith.constant 0 : i32
    %dma_start3A_29 = arith.constant 0 : i32
    %dma_start3A_30 = arith.constant 0 : i32
    %dma_start3A_31 = arith.constant 0 : i32
    %dma_start3A_32 = tpu.memref_slice %arg14[%dma_start3A_29, %dma_start3A_30, %dma_start3A_31] : memref<2x128x128xf32, #tpu.memory_space<vmem>> -> memref<1x128x128xf32, #tpu.memory_space<vmem>>
    %dma_start3A_33 = tpu.memref_squeeze %dma_start3A_32 : memref<1x128x128xf32, #tpu.memory_space<vmem>> -> memref<128x128xf32, #tpu.memory_space<vmem>>
    %dma_start3A_34 = arith.constant 0 : i32
    %dma_start3A_35 = tpu.memref_slice %arg11[%dma_start3A_28, %dma_start3A_34] : memref<2x128xi32, #tpu.memory_space<vmem>> -> memref<1x128xi32, #tpu.memory_space<vmem>>
    %dma_start3A_36 = tpu.memref_squeeze %dma_start3A_35 : memref<1x128xi32, #tpu.memory_space<vmem>> -> memref<128xi32, #tpu.memory_space<vmem>>
    %dma_start3A_37 = arith.constant 0 : i32
    %dma_start3A_38 = arith.constant 0 : i32
    %dma_start3A_39 = tpu.memref_slice %arg7[%dma_start3A_37, %dma_start3A_38] : memref<100000x128xf32, #tpu.memory_space<hbm>> -> memref<100000x128xf32, #tpu.memory_space<hbm>>
    tpu.enqueue_indirect_dma source(%dma_start3A_39 : memref<100000x128xf32, #tpu.memory_space<hbm>>) target(%dma_start3A_33 : memref<128x128xf32, #tpu.memory_space<vmem>>) offsets(%dma_start3A_36 : memref<128xi32, #tpu.memory_space<vmem>>) semaphore(%arg20 : memref<!tpu.dma_semaphore, #tpu.memory_space<semaphore_mem>>)
    %dma_start3A_40 = arith.constant 0 : i32
    %dma_start3A_41 = arith.constant 0 : i32
    %dma_start3A_42 = arith.constant 0 : i32
    %dma_start3A_43 = arith.constant 0 : i32
    %dma_start3A_44 = tpu.memref_slice %arg15[%dma_start3A_41, %dma_start3A_42, %dma_start3A_43] : memref<2x128x32xf32, #tpu.memory_space<vmem>> -> memref<1x128x32xf32, #tpu.memory_space<vmem>>
    %dma_start3A_45 = tpu.memref_squeeze %dma_start3A_44 : memref<1x128x32xf32, #tpu.memory_space<vmem>> -> memref<128x32xf32, #tpu.memory_space<vmem>>
    %dma_start3A_46 = arith.constant 0 : i32
    %dma_start3A_47 = tpu.memref_slice %arg12[%dma_start3A_40, %dma_start3A_46] : memref<2x128xi32, #tpu.memory_space<vmem>> -> memref<1x128xi32, #tpu.memory_space<vmem>>
    %dma_start3A_48 = tpu.memref_squeeze %dma_start3A_47 : memref<1x128xi32, #tpu.memory_space<vmem>> -> memref<128xi32, #tpu.memory_space<vmem>>
    %dma_start3A_49 = arith.constant 0 : i32
    %dma_start3A_50 = arith.constant 0 : i32
    %dma_start3A_51 = tpu.memref_slice %arg3[%dma_start3A_49, %dma_start3A_50] : memref<100000x32xf32, #tpu.memory_space<hbm>> -> memref<100000x32xf32, #tpu.memory_space<hbm>>
    tpu.enqueue_indirect_dma source(%dma_start3A_51 : memref<100000x32xf32, #tpu.memory_space<hbm>>) target(%dma_start3A_45 : memref<128x32xf32, #tpu.memory_space<vmem>>) offsets(%dma_start3A_48 : memref<128xi32, #tpu.memory_space<vmem>>) semaphore(%arg20 : memref<!tpu.dma_semaphore, #tpu.memory_space<semaphore_mem>>)
    %dma_start3A_52 = arith.constant 0 : i32
    %dma_start3A_53 = arith.constant 0 : i32
    %dma_start3A_54 = arith.constant 0 : i32
    %dma_start3A_55 = tpu.memref_slice %arg16[%dma_start3A_53, %dma_start3A_54] : memref<2x128xf32, #tpu.memory_space<vmem>> -> memref<1x128xf32, #tpu.memory_space<vmem>>
    %dma_start3A_56 = tpu.memref_squeeze %dma_start3A_55 : memref<1x128xf32, #tpu.memory_space<vmem>> -> memref<128xf32, #tpu.memory_space<vmem>>
    %dma_start3A_57 = arith.constant 0 : i32
    %dma_start3A_58 = tpu.memref_slice %arg11[%dma_start3A_52, %dma_start3A_57] : memref<2x128xi32, #tpu.memory_space<vmem>> -> memref<1x128xi32, #tpu.memory_space<vmem>>
    %dma_start3A_59 = tpu.memref_squeeze %dma_start3A_58 : memref<1x128xi32, #tpu.memory_space<vmem>> -> memref<128xi32, #tpu.memory_space<vmem>>
    %dma_start3A_60 = arith.constant 0 : i32
    %dma_start3A_61 = tpu.memref_slice %arg4[%dma_start3A_60] : memref<100000xf32, #tpu.memory_space<hbm>> -> memref<100000xf32, #tpu.memory_space<hbm>>
    tpu.enqueue_indirect_dma source(%dma_start3A_61 : memref<100000xf32, #tpu.memory_space<hbm>>) target(%dma_start3A_56 : memref<128xf32, #tpu.memory_space<vmem>>) offsets(%dma_start3A_59 : memref<128xi32, #tpu.memory_space<vmem>>) semaphore(%arg20 : memref<!tpu.dma_semaphore, #tpu.memory_space<semaphore_mem>>)
    %dma_start3A_62 = arith.constant 0 : i32
    %dma_start3A_63 = arith.constant 0 : i32
    %dma_start3A_64 = arith.constant 0 : i32
    %dma_start3A_65 = tpu.memref_slice %arg17[%dma_start3A_63, %dma_start3A_64] : memref<2x128xf32, #tpu.memory_space<vmem>> -> memref<1x128xf32, #tpu.memory_space<vmem>>
    %dma_start3A_66 = tpu.memref_squeeze %dma_start3A_65 : memref<1x128xf32, #tpu.memory_space<vmem>> -> memref<128xf32, #tpu.memory_space<vmem>>
    %dma_start3A_67 = arith.constant 0 : i32
    %dma_start3A_68 = tpu.memref_slice %arg12[%dma_start3A_62, %dma_start3A_67] : memref<2x128xi32, #tpu.memory_space<vmem>> -> memref<1x128xi32, #tpu.memory_space<vmem>>
    %dma_start3A_69 = tpu.memref_squeeze %dma_start3A_68 : memref<1x128xi32, #tpu.memory_space<vmem>> -> memref<128xi32, #tpu.memory_space<vmem>>
    %dma_start3A_70 = arith.constant 0 : i32
    %dma_start3A_71 = tpu.memref_slice %arg5[%dma_start3A_70] : memref<100000xf32, #tpu.memory_space<hbm>> -> memref<100000xf32, #tpu.memory_space<hbm>>
    tpu.enqueue_indirect_dma source(%dma_start3A_71 : memref<100000xf32, #tpu.memory_space<hbm>>) target(%dma_start3A_66 : memref<128xf32, #tpu.memory_space<vmem>>) offsets(%dma_start3A_69 : memref<128xi32, #tpu.memory_space<vmem>>) semaphore(%arg20 : memref<!tpu.dma_semaphore, #tpu.memory_space<semaphore_mem>>)
    %add3A_72 = arith.constant 128 : i32
    %add3A_73 = arith.addi %mul3A_2, %add3A_72 : i32
    %broadcast_in_dim3A_74 = arith.constant 1 : i32
    %broadcast_in_dim3A_75 = vector.broadcast %broadcast_in_dim3A_74 : i32 to vector<16xi32>
    %run_scoped3A_76 = arith.constant 1 : i32
    "tpu.region"() ({
      %run_scoped3A_543 = tpu.sem_alloc : memref<!tpu.dma_semaphore, #tpu.memory_space<semaphore_mem>>
      %dma_start3A_544 = arith.constant 0 : i32
      %dma_start3A_545 = arith.constant 0 : i32
      %dma_start3A_546 = tpu.memref_slice %arg10[%run_scoped3A_76, %dma_start3A_544, %dma_start3A_545] : memref<2x128x2xi32, #tpu.memory_space<vmem>> -> memref<1x128x2xi32, #tpu.memory_space<vmem>>
      %dma_start3A_547 = tpu.memref_squeeze %dma_start3A_546 : memref<1x128x2xi32, #tpu.memory_space<vmem>> -> memref<128x2xi32, #tpu.memory_space<vmem>>
      %dma_start3A_548 = arith.constant 0 : i32
      %dma_start3A_549 = tpu.memref_slice %arg2[%add3A_73, %dma_start3A_548] : memref<16384x2xi32, #tpu.memory_space<hbm>> -> memref<128x2xi32, #tpu.memory_space<hbm>>
      %dma_start3A_550 = arith.constant 0 : i32
      %dma_start3A_551 = arith.constant 0 : i32
      %dma_start3A_552 = tpu.memref_slice %arg10[%run_scoped3A_76, %dma_start3A_550, %dma_start3A_551] : memref<2x128x2xi32, #tpu.memory_space<vmem>> -> memref<1x128x2xi32, #tpu.memory_space<vmem>>
      %dma_start3A_553 = tpu.memref_squeeze %dma_start3A_552 : memref<1x128x2xi32, #tpu.memory_space<vmem>> -> memref<128x2xi32, #tpu.memory_space<vmem>>
      %dma_start3A_554 = arith.constant 0 : i32
      %dma_start3A_555 = tpu.memref_slice %arg2[%add3A_73, %dma_start3A_554] : memref<16384x2xi32, #tpu.memory_space<hbm>> -> memref<128x2xi32, #tpu.memory_space<hbm>>
      tpu.enqueue_dma source(%dma_start3A_555 : memref<128x2xi32, #tpu.memory_space<hbm>>) target(%dma_start3A_553 : memref<128x2xi32, #tpu.memory_space<vmem>>) target_semaphore(%run_scoped3A_543 : memref<!tpu.dma_semaphore, #tpu.memory_space<semaphore_mem>>)
      %dma_wait3A_556 = arith.constant 0 : i32
      %dma_wait3A_557 = arith.constant 0 : i32
      %dma_wait3A_558 = tpu.memref_slice %arg10[%run_scoped3A_76, %dma_wait3A_556, %dma_wait3A_557] : memref<2x128x2xi32, #tpu.memory_space<vmem>> -> memref<1x128x2xi32, #tpu.memory_space<vmem>>
      %dma_wait3A_559 = tpu.memref_squeeze %dma_wait3A_558 : memref<1x128x2xi32, #tpu.memory_space<vmem>> -> memref<128x2xi32, #tpu.memory_space<vmem>>
      %dma_wait3A_560 = arith.constant 0 : i32
      %dma_wait3A_561 = tpu.memref_slice %arg2[%add3A_73, %dma_wait3A_560] : memref<16384x2xi32, #tpu.memory_space<hbm>> -> memref<128x2xi32, #tpu.memory_space<hbm>>
      %dma_wait3A_562 = arith.constant 0 : i32
      %dma_wait3A_563 = arith.constant 0 : i32
      %dma_wait3A_564 = tpu.memref_slice %arg10[%run_scoped3A_76, %dma_wait3A_562, %dma_wait3A_563] : memref<2x128x2xi32, #tpu.memory_space<vmem>> -> memref<1x128x2xi32, #tpu.memory_space<vmem>>
      %dma_wait3A_565 = tpu.memref_squeeze %dma_wait3A_564 : memref<1x128x2xi32, #tpu.memory_space<vmem>> -> memref<128x2xi32, #tpu.memory_space<vmem>>
      %dma_wait3A_566 = arith.constant 0 : i32
      %dma_wait3A_567 = tpu.memref_slice %arg2[%add3A_73, %dma_wait3A_566] : memref<16384x2xi32, #tpu.memory_space<hbm>> -> memref<128x2xi32, #tpu.memory_space<hbm>>
      tpu.wait_dma2 semaphore(%run_scoped3A_543 : memref<!tpu.dma_semaphore, #tpu.memory_space<semaphore_mem>>) src(%dma_wait3A_567 : memref<128x2xi32, #tpu.memory_space<hbm>>) dst(%dma_wait3A_565 : memref<128x2xi32, #tpu.memory_space<vmem>>)
      tpu.yield
    }) : () -> ()
    %scan3A_77 = arith.constant 0 : i32
    %scan3A_78 = arith.constant 0 : i32
    %scan3A_79 = arith.constant 8 : i32
    %scan3A_80 = arith.addi %scan3A_78, %scan3A_79 : i32
    %scan3A_81 = arith.constant 1 : i32
    %scan3A_82 = scf.for %scan3A_543 = %scan3A_78 to %scan3A_80 step %scan3A_81 iter_args(%scan3A_544 = %scan3A_77) -> (i32)  : i32 {
      %mul3A_545 = arith.constant 16 : i32
      %mul3A_546 = arith.muli %scan3A_543, %mul3A_545 : i32
      %add3A_547 = vector.broadcast %mul3A_546 : i32 to vector<16xi32>
      %add3A_548 = arith.addi %add3A_547, %iota3A : vector<16xi32>
      %gather3A = tpu.vector_load_idx %arg10[%broadcast_in_dim3A_75, %add3A_548, %broadcast_in_dim3A_4] : memref<2x128x2xi32, #tpu.memory_space<vmem>>[vector<16xi32>, vector<16xi32>, vector<16xi32>], vector<16xi32>,
      %mul3A_549 = arith.constant 16 : i32
      %mul3A_550 = arith.muli %scan3A_543, %mul3A_549 : i32
      %swap3A = arith.constant 1 : i32
      %swap3A_551 = arith.index_cast %swap3A : i32 to index
      %swap3A_552 = arith.index_cast %mul3A_550 : i32 to index
      %swap3A_553 = tpu.vector_load %arg11[%swap3A_551, %swap3A_552] {strides = array<i32>} : memref<2x128xi32, #tpu.memory_space<vmem>>, vector<16xi32>,
      tpu.vector_store %arg11[%swap3A_551, %swap3A_552], %gather3A {strides = array<i32>} : memref<2x128xi32, #tpu.memory_space<vmem>>, vector<16xi32>,
      %gather3A_554 = tpu.vector_load_idx %arg10[%broadcast_in_dim3A_75, %add3A_548, %broadcast_in_dim3A_6] : memref<2x128x2xi32, #tpu.memory_space<vmem>>[vector<16xi32>, vector<16xi32>, vector<16xi32>], vector<16xi32>,
      %mul3A_555 = arith.constant 16 : i32
      %mul3A_556 = arith.muli %scan3A_543, %mul3A_555 : i32
      %swap3A_557 = arith.constant 1 : i32
      %swap3A_558 = arith.index_cast %swap3A_557 : i32 to index
      %swap3A_559 = arith.index_cast %mul3A_556 : i32 to index
      %swap3A_560 = tpu.vector_load %arg12[%swap3A_558, %swap3A_559] {strides = array<i32>} : memref<2x128xi32, #tpu.memory_space<vmem>>, vector<16xi32>,
      tpu.vector_store %arg12[%swap3A_558, %swap3A_559], %gather3A_554 {strides = array<i32>} : memref<2x128xi32, #tpu.memory_space<vmem>>, vector<16xi32>,
      %scan3A_561 = arith.constant 0 : i32
      scf.yield %scan3A_561 : i32
    }
    %scan3A_83 = arith.constant 8 : i32
    %dma_start3A_84 = arith.constant 1 : i32
    %dma_start3A_85 = arith.constant 1 : i32
    %dma_start3A_86 = arith.constant 0 : i32
    %dma_start3A_87 = arith.constant 0 : i32
    %dma_start3A_88 = tpu.memref_slice %arg13[%dma_start3A_85, %dma_start3A_86, %dma_start3A_87] : memref<2x128x128xf32, #tpu.memory_space<vmem>> -> memref<1x128x128xf32, #tpu.memory_space<vmem>>
    %dma_start3A_89 = tpu.memref_squeeze %dma_start3A_88 : memref<1x128x128xf32, #tpu.memory_space<vmem>> -> memref<128x128xf32, #tpu.memory_space<vmem>>
    %dma_start3A_90 = arith.constant 0 : i32
    %dma_start3A_91 = tpu.memref_slice %arg11[%dma_start3A_84, %dma_start3A_90] : memref<2x128xi32, #tpu.memory_space<vmem>> -> memref<1x128xi32, #tpu.memory_space<vmem>>
    %dma_start3A_92 = tpu.memref_squeeze %dma_start3A_91 : memref<1x128xi32, #tpu.memory_space<vmem>> -> memref<128xi32, #tpu.memory_space<vmem>>
    %dma_start3A_93 = arith.constant 0 : i32
    %dma_start3A_94 = arith.constant 0 : i32
    %dma_start3A_95 = tpu.memref_slice %arg8[%dma_start3A_93, %dma_start3A_94] : memref<100000x128xf32, #tpu.memory_space<hbm>> -> memref<100000x128xf32, #tpu.memory_space<hbm>>
    tpu.enqueue_indirect_dma source(%dma_start3A_95 : memref<100000x128xf32, #tpu.memory_space<hbm>>) target(%dma_start3A_89 : memref<128x128xf32, #tpu.memory_space<vmem>>) offsets(%dma_start3A_92 : memref<128xi32, #tpu.memory_space<vmem>>) semaphore(%arg21 : memref<!tpu.dma_semaphore, #tpu.memory_space<semaphore_mem>>)
    %dma_start3A_96 = arith.constant 1 : i32
    %dma_start3A_97 = arith.constant 1 : i32
    %dma_start3A_98 = arith.constant 0 : i32
    %dma_start3A_99 = arith.constant 0 : i32
    %dma_start3A_100 = tpu.memref_slice %arg14[%dma_start3A_97, %dma_start3A_98, %dma_start3A_99] : memref<2x128x128xf32, #tpu.memory_space<vmem>> -> memref<1x128x128xf32, #tpu.memory_space<vmem>>
    %dma_start3A_101 = tpu.memref_squeeze %dma_start3A_100 : memref<1x128x128xf32, #tpu.memory_space<vmem>> -> memref<128x128xf32, #tpu.memory_space<vmem>>
    %dma_start3A_102 = arith.constant 0 : i32
    %dma_start3A_103 = tpu.memref_slice %arg11[%dma_start3A_96, %dma_start3A_102] : memref<2x128xi32, #tpu.memory_space<vmem>> -> memref<1x128xi32, #tpu.memory_space<vmem>>
    %dma_start3A_104 = tpu.memref_squeeze %dma_start3A_103 : memref<1x128xi32, #tpu.memory_space<vmem>> -> memref<128xi32, #tpu.memory_space<vmem>>
    %dma_start3A_105 = arith.constant 0 : i32
    %dma_start3A_106 = arith.constant 0 : i32
    %dma_start3A_107 = tpu.memref_slice %arg7[%dma_start3A_105, %dma_start3A_106] : memref<100000x128xf32, #tpu.memory_space<hbm>> -> memref<100000x128xf32, #tpu.memory_space<hbm>>
    tpu.enqueue_indirect_dma source(%dma_start3A_107 : memref<100000x128xf32, #tpu.memory_space<hbm>>) target(%dma_start3A_101 : memref<128x128xf32, #tpu.memory_space<vmem>>) offsets(%dma_start3A_104 : memref<128xi32, #tpu.memory_space<vmem>>) semaphore(%arg21 : memref<!tpu.dma_semaphore, #tpu.memory_space<semaphore_mem>>)
    %dma_start3A_108 = arith.constant 1 : i32
    %dma_start3A_109 = arith.constant 1 : i32
    %dma_start3A_110 = arith.constant 0 : i32
    %dma_start3A_111 = arith.constant 0 : i32
    %dma_start3A_112 = tpu.memref_slice %arg15[%dma_start3A_109, %dma_start3A_110, %dma_start3A_111] : memref<2x128x32xf32, #tpu.memory_space<vmem>> -> memref<1x128x32xf32, #tpu.memory_space<vmem>>
    %dma_start3A_113 = tpu.memref_squeeze %dma_start3A_112 : memref<1x128x32xf32, #tpu.memory_space<vmem>> -> memref<128x32xf32, #tpu.memory_space<vmem>>
    %dma_start3A_114 = arith.constant 0 : i32
    %dma_start3A_115 = tpu.memref_slice %arg12[%dma_start3A_108, %dma_start3A_114] : memref<2x128xi32, #tpu.memory_space<vmem>> -> memref<1x128xi32, #tpu.memory_space<vmem>>
    %dma_start3A_116 = tpu.memref_squeeze %dma_start3A_115 : memref<1x128xi32, #tpu.memory_space<vmem>> -> memref<128xi32, #tpu.memory_space<vmem>>
    %dma_start3A_117 = arith.constant 0 : i32
    %dma_start3A_118 = arith.constant 0 : i32
    %dma_start3A_119 = tpu.memref_slice %arg3[%dma_start3A_117, %dma_start3A_118] : memref<100000x32xf32, #tpu.memory_space<hbm>> -> memref<100000x32xf32, #tpu.memory_space<hbm>>
    tpu.enqueue_indirect_dma source(%dma_start3A_119 : memref<100000x32xf32, #tpu.memory_space<hbm>>) target(%dma_start3A_113 : memref<128x32xf32, #tpu.memory_space<vmem>>) offsets(%dma_start3A_116 : memref<128xi32, #tpu.memory_space<vmem>>) semaphore(%arg21 : memref<!tpu.dma_semaphore, #tpu.memory_space<semaphore_mem>>)
    %dma_start3A_120 = arith.constant 1 : i32
    %dma_start3A_121 = arith.constant 1 : i32
    %dma_start3A_122 = arith.constant 0 : i32
    %dma_start3A_123 = tpu.memref_slice %arg16[%dma_start3A_121, %dma_start3A_122] : memref<2x128xf32, #tpu.memory_space<vmem>> -> memref<1x128xf32, #tpu.memory_space<vmem>>
    %dma_start3A_124 = tpu.memref_squeeze %dma_start3A_123 : memref<1x128xf32, #tpu.memory_space<vmem>> -> memref<128xf32, #tpu.memory_space<vmem>>
    %dma_start3A_125 = arith.constant 0 : i32
    %dma_start3A_126 = tpu.memref_slice %arg11[%dma_start3A_120, %dma_start3A_125] : memref<2x128xi32, #tpu.memory_space<vmem>> -> memref<1x128xi32, #tpu.memory_space<vmem>>
    %dma_start3A_127 = tpu.memref_squeeze %dma_start3A_126 : memref<1x128xi32, #tpu.memory_space<vmem>> -> memref<128xi32, #tpu.memory_space<vmem>>
    %dma_start3A_128 = arith.constant 0 : i32
    %dma_start3A_129 = tpu.memref_slice %arg4[%dma_start3A_128] : memref<100000xf32, #tpu.memory_space<hbm>> -> memref<100000xf32, #tpu.memory_space<hbm>>
    tpu.enqueue_indirect_dma source(%dma_start3A_129 : memref<100000xf32, #tpu.memory_space<hbm>>) target(%dma_start3A_124 : memref<128xf32, #tpu.memory_space<vmem>>) offsets(%dma_start3A_127 : memref<128xi32, #tpu.memory_space<vmem>>) semaphore(%arg21 : memref<!tpu.dma_semaphore, #tpu.memory_space<semaphore_mem>>)
    %dma_start3A_130 = arith.constant 1 : i32
    %dma_start3A_131 = arith.constant 1 : i32
    %dma_start3A_132 = arith.constant 0 : i32
    %dma_start3A_133 = tpu.memref_slice %arg17[%dma_start3A_131, %dma_start3A_132] : memref<2x128xf32, #tpu.memory_space<vmem>> -> memref<1x128xf32, #tpu.memory_space<vmem>>
    %dma_start3A_134 = tpu.memref_squeeze %dma_start3A_133 : memref<1x128xf32, #tpu.memory_space<vmem>> -> memref<128xf32, #tpu.memory_space<vmem>>
    %dma_start3A_135 = arith.constant 0 : i32
    %dma_start3A_136 = tpu.memref_slice %arg12[%dma_start3A_130, %dma_start3A_135] : memref<2x128xi32, #tpu.memory_space<vmem>> -> memref<1x128xi32, #tpu.memory_space<vmem>>
    %dma_start3A_137 = tpu.memref_squeeze %dma_start3A_136 : memref<1x128xi32, #tpu.memory_space<vmem>> -> memref<128xi32, #tpu.memory_space<vmem>>
    %dma_start3A_138 = arith.constant 0 : i32
    %dma_start3A_139 = tpu.memref_slice %arg5[%dma_start3A_138] : memref<100000xf32, #tpu.memory_space<hbm>> -> memref<100000xf32, #tpu.memory_space<hbm>>
    tpu.enqueue_indirect_dma source(%dma_start3A_139 : memref<100000xf32, #tpu.memory_space<hbm>>) target(%dma_start3A_134 : memref<128xf32, #tpu.memory_space<vmem>>) offsets(%dma_start3A_137 : memref<128xi32, #tpu.memory_space<vmem>>) semaphore(%arg21 : memref<!tpu.dma_semaphore, #tpu.memory_space<semaphore_mem>>)
    %dma_wait3A = arith.constant 0 : i32
    %dma_wait3A_140 = arith.constant 0 : i32
    %dma_wait3A_141 = arith.constant 0 : i32
    %dma_wait3A_142 = arith.constant 0 : i32
    %dma_wait3A_143 = tpu.memref_slice %arg13[%dma_wait3A_140, %dma_wait3A_141, %dma_wait3A_142] : memref<2x128x128xf32, #tpu.memory_space<vmem>> -> memref<1x128x128xf32, #tpu.memory_space<vmem>>
    %dma_wait3A_144 = tpu.memref_squeeze %dma_wait3A_143 : memref<1x128x128xf32, #tpu.memory_space<vmem>> -> memref<128x128xf32, #tpu.memory_space<vmem>>
    %dma_wait3A_145 = arith.constant 0 : i32
    %dma_wait3A_146 = tpu.memref_slice %arg11[%dma_wait3A, %dma_wait3A_145] : memref<2x128xi32, #tpu.memory_space<vmem>> -> memref<1x128xi32, #tpu.memory_space<vmem>>
    %dma_wait3A_147 = tpu.memref_squeeze %dma_wait3A_146 : memref<1x128xi32, #tpu.memory_space<vmem>> -> memref<128xi32, #tpu.memory_space<vmem>>
    %dma_wait3A_148 = arith.constant 0 : i32
    %dma_wait3A_149 = arith.constant 0 : i32
    %dma_wait3A_150 = tpu.memref_slice %arg8[%dma_wait3A_148, %dma_wait3A_149] : memref<100000x128xf32, #tpu.memory_space<hbm>> -> memref<100000x128xf32, #tpu.memory_space<hbm>>
    tpu.wait_indirect_dma semaphore(%arg20 : memref<!tpu.dma_semaphore, #tpu.memory_space<semaphore_mem>>) src(%dma_wait3A_150 : memref<100000x128xf32, #tpu.memory_space<hbm>>) dst(%dma_wait3A_144 : memref<128x128xf32, #tpu.memory_space<vmem>>)
    %dma_wait3A_151 = arith.constant 0 : i32
    %dma_wait3A_152 = arith.constant 0 : i32
    %dma_wait3A_153 = arith.constant 0 : i32
    %dma_wait3A_154 = arith.constant 0 : i32
    %dma_wait3A_155 = tpu.memref_slice %arg14[%dma_wait3A_152, %dma_wait3A_153, %dma_wait3A_154] : memref<2x128x128xf32, #tpu.memory_space<vmem>> -> memref<1x128x128xf32, #tpu.memory_space<vmem>>
    %dma_wait3A_156 = tpu.memref_squeeze %dma_wait3A_155 : memref<1x128x128xf32, #tpu.memory_space<vmem>> -> memref<128x128xf32, #tpu.memory_space<vmem>>
    %dma_wait3A_157 = arith.constant 0 : i32
    %dma_wait3A_158 = tpu.memref_slice %arg11[%dma_wait3A_151, %dma_wait3A_157] : memref<2x128xi32, #tpu.memory_space<vmem>> -> memref<1x128xi32, #tpu.memory_space<vmem>>
    %dma_wait3A_159 = tpu.memref_squeeze %dma_wait3A_158 : memref<1x128xi32, #tpu.memory_space<vmem>> -> memref<128xi32, #tpu.memory_space<vmem>>
    %dma_wait3A_160 = arith.constant 0 : i32
    %dma_wait3A_161 = arith.constant 0 : i32
    %dma_wait3A_162 = tpu.memref_slice %arg7[%dma_wait3A_160, %dma_wait3A_161] : memref<100000x128xf32, #tpu.memory_space<hbm>> -> memref<100000x128xf32, #tpu.memory_space<hbm>>
    tpu.wait_indirect_dma semaphore(%arg20 : memref<!tpu.dma_semaphore, #tpu.memory_space<semaphore_mem>>) src(%dma_wait3A_162 : memref<100000x128xf32, #tpu.memory_space<hbm>>) dst(%dma_wait3A_156 : memref<128x128xf32, #tpu.memory_space<vmem>>)
    %dma_wait3A_163 = arith.constant 0 : i32
    %dma_wait3A_164 = arith.constant 0 : i32
    %dma_wait3A_165 = arith.constant 0 : i32
    %dma_wait3A_166 = arith.constant 0 : i32
    %dma_wait3A_167 = tpu.memref_slice %arg15[%dma_wait3A_164, %dma_wait3A_165, %dma_wait3A_166] : memref<2x128x32xf32, #tpu.memory_space<vmem>> -> memref<1x128x32xf32, #tpu.memory_space<vmem>>
    %dma_wait3A_168 = tpu.memref_squeeze %dma_wait3A_167 : memref<1x128x32xf32, #tpu.memory_space<vmem>> -> memref<128x32xf32, #tpu.memory_space<vmem>>
    %dma_wait3A_169 = arith.constant 0 : i32
    %dma_wait3A_170 = tpu.memref_slice %arg12[%dma_wait3A_163, %dma_wait3A_169] : memref<2x128xi32, #tpu.memory_space<vmem>> -> memref<1x128xi32, #tpu.memory_space<vmem>>
    %dma_wait3A_171 = tpu.memref_squeeze %dma_wait3A_170 : memref<1x128xi32, #tpu.memory_space<vmem>> -> memref<128xi32, #tpu.memory_space<vmem>>
    %dma_wait3A_172 = arith.constant 0 : i32
    %dma_wait3A_173 = arith.constant 0 : i32
    %dma_wait3A_174 = tpu.memref_slice %arg3[%dma_wait3A_172, %dma_wait3A_173] : memref<100000x32xf32, #tpu.memory_space<hbm>> -> memref<100000x32xf32, #tpu.memory_space<hbm>>
    tpu.wait_indirect_dma semaphore(%arg20 : memref<!tpu.dma_semaphore, #tpu.memory_space<semaphore_mem>>) src(%dma_wait3A_174 : memref<100000x32xf32, #tpu.memory_space<hbm>>) dst(%dma_wait3A_168 : memref<128x32xf32, #tpu.memory_space<vmem>>)
    %dma_wait3A_175 = arith.constant 0 : i32
    %dma_wait3A_176 = arith.constant 0 : i32
    %dma_wait3A_177 = arith.constant 0 : i32
    %dma_wait3A_178 = tpu.memref_slice %arg16[%dma_wait3A_176, %dma_wait3A_177] : memref<2x128xf32, #tpu.memory_space<vmem>> -> memref<1x128xf32, #tpu.memory_space<vmem>>
    %dma_wait3A_179 = tpu.memref_squeeze %dma_wait3A_178 : memref<1x128xf32, #tpu.memory_space<vmem>> -> memref<128xf32, #tpu.memory_space<vmem>>
    %dma_wait3A_180 = arith.constant 0 : i32
    %dma_wait3A_181 = tpu.memref_slice %arg11[%dma_wait3A_175, %dma_wait3A_180] : memref<2x128xi32, #tpu.memory_space<vmem>> -> memref<1x128xi32, #tpu.memory_space<vmem>>
    %dma_wait3A_182 = tpu.memref_squeeze %dma_wait3A_181 : memref<1x128xi32, #tpu.memory_space<vmem>> -> memref<128xi32, #tpu.memory_space<vmem>>
    %dma_wait3A_183 = arith.constant 0 : i32
    %dma_wait3A_184 = tpu.memref_slice %arg4[%dma_wait3A_183] : memref<100000xf32, #tpu.memory_space<hbm>> -> memref<100000xf32, #tpu.memory_space<hbm>>
    tpu.wait_indirect_dma semaphore(%arg20 : memref<!tpu.dma_semaphore, #tpu.memory_space<semaphore_mem>>) src(%dma_wait3A_184 : memref<100000xf32, #tpu.memory_space<hbm>>) dst(%dma_wait3A_179 : memref<128xf32, #tpu.memory_space<vmem>>)
    %dma_wait3A_185 = arith.constant 0 : i32
    %dma_wait3A_186 = arith.constant 0 : i32
    %dma_wait3A_187 = arith.constant 0 : i32
    %dma_wait3A_188 = tpu.memref_slice %arg17[%dma_wait3A_186, %dma_wait3A_187] : memref<2x128xf32, #tpu.memory_space<vmem>> -> memref<1x128xf32, #tpu.memory_space<vmem>>
    %dma_wait3A_189 = tpu.memref_squeeze %dma_wait3A_188 : memref<1x128xf32, #tpu.memory_space<vmem>> -> memref<128xf32, #tpu.memory_space<vmem>>
    %dma_wait3A_190 = arith.constant 0 : i32
    %dma_wait3A_191 = tpu.memref_slice %arg12[%dma_wait3A_185, %dma_wait3A_190] : memref<2x128xi32, #tpu.memory_space<vmem>> -> memref<1x128xi32, #tpu.memory_space<vmem>>
    %dma_wait3A_192 = tpu.memref_squeeze %dma_wait3A_191 : memref<1x128xi32, #tpu.memory_space<vmem>> -> memref<128xi32, #tpu.memory_space<vmem>>
    %dma_wait3A_193 = arith.constant 0 : i32
    %dma_wait3A_194 = tpu.memref_slice %arg5[%dma_wait3A_193] : memref<100000xf32, #tpu.memory_space<hbm>> -> memref<100000xf32, #tpu.memory_space<hbm>>
    tpu.wait_indirect_dma semaphore(%arg20 : memref<!tpu.dma_semaphore, #tpu.memory_space<semaphore_mem>>) src(%dma_wait3A_194 : memref<100000xf32, #tpu.memory_space<hbm>>) dst(%dma_wait3A_189 : memref<128xf32, #tpu.memory_space<vmem>>)
    %add3A_195 = arith.constant 0 : i32
    %add3A_196 = arith.addi %mul3A_2, %add3A_195 : i32
    %broadcast_in_dim3A_197 = arith.constant 0 : i32
    %broadcast_in_dim3A_198 = vector.broadcast %broadcast_in_dim3A_197 : i32 to vector<16xi32>
    %scan3A_199 = arith.constant 0 : i32
    %scan3A_200 = arith.constant 0 : i32
    %scan3A_201 = arith.constant 8 : i32
    %scan3A_202 = arith.addi %scan3A_200, %scan3A_201 : i32
    %scan3A_203 = arith.constant 1 : i32
    %scan3A_204 = scf.for %scan3A_543 = %scan3A_200 to %scan3A_202 step %scan3A_203 iter_args(%scan3A_544 = %scan3A_199) -> (i32)  : i32 {
      %mul3A_545 = arith.constant 16 : i32
      %mul3A_546 = arith.muli %scan3A_543, %mul3A_545 : i32
      %add3A_547 = vector.broadcast %mul3A_546 : i32 to vector<16xi32>
      %add3A_548 = arith.addi %add3A_547, %iota3A : vector<16xi32>
      %broadcast_in_dim3A_549 = arith.constant 0.000000e+00 : f32
      %broadcast_in_dim3A_550 = vector.broadcast %broadcast_in_dim3A_549 : f32 to vector<16xf32>
      %parallel_loop3A = arith.constant 0 : i32
      %parallel_loop3A_551 = arith.constant 32 : i32
      %parallel_loop3A_552 = arith.constant 1 : i32
      %parallel_loop3A_553:8 = scf.for %parallel_loop3A_580 = %parallel_loop3A to %parallel_loop3A_551 step %parallel_loop3A_552 iter_args(%parallel_loop3A_581 = %broadcast_in_dim3A_550, %parallel_loop3A_582 = %broadcast_in_dim3A_550, %parallel_loop3A_583 = %broadcast_in_dim3A_550, %parallel_loop3A_584 = %broadcast_in_dim3A_550, %parallel_loop3A_585 = %broadcast_in_dim3A_550, %parallel_loop3A_586 = %broadcast_in_dim3A_550, %parallel_loop3A_587 = %broadcast_in_dim3A_550, %parallel_loop3A_588 = %broadcast_in_dim3A_550) -> (vector<16xf32>, vector<16xf32>, vector<16xf32>, vector<16xf32>, vector<16xf32>, vector<16xf32>, vector<16xf32>, vector<16xf32>)  : i32 {
        %parallel_loop3A_589 = vector.broadcast %parallel_loop3A_580 : i32 to vector<16xi32>
        %parallel_loop3A_590 = tpu.vector_load_idx %arg15[%broadcast_in_dim3A_198, %add3A_548, %parallel_loop3A_589] : memref<2x128x32xf32, #tpu.memory_space<vmem>>[vector<16xi32>, vector<16xi32>, vector<16xi32>], vector<16xf32>,
        %parallel_loop3A_591 = arith.constant 4 : i32
        %parallel_loop3A_592 = arith.muli %parallel_loop3A_591, %parallel_loop3A_580 : i32
        %parallel_loop3A_593 = vector.broadcast %parallel_loop3A_592 : i32 to vector<16xi32>
        %parallel_loop3A_594 = arith.constant 1 : i32
        %parallel_loop3A_595 = arith.addi %parallel_loop3A_592, %parallel_loop3A_594 : i32
        %parallel_loop3A_596 = vector.broadcast %parallel_loop3A_595 : i32 to vector<16xi32>
        %parallel_loop3A_597 = arith.constant 2 : i32
        %parallel_loop3A_598 = arith.addi %parallel_loop3A_592, %parallel_loop3A_597 : i32
        %parallel_loop3A_599 = vector.broadcast %parallel_loop3A_598 : i32 to vector<16xi32>
        %parallel_loop3A_600 = arith.constant 3 : i32
        %parallel_loop3A_601 = arith.addi %parallel_loop3A_592, %parallel_loop3A_600 : i32
        %parallel_loop3A_602 = vector.broadcast %parallel_loop3A_601 : i32 to vector<16xi32>
        %parallel_loop3A_603 = tpu.vector_load_idx %arg14[%broadcast_in_dim3A_198, %add3A_548, %parallel_loop3A_593] : memref<2x128x128xf32, #tpu.memory_space<vmem>>[vector<16xi32>, vector<16xi32>, vector<16xi32>], vector<16xf32>,
        %parallel_loop3A_604 = tpu.vector_load_idx %arg14[%broadcast_in_dim3A_198, %add3A_548, %parallel_loop3A_596] : memref<2x128x128xf32, #tpu.memory_space<vmem>>[vector<16xi32>, vector<16xi32>, vector<16xi32>], vector<16xf32>,
        %parallel_loop3A_605 = arith.addf %parallel_loop3A_603, %parallel_loop3A_604 : vector<16xf32>
        %parallel_loop3A_606 = tpu.vector_load_idx %arg14[%broadcast_in_dim3A_198, %add3A_548, %parallel_loop3A_599] : memref<2x128x128xf32, #tpu.memory_space<vmem>>[vector<16xi32>, vector<16xi32>, vector<16xi32>], vector<16xf32>,
        %parallel_loop3A_607 = arith.addf %parallel_loop3A_605, %parallel_loop3A_606 : vector<16xf32>
        %parallel_loop3A_608 = tpu.vector_load_idx %arg14[%broadcast_in_dim3A_198, %add3A_548, %parallel_loop3A_602] : memref<2x128x128xf32, #tpu.memory_space<vmem>>[vector<16xi32>, vector<16xi32>, vector<16xi32>], vector<16xf32>,
        %parallel_loop3A_609 = arith.addf %parallel_loop3A_607, %parallel_loop3A_608 : vector<16xf32>
        %parallel_loop3A_610 = arith.mulf %parallel_loop3A_590, %parallel_loop3A_609 : vector<16xf32>
        %parallel_loop3A_611 = tpu.vector_load_idx %arg13[%broadcast_in_dim3A_198, %add3A_548, %parallel_loop3A_593] : memref<2x128x128xf32, #tpu.memory_space<vmem>>[vector<16xi32>, vector<16xi32>, vector<16xi32>], vector<16xf32>,
        %parallel_loop3A_612 = arith.mulf %parallel_loop3A_611, %parallel_loop3A_590 : vector<16xf32>
        %parallel_loop3A_613 = math.exp %parallel_loop3A_612 : vector<16xf32>
        %parallel_loop3A_614 = tpu.vector_load_idx %arg13[%broadcast_in_dim3A_198, %add3A_548, %parallel_loop3A_596] : memref<2x128x128xf32, #tpu.memory_space<vmem>>[vector<16xi32>, vector<16xi32>, vector<16xi32>], vector<16xf32>,
        %parallel_loop3A_615 = arith.mulf %parallel_loop3A_614, %parallel_loop3A_590 : vector<16xf32>
        %parallel_loop3A_616 = math.exp %parallel_loop3A_615 : vector<16xf32>
        %parallel_loop3A_617 = tpu.vector_load_idx %arg13[%broadcast_in_dim3A_198, %add3A_548, %parallel_loop3A_599] : memref<2x128x128xf32, #tpu.memory_space<vmem>>[vector<16xi32>, vector<16xi32>, vector<16xi32>], vector<16xf32>,
        %parallel_loop3A_618 = arith.mulf %parallel_loop3A_617, %parallel_loop3A_590 : vector<16xf32>
        %parallel_loop3A_619 = math.exp %parallel_loop3A_618 : vector<16xf32>
        %parallel_loop3A_620 = tpu.vector_load_idx %arg13[%broadcast_in_dim3A_198, %add3A_548, %parallel_loop3A_602] : memref<2x128x128xf32, #tpu.memory_space<vmem>>[vector<16xi32>, vector<16xi32>, vector<16xi32>], vector<16xf32>,
        %parallel_loop3A_621 = arith.mulf %parallel_loop3A_620, %parallel_loop3A_590 : vector<16xf32>
        %parallel_loop3A_622 = math.exp %parallel_loop3A_621 : vector<16xf32>
        %parallel_loop3A_623 = arith.addf %parallel_loop3A_581, %parallel_loop3A_613 : vector<16xf32>
        %parallel_loop3A_624 = arith.addf %parallel_loop3A_582, %parallel_loop3A_616 : vector<16xf32>
        %parallel_loop3A_625 = arith.addf %parallel_loop3A_583, %parallel_loop3A_619 : vector<16xf32>
        %parallel_loop3A_626 = arith.addf %parallel_loop3A_584, %parallel_loop3A_622 : vector<16xf32>
        %parallel_loop3A_627 = arith.mulf %parallel_loop3A_610, %parallel_loop3A_613 : vector<16xf32>
        %parallel_loop3A_628 = arith.addf %parallel_loop3A_585, %parallel_loop3A_627 : vector<16xf32>
        %parallel_loop3A_629 = arith.mulf %parallel_loop3A_610, %parallel_loop3A_616 : vector<16xf32>
        %parallel_loop3A_630 = arith.addf %parallel_loop3A_586, %parallel_loop3A_629 : vector<16xf32>
        %parallel_loop3A_631 = arith.mulf %parallel_loop3A_610, %parallel_loop3A_619 : vector<16xf32>
        %parallel_loop3A_632 = arith.addf %parallel_loop3A_587, %parallel_loop3A_631 : vector<16xf32>
        %parallel_loop3A_633 = arith.mulf %parallel_loop3A_610, %parallel_loop3A_622 : vector<16xf32>
        %parallel_loop3A_634 = arith.addf %parallel_loop3A_588, %parallel_loop3A_633 : vector<16xf32>
        scf.yield %parallel_loop3A_623, %parallel_loop3A_624, %parallel_loop3A_625, %parallel_loop3A_626, %parallel_loop3A_628, %parallel_loop3A_630, %parallel_loop3A_632, %parallel_loop3A_634 : vector<16xf32>, vector<16xf32>, vector<16xf32>, vector<16xf32>, vector<16xf32>, vector<16xf32>, vector<16xf32>, vector<16xf32>
      } {sc.loop_unroll_factor = 4 : i64, sc.parallel_access}
      %div3A = arith.divf %parallel_loop3A_553#4, %parallel_loop3A_553#0 : vector<16xf32>
      %div3A_554 = arith.divf %parallel_loop3A_553#5, %parallel_loop3A_553#1 : vector<16xf32>
      %add3A_555 = arith.addf %div3A, %div3A_554 : vector<16xf32>
      %div3A_556 = arith.divf %parallel_loop3A_553#6, %parallel_loop3A_553#2 : vector<16xf32>
      %add3A_557 = arith.addf %add3A_555, %div3A_556 : vector<16xf32>
      %div3A_558 = arith.divf %parallel_loop3A_553#7, %parallel_loop3A_553#3 : vector<16xf32>
      %add3A_559 = arith.addf %add3A_557, %div3A_558 : vector<16xf32>
      %mul3A_560 = arith.constant 16 : i32
      %mul3A_561 = arith.muli %scan3A_543, %mul3A_560 : i32
      %get3A_562 = arith.constant 0 : i32
      %get3A_563 = arith.index_cast %get3A_562 : i32 to index
      %get3A_564 = arith.index_cast %mul3A_561 : i32 to index
      %get3A_565 = tpu.vector_load %arg16[%get3A_563, %get3A_564] {strides = array<i32>} : memref<2x128xf32, #tpu.memory_space<vmem>>, vector<16xf32>,
      %mul3A_566 = arith.constant 16 : i32
      %mul3A_567 = arith.muli %scan3A_543, %mul3A_566 : i32
      %get3A_568 = arith.constant 0 : i32
      %get3A_569 = arith.index_cast %get3A_568 : i32 to index
      %get3A_570 = arith.index_cast %mul3A_567 : i32 to index
      %get3A_571 = tpu.vector_load %arg17[%get3A_569, %get3A_570] {strides = array<i32>} : memref<2x128xf32, #tpu.memory_space<vmem>>, vector<16xf32>,
      %add3A_572 = vector.broadcast %squeeze3A : f32 to vector<16xf32>
      %add3A_573 = arith.addf %add3A_559, %add3A_572 : vector<16xf32>
      %add3A_574 = arith.addf %add3A_573, %get3A_565 : vector<16xf32>
      %add3A_575 = arith.addf %add3A_574, %get3A_571 : vector<16xf32>
      %mul3A_576 = arith.constant 16 : i32
      %mul3A_577 = arith.muli %scan3A_543, %mul3A_576 : i32
      %swap3A = arith.index_cast %mul3A_577 : i32 to index
      %swap3A_578 = tpu.vector_load %arg18[%swap3A] {strides = array<i32>} : memref<128xf32, #tpu.memory_space<vmem>>, vector<16xf32>,
      tpu.vector_store %arg18[%swap3A], %add3A_575 {strides = array<i32>} : memref<128xf32, #tpu.memory_space<vmem>>, vector<16xf32>,
      %scan3A_579 = arith.constant 0 : i32
      scf.yield %scan3A_579 : i32
    }
    %scan3A_205 = arith.constant 8 : i32
    "tpu.region"() ({
      %run_scoped3A_543 = tpu.sem_alloc : memref<!tpu.dma_semaphore, #tpu.memory_space<semaphore_mem>>
      %dma_start3A_544 = tpu.memref_slice %arg9[%add3A_196] : memref<16384xf32, #tpu.memory_space<hbm>> -> memref<128xf32, #tpu.memory_space<hbm>>
      %dma_start3A_545 = tpu.memref_slice %arg9[%add3A_196] : memref<16384xf32, #tpu.memory_space<hbm>> -> memref<128xf32, #tpu.memory_space<hbm>>
      tpu.enqueue_dma source(%arg18 : memref<128xf32, #tpu.memory_space<vmem>>) target(%dma_start3A_545 : memref<128xf32, #tpu.memory_space<hbm>>) target_semaphore(%run_scoped3A_543 : memref<!tpu.dma_semaphore, #tpu.memory_space<semaphore_mem>>)
      %dma_wait3A_546 = tpu.memref_slice %arg9[%add3A_196] : memref<16384xf32, #tpu.memory_space<hbm>> -> memref<128xf32, #tpu.memory_space<hbm>>
      %dma_wait3A_547 = tpu.memref_slice %arg9[%add3A_196] : memref<16384xf32, #tpu.memory_space<hbm>> -> memref<128xf32, #tpu.memory_space<hbm>>
      tpu.wait_dma2 semaphore(%run_scoped3A_543 : memref<!tpu.dma_semaphore, #tpu.memory_space<semaphore_mem>>) src(%arg18 : memref<128xf32, #tpu.memory_space<vmem>>) dst(%dma_wait3A_547 : memref<128xf32, #tpu.memory_space<hbm>>)
      tpu.yield
    }) : () -> ()
    %add3A_206 = arith.constant 256 : i32
    %add3A_207 = arith.addi %mul3A_2, %add3A_206 : i32
    %broadcast_in_dim3A_208 = arith.constant 0 : i32
    %broadcast_in_dim3A_209 = vector.broadcast %broadcast_in_dim3A_208 : i32 to vector<16xi32>
    %run_scoped3A_210 = arith.constant 0 : i32
    "tpu.region"() ({
      %run_scoped3A_543 = tpu.sem_alloc : memref<!tpu.dma_semaphore, #tpu.memory_space<semaphore_mem>>
      %dma_start3A_544 = arith.constant 0 : i32
      %dma_start3A_545 = arith.constant 0 : i32
      %dma_start3A_546 = tpu.memref_slice %arg10[%run_scoped3A_210, %dma_start3A_544, %dma_start3A_545] : memref<2x128x2xi32, #tpu.memory_space<vmem>> -> memref<1x128x2xi32, #tpu.memory_space<vmem>>
      %dma_start3A_547 = tpu.memref_squeeze %dma_start3A_546 : memref<1x128x2xi32, #tpu.memory_space<vmem>> -> memref<128x2xi32, #tpu.memory_space<vmem>>
      %dma_start3A_548 = arith.constant 0 : i32
      %dma_start3A_549 = tpu.memref_slice %arg2[%add3A_207, %dma_start3A_548] : memref<16384x2xi32, #tpu.memory_space<hbm>> -> memref<128x2xi32, #tpu.memory_space<hbm>>
      %dma_start3A_550 = arith.constant 0 : i32
      %dma_start3A_551 = arith.constant 0 : i32
      %dma_start3A_552 = tpu.memref_slice %arg10[%run_scoped3A_210, %dma_start3A_550, %dma_start3A_551] : memref<2x128x2xi32, #tpu.memory_space<vmem>> -> memref<1x128x2xi32, #tpu.memory_space<vmem>>
      %dma_start3A_553 = tpu.memref_squeeze %dma_start3A_552 : memref<1x128x2xi32, #tpu.memory_space<vmem>> -> memref<128x2xi32, #tpu.memory_space<vmem>>
      %dma_start3A_554 = arith.constant 0 : i32
      %dma_start3A_555 = tpu.memref_slice %arg2[%add3A_207, %dma_start3A_554] : memref<16384x2xi32, #tpu.memory_space<hbm>> -> memref<128x2xi32, #tpu.memory_space<hbm>>
      tpu.enqueue_dma source(%dma_start3A_555 : memref<128x2xi32, #tpu.memory_space<hbm>>) target(%dma_start3A_553 : memref<128x2xi32, #tpu.memory_space<vmem>>) target_semaphore(%run_scoped3A_543 : memref<!tpu.dma_semaphore, #tpu.memory_space<semaphore_mem>>)
      %dma_wait3A_556 = arith.constant 0 : i32
      %dma_wait3A_557 = arith.constant 0 : i32
      %dma_wait3A_558 = tpu.memref_slice %arg10[%run_scoped3A_210, %dma_wait3A_556, %dma_wait3A_557] : memref<2x128x2xi32, #tpu.memory_space<vmem>> -> memref<1x128x2xi32, #tpu.memory_space<vmem>>
      %dma_wait3A_559 = tpu.memref_squeeze %dma_wait3A_558 : memref<1x128x2xi32, #tpu.memory_space<vmem>> -> memref<128x2xi32, #tpu.memory_space<vmem>>
      %dma_wait3A_560 = arith.constant 0 : i32
      %dma_wait3A_561 = tpu.memref_slice %arg2[%add3A_207, %dma_wait3A_560] : memref<16384x2xi32, #tpu.memory_space<hbm>> -> memref<128x2xi32, #tpu.memory_space<hbm>>
      %dma_wait3A_562 = arith.constant 0 : i32
      %dma_wait3A_563 = arith.constant 0 : i32
      %dma_wait3A_564 = tpu.memref_slice %arg10[%run_scoped3A_210, %dma_wait3A_562, %dma_wait3A_563] : memref<2x128x2xi32, #tpu.memory_space<vmem>> -> memref<1x128x2xi32, #tpu.memory_space<vmem>>
      %dma_wait3A_565 = tpu.memref_squeeze %dma_wait3A_564 : memref<1x128x2xi32, #tpu.memory_space<vmem>> -> memref<128x2xi32, #tpu.memory_space<vmem>>
      %dma_wait3A_566 = arith.constant 0 : i32
      %dma_wait3A_567 = tpu.memref_slice %arg2[%add3A_207, %dma_wait3A_566] : memref<16384x2xi32, #tpu.memory_space<hbm>> -> memref<128x2xi32, #tpu.memory_space<hbm>>
      tpu.wait_dma2 semaphore(%run_scoped3A_543 : memref<!tpu.dma_semaphore, #tpu.memory_space<semaphore_mem>>) src(%dma_wait3A_567 : memref<128x2xi32, #tpu.memory_space<hbm>>) dst(%dma_wait3A_565 : memref<128x2xi32, #tpu.memory_space<vmem>>)
      tpu.yield
    }) : () -> ()
    %scan3A_211 = arith.constant 0 : i32
    %scan3A_212 = arith.constant 0 : i32
    %scan3A_213 = arith.constant 8 : i32
    %scan3A_214 = arith.addi %scan3A_212, %scan3A_213 : i32
    %scan3A_215 = arith.constant 1 : i32
    %scan3A_216 = scf.for %scan3A_543 = %scan3A_212 to %scan3A_214 step %scan3A_215 iter_args(%scan3A_544 = %scan3A_211) -> (i32)  : i32 {
      %mul3A_545 = arith.constant 16 : i32
      %mul3A_546 = arith.muli %scan3A_543, %mul3A_545 : i32
      %add3A_547 = vector.broadcast %mul3A_546 : i32 to vector<16xi32>
      %add3A_548 = arith.addi %add3A_547, %iota3A : vector<16xi32>
      %gather3A = tpu.vector_load_idx %arg10[%broadcast_in_dim3A_209, %add3A_548, %broadcast_in_dim3A_4] : memref<2x128x2xi32, #tpu.memory_space<vmem>>[vector<16xi32>, vector<16xi32>, vector<16xi32>], vector<16xi32>,
      %mul3A_549 = arith.constant 16 : i32
      %mul3A_550 = arith.muli %scan3A_543, %mul3A_549 : i32
      %swap3A = arith.constant 0 : i32
      %swap3A_551 = arith.index_cast %swap3A : i32 to index
      %swap3A_552 = arith.index_cast %mul3A_550 : i32 to index
      %swap3A_553 = tpu.vector_load %arg11[%swap3A_551, %swap3A_552] {strides = array<i32>} : memref<2x128xi32, #tpu.memory_space<vmem>>, vector<16xi32>,
      tpu.vector_store %arg11[%swap3A_551, %swap3A_552], %gather3A {strides = array<i32>} : memref<2x128xi32, #tpu.memory_space<vmem>>, vector<16xi32>,
      %gather3A_554 = tpu.vector_load_idx %arg10[%broadcast_in_dim3A_209, %add3A_548, %broadcast_in_dim3A_6] : memref<2x128x2xi32, #tpu.memory_space<vmem>>[vector<16xi32>, vector<16xi32>, vector<16xi32>], vector<16xi32>,
      %mul3A_555 = arith.constant 16 : i32
      %mul3A_556 = arith.muli %scan3A_543, %mul3A_555 : i32
      %swap3A_557 = arith.constant 0 : i32
      %swap3A_558 = arith.index_cast %swap3A_557 : i32 to index
      %swap3A_559 = arith.index_cast %mul3A_556 : i32 to index
      %swap3A_560 = tpu.vector_load %arg12[%swap3A_558, %swap3A_559] {strides = array<i32>} : memref<2x128xi32, #tpu.memory_space<vmem>>, vector<16xi32>,
      tpu.vector_store %arg12[%swap3A_558, %swap3A_559], %gather3A_554 {strides = array<i32>} : memref<2x128xi32, #tpu.memory_space<vmem>>, vector<16xi32>,
      %scan3A_561 = arith.constant 0 : i32
      scf.yield %scan3A_561 : i32
    }
    %scan3A_217 = arith.constant 8 : i32
    %dma_start3A_218 = arith.constant 0 : i32
    %dma_start3A_219 = arith.constant 0 : i32
    %dma_start3A_220 = arith.constant 0 : i32
    %dma_start3A_221 = arith.constant 0 : i32
    %dma_start3A_222 = tpu.memref_slice %arg13[%dma_start3A_219, %dma_start3A_220, %dma_start3A_221] : memref<2x128x128xf32, #tpu.memory_space<vmem>> -> memref<1x128x128xf32, #tpu.memory_space<vmem>>
    %dma_start3A_223 = tpu.memref_squeeze %dma_start3A_222 : memref<1x128x128xf32, #tpu.memory_space<vmem>> -> memref<128x128xf32, #tpu.memory_space<vmem>>
    %dma_start3A_224 = arith.constant 0 : i32
    %dma_start3A_225 = tpu.memref_slice %arg11[%dma_start3A_218, %dma_start3A_224] : memref<2x128xi32, #tpu.memory_space<vmem>> -> memref<1x128xi32, #tpu.memory_space<vmem>>
    %dma_start3A_226 = tpu.memref_squeeze %dma_start3A_225 : memref<1x128xi32, #tpu.memory_space<vmem>> -> memref<128xi32, #tpu.memory_space<vmem>>
    %dma_start3A_227 = arith.constant 0 : i32
    %dma_start3A_228 = arith.constant 0 : i32
    %dma_start3A_229 = tpu.memref_slice %arg8[%dma_start3A_227, %dma_start3A_228] : memref<100000x128xf32, #tpu.memory_space<hbm>> -> memref<100000x128xf32, #tpu.memory_space<hbm>>
    tpu.enqueue_indirect_dma source(%dma_start3A_229 : memref<100000x128xf32, #tpu.memory_space<hbm>>) target(%dma_start3A_223 : memref<128x128xf32, #tpu.memory_space<vmem>>) offsets(%dma_start3A_226 : memref<128xi32, #tpu.memory_space<vmem>>) semaphore(%arg20 : memref<!tpu.dma_semaphore, #tpu.memory_space<semaphore_mem>>)
    %dma_start3A_230 = arith.constant 0 : i32
    %dma_start3A_231 = arith.constant 0 : i32
    %dma_start3A_232 = arith.constant 0 : i32
    %dma_start3A_233 = arith.constant 0 : i32
    %dma_start3A_234 = tpu.memref_slice %arg14[%dma_start3A_231, %dma_start3A_232, %dma_start3A_233] : memref<2x128x128xf32, #tpu.memory_space<vmem>> -> memref<1x128x128xf32, #tpu.memory_space<vmem>>
    %dma_start3A_235 = tpu.memref_squeeze %dma_start3A_234 : memref<1x128x128xf32, #tpu.memory_space<vmem>> -> memref<128x128xf32, #tpu.memory_space<vmem>>
    %dma_start3A_236 = arith.constant 0 : i32
    %dma_start3A_237 = tpu.memref_slice %arg11[%dma_start3A_230, %dma_start3A_236] : memref<2x128xi32, #tpu.memory_space<vmem>> -> memref<1x128xi32, #tpu.memory_space<vmem>>
    %dma_start3A_238 = tpu.memref_squeeze %dma_start3A_237 : memref<1x128xi32, #tpu.memory_space<vmem>> -> memref<128xi32, #tpu.memory_space<vmem>>
    %dma_start3A_239 = arith.constant 0 : i32
    %dma_start3A_240 = arith.constant 0 : i32
    %dma_start3A_241 = tpu.memref_slice %arg7[%dma_start3A_239, %dma_start3A_240] : memref<100000x128xf32, #tpu.memory_space<hbm>> -> memref<100000x128xf32, #tpu.memory_space<hbm>>
    tpu.enqueue_indirect_dma source(%dma_start3A_241 : memref<100000x128xf32, #tpu.memory_space<hbm>>) target(%dma_start3A_235 : memref<128x128xf32, #tpu.memory_space<vmem>>) offsets(%dma_start3A_238 : memref<128xi32, #tpu.memory_space<vmem>>) semaphore(%arg20 : memref<!tpu.dma_semaphore, #tpu.memory_space<semaphore_mem>>)
    %dma_start3A_242 = arith.constant 0 : i32
    %dma_start3A_243 = arith.constant 0 : i32
    %dma_start3A_244 = arith.constant 0 : i32
    %dma_start3A_245 = arith.constant 0 : i32
    %dma_start3A_246 = tpu.memref_slice %arg15[%dma_start3A_243, %dma_start3A_244, %dma_start3A_245] : memref<2x128x32xf32, #tpu.memory_space<vmem>> -> memref<1x128x32xf32, #tpu.memory_space<vmem>>
    %dma_start3A_247 = tpu.memref_squeeze %dma_start3A_246 : memref<1x128x32xf32, #tpu.memory_space<vmem>> -> memref<128x32xf32, #tpu.memory_space<vmem>>
    %dma_start3A_248 = arith.constant 0 : i32
    %dma_start3A_249 = tpu.memref_slice %arg12[%dma_start3A_242, %dma_start3A_248] : memref<2x128xi32, #tpu.memory_space<vmem>> -> memref<1x128xi32, #tpu.memory_space<vmem>>
    %dma_start3A_250 = tpu.memref_squeeze %dma_start3A_249 : memref<1x128xi32, #tpu.memory_space<vmem>> -> memref<128xi32, #tpu.memory_space<vmem>>
    %dma_start3A_251 = arith.constant 0 : i32
    %dma_start3A_252 = arith.constant 0 : i32
    %dma_start3A_253 = tpu.memref_slice %arg3[%dma_start3A_251, %dma_start3A_252] : memref<100000x32xf32, #tpu.memory_space<hbm>> -> memref<100000x32xf32, #tpu.memory_space<hbm>>
    tpu.enqueue_indirect_dma source(%dma_start3A_253 : memref<100000x32xf32, #tpu.memory_space<hbm>>) target(%dma_start3A_247 : memref<128x32xf32, #tpu.memory_space<vmem>>) offsets(%dma_start3A_250 : memref<128xi32, #tpu.memory_space<vmem>>) semaphore(%arg20 : memref<!tpu.dma_semaphore, #tpu.memory_space<semaphore_mem>>)
    %dma_start3A_254 = arith.constant 0 : i32
    %dma_start3A_255 = arith.constant 0 : i32
    %dma_start3A_256 = arith.constant 0 : i32
    %dma_start3A_257 = tpu.memref_slice %arg16[%dma_start3A_255, %dma_start3A_256] : memref<2x128xf32, #tpu.memory_space<vmem>> -> memref<1x128xf32, #tpu.memory_space<vmem>>
    %dma_start3A_258 = tpu.memref_squeeze %dma_start3A_257 : memref<1x128xf32, #tpu.memory_space<vmem>> -> memref<128xf32, #tpu.memory_space<vmem>>
    %dma_start3A_259 = arith.constant 0 : i32
    %dma_start3A_260 = tpu.memref_slice %arg11[%dma_start3A_254, %dma_start3A_259] : memref<2x128xi32, #tpu.memory_space<vmem>> -> memref<1x128xi32, #tpu.memory_space<vmem>>
    %dma_start3A_261 = tpu.memref_squeeze %dma_start3A_260 : memref<1x128xi32, #tpu.memory_space<vmem>> -> memref<128xi32, #tpu.memory_space<vmem>>
    %dma_start3A_262 = arith.constant 0 : i32
    %dma_start3A_263 = tpu.memref_slice %arg4[%dma_start3A_262] : memref<100000xf32, #tpu.memory_space<hbm>> -> memref<100000xf32, #tpu.memory_space<hbm>>
    tpu.enqueue_indirect_dma source(%dma_start3A_263 : memref<100000xf32, #tpu.memory_space<hbm>>) target(%dma_start3A_258 : memref<128xf32, #tpu.memory_space<vmem>>) offsets(%dma_start3A_261 : memref<128xi32, #tpu.memory_space<vmem>>) semaphore(%arg20 : memref<!tpu.dma_semaphore, #tpu.memory_space<semaphore_mem>>)
    %dma_start3A_264 = arith.constant 0 : i32
    %dma_start3A_265 = arith.constant 0 : i32
    %dma_start3A_266 = arith.constant 0 : i32
    %dma_start3A_267 = tpu.memref_slice %arg17[%dma_start3A_265, %dma_start3A_266] : memref<2x128xf32, #tpu.memory_space<vmem>> -> memref<1x128xf32, #tpu.memory_space<vmem>>
    %dma_start3A_268 = tpu.memref_squeeze %dma_start3A_267 : memref<1x128xf32, #tpu.memory_space<vmem>> -> memref<128xf32, #tpu.memory_space<vmem>>
    %dma_start3A_269 = arith.constant 0 : i32
    %dma_start3A_270 = tpu.memref_slice %arg12[%dma_start3A_264, %dma_start3A_269] : memref<2x128xi32, #tpu.memory_space<vmem>> -> memref<1x128xi32, #tpu.memory_space<vmem>>
    %dma_start3A_271 = tpu.memref_squeeze %dma_start3A_270 : memref<1x128xi32, #tpu.memory_space<vmem>> -> memref<128xi32, #tpu.memory_space<vmem>>
    %dma_start3A_272 = arith.constant 0 : i32
    %dma_start3A_273 = tpu.memref_slice %arg5[%dma_start3A_272] : memref<100000xf32, #tpu.memory_space<hbm>> -> memref<100000xf32, #tpu.memory_space<hbm>>
    tpu.enqueue_indirect_dma source(%dma_start3A_273 : memref<100000xf32, #tpu.memory_space<hbm>>) target(%dma_start3A_268 : memref<128xf32, #tpu.memory_space<vmem>>) offsets(%dma_start3A_271 : memref<128xi32, #tpu.memory_space<vmem>>) semaphore(%arg20 : memref<!tpu.dma_semaphore, #tpu.memory_space<semaphore_mem>>)
    %dma_wait3A_274 = arith.constant 1 : i32
    %dma_wait3A_275 = arith.constant 1 : i32
    %dma_wait3A_276 = arith.constant 0 : i32
    %dma_wait3A_277 = arith.constant 0 : i32
    %dma_wait3A_278 = tpu.memref_slice %arg13[%dma_wait3A_275, %dma_wait3A_276, %dma_wait3A_277] : memref<2x128x128xf32, #tpu.memory_space<vmem>> -> memref<1x128x128xf32, #tpu.memory_space<vmem>>
    %dma_wait3A_279 = tpu.memref_squeeze %dma_wait3A_278 : memref<1x128x128xf32, #tpu.memory_space<vmem>> -> memref<128x128xf32, #tpu.memory_space<vmem>>
    %dma_wait3A_280 = arith.constant 0 : i32
    %dma_wait3A_281 = tpu.memref_slice %arg11[%dma_wait3A_274, %dma_wait3A_280] : memref<2x128xi32, #tpu.memory_space<vmem>> -> memref<1x128xi32, #tpu.memory_space<vmem>>
    %dma_wait3A_282 = tpu.memref_squeeze %dma_wait3A_281 : memref<1x128xi32, #tpu.memory_space<vmem>> -> memref<128xi32, #tpu.memory_space<vmem>>
    %dma_wait3A_283 = arith.constant 0 : i32
    %dma_wait3A_284 = arith.constant 0 : i32
    %dma_wait3A_285 = tpu.memref_slice %arg8[%dma_wait3A_283, %dma_wait3A_284] : memref<100000x128xf32, #tpu.memory_space<hbm>> -> memref<100000x128xf32, #tpu.memory_space<hbm>>
    tpu.wait_indirect_dma semaphore(%arg21 : memref<!tpu.dma_semaphore, #tpu.memory_space<semaphore_mem>>) src(%dma_wait3A_285 : memref<100000x128xf32, #tpu.memory_space<hbm>>) dst(%dma_wait3A_279 : memref<128x128xf32, #tpu.memory_space<vmem>>)
    %dma_wait3A_286 = arith.constant 1 : i32
    %dma_wait3A_287 = arith.constant 1 : i32
    %dma_wait3A_288 = arith.constant 0 : i32
    %dma_wait3A_289 = arith.constant 0 : i32
    %dma_wait3A_290 = tpu.memref_slice %arg14[%dma_wait3A_287, %dma_wait3A_288, %dma_wait3A_289] : memref<2x128x128xf32, #tpu.memory_space<vmem>> -> memref<1x128x128xf32, #tpu.memory_space<vmem>>
    %dma_wait3A_291 = tpu.memref_squeeze %dma_wait3A_290 : memref<1x128x128xf32, #tpu.memory_space<vmem>> -> memref<128x128xf32, #tpu.memory_space<vmem>>
    %dma_wait3A_292 = arith.constant 0 : i32
    %dma_wait3A_293 = tpu.memref_slice %arg11[%dma_wait3A_286, %dma_wait3A_292] : memref<2x128xi32, #tpu.memory_space<vmem>> -> memref<1x128xi32, #tpu.memory_space<vmem>>
    %dma_wait3A_294 = tpu.memref_squeeze %dma_wait3A_293 : memref<1x128xi32, #tpu.memory_space<vmem>> -> memref<128xi32, #tpu.memory_space<vmem>>
    %dma_wait3A_295 = arith.constant 0 : i32
    %dma_wait3A_296 = arith.constant 0 : i32
    %dma_wait3A_297 = tpu.memref_slice %arg7[%dma_wait3A_295, %dma_wait3A_296] : memref<100000x128xf32, #tpu.memory_space<hbm>> -> memref<100000x128xf32, #tpu.memory_space<hbm>>
    tpu.wait_indirect_dma semaphore(%arg21 : memref<!tpu.dma_semaphore, #tpu.memory_space<semaphore_mem>>) src(%dma_wait3A_297 : memref<100000x128xf32, #tpu.memory_space<hbm>>) dst(%dma_wait3A_291 : memref<128x128xf32, #tpu.memory_space<vmem>>)
    %dma_wait3A_298 = arith.constant 1 : i32
    %dma_wait3A_299 = arith.constant 1 : i32
    %dma_wait3A_300 = arith.constant 0 : i32
    %dma_wait3A_301 = arith.constant 0 : i32
    %dma_wait3A_302 = tpu.memref_slice %arg15[%dma_wait3A_299, %dma_wait3A_300, %dma_wait3A_301] : memref<2x128x32xf32, #tpu.memory_space<vmem>> -> memref<1x128x32xf32, #tpu.memory_space<vmem>>
    %dma_wait3A_303 = tpu.memref_squeeze %dma_wait3A_302 : memref<1x128x32xf32, #tpu.memory_space<vmem>> -> memref<128x32xf32, #tpu.memory_space<vmem>>
    %dma_wait3A_304 = arith.constant 0 : i32
    %dma_wait3A_305 = tpu.memref_slice %arg12[%dma_wait3A_298, %dma_wait3A_304] : memref<2x128xi32, #tpu.memory_space<vmem>> -> memref<1x128xi32, #tpu.memory_space<vmem>>
    %dma_wait3A_306 = tpu.memref_squeeze %dma_wait3A_305 : memref<1x128xi32, #tpu.memory_space<vmem>> -> memref<128xi32, #tpu.memory_space<vmem>>
    %dma_wait3A_307 = arith.constant 0 : i32
    %dma_wait3A_308 = arith.constant 0 : i32
    %dma_wait3A_309 = tpu.memref_slice %arg3[%dma_wait3A_307, %dma_wait3A_308] : memref<100000x32xf32, #tpu.memory_space<hbm>> -> memref<100000x32xf32, #tpu.memory_space<hbm>>
    tpu.wait_indirect_dma semaphore(%arg21 : memref<!tpu.dma_semaphore, #tpu.memory_space<semaphore_mem>>) src(%dma_wait3A_309 : memref<100000x32xf32, #tpu.memory_space<hbm>>) dst(%dma_wait3A_303 : memref<128x32xf32, #tpu.memory_space<vmem>>)
    %dma_wait3A_310 = arith.constant 1 : i32
    %dma_wait3A_311 = arith.constant 1 : i32
    %dma_wait3A_312 = arith.constant 0 : i32
    %dma_wait3A_313 = tpu.memref_slice %arg16[%dma_wait3A_311, %dma_wait3A_312] : memref<2x128xf32, #tpu.memory_space<vmem>> -> memref<1x128xf32, #tpu.memory_space<vmem>>
    %dma_wait3A_314 = tpu.memref_squeeze %dma_wait3A_313 : memref<1x128xf32, #tpu.memory_space<vmem>> -> memref<128xf32, #tpu.memory_space<vmem>>
    %dma_wait3A_315 = arith.constant 0 : i32
    %dma_wait3A_316 = tpu.memref_slice %arg11[%dma_wait3A_310, %dma_wait3A_315] : memref<2x128xi32, #tpu.memory_space<vmem>> -> memref<1x128xi32, #tpu.memory_space<vmem>>
    %dma_wait3A_317 = tpu.memref_squeeze %dma_wait3A_316 : memref<1x128xi32, #tpu.memory_space<vmem>> -> memref<128xi32, #tpu.memory_space<vmem>>
    %dma_wait3A_318 = arith.constant 0 : i32
    %dma_wait3A_319 = tpu.memref_slice %arg4[%dma_wait3A_318] : memref<100000xf32, #tpu.memory_space<hbm>> -> memref<100000xf32, #tpu.memory_space<hbm>>
    tpu.wait_indirect_dma semaphore(%arg21 : memref<!tpu.dma_semaphore, #tpu.memory_space<semaphore_mem>>) src(%dma_wait3A_319 : memref<100000xf32, #tpu.memory_space<hbm>>) dst(%dma_wait3A_314 : memref<128xf32, #tpu.memory_space<vmem>>)
    %dma_wait3A_320 = arith.constant 1 : i32
    %dma_wait3A_321 = arith.constant 1 : i32
    %dma_wait3A_322 = arith.constant 0 : i32
    %dma_wait3A_323 = tpu.memref_slice %arg17[%dma_wait3A_321, %dma_wait3A_322] : memref<2x128xf32, #tpu.memory_space<vmem>> -> memref<1x128xf32, #tpu.memory_space<vmem>>
    %dma_wait3A_324 = tpu.memref_squeeze %dma_wait3A_323 : memref<1x128xf32, #tpu.memory_space<vmem>> -> memref<128xf32, #tpu.memory_space<vmem>>
    %dma_wait3A_325 = arith.constant 0 : i32
    %dma_wait3A_326 = tpu.memref_slice %arg12[%dma_wait3A_320, %dma_wait3A_325] : memref<2x128xi32, #tpu.memory_space<vmem>> -> memref<1x128xi32, #tpu.memory_space<vmem>>
    %dma_wait3A_327 = tpu.memref_squeeze %dma_wait3A_326 : memref<1x128xi32, #tpu.memory_space<vmem>> -> memref<128xi32, #tpu.memory_space<vmem>>
    %dma_wait3A_328 = arith.constant 0 : i32
    %dma_wait3A_329 = tpu.memref_slice %arg5[%dma_wait3A_328] : memref<100000xf32, #tpu.memory_space<hbm>> -> memref<100000xf32, #tpu.memory_space<hbm>>
    tpu.wait_indirect_dma semaphore(%arg21 : memref<!tpu.dma_semaphore, #tpu.memory_space<semaphore_mem>>) src(%dma_wait3A_329 : memref<100000xf32, #tpu.memory_space<hbm>>) dst(%dma_wait3A_324 : memref<128xf32, #tpu.memory_space<vmem>>)
    %add3A_330 = arith.constant 128 : i32
    %add3A_331 = arith.addi %mul3A_2, %add3A_330 : i32
    %broadcast_in_dim3A_332 = arith.constant 1 : i32
    %broadcast_in_dim3A_333 = vector.broadcast %broadcast_in_dim3A_332 : i32 to vector<16xi32>
    %scan3A_334 = arith.constant 0 : i32
    %scan3A_335 = arith.constant 0 : i32
    %scan3A_336 = arith.constant 8 : i32
    %scan3A_337 = arith.addi %scan3A_335, %scan3A_336 : i32
    %scan3A_338 = arith.constant 1 : i32
    %scan3A_339 = scf.for %scan3A_543 = %scan3A_335 to %scan3A_337 step %scan3A_338 iter_args(%scan3A_544 = %scan3A_334) -> (i32)  : i32 {
      %mul3A_545 = arith.constant 16 : i32
      %mul3A_546 = arith.muli %scan3A_543, %mul3A_545 : i32
      %add3A_547 = vector.broadcast %mul3A_546 : i32 to vector<16xi32>
      %add3A_548 = arith.addi %add3A_547, %iota3A : vector<16xi32>
      %broadcast_in_dim3A_549 = arith.constant 0.000000e+00 : f32
      %broadcast_in_dim3A_550 = vector.broadcast %broadcast_in_dim3A_549 : f32 to vector<16xf32>
      %parallel_loop3A = arith.constant 0 : i32
      %parallel_loop3A_551 = arith.constant 32 : i32
      %parallel_loop3A_552 = arith.constant 1 : i32
      %parallel_loop3A_553:8 = scf.for %parallel_loop3A_580 = %parallel_loop3A to %parallel_loop3A_551 step %parallel_loop3A_552 iter_args(%parallel_loop3A_581 = %broadcast_in_dim3A_550, %parallel_loop3A_582 = %broadcast_in_dim3A_550, %parallel_loop3A_583 = %broadcast_in_dim3A_550, %parallel_loop3A_584 = %broadcast_in_dim3A_550, %parallel_loop3A_585 = %broadcast_in_dim3A_550, %parallel_loop3A_586 = %broadcast_in_dim3A_550, %parallel_loop3A_587 = %broadcast_in_dim3A_550, %parallel_loop3A_588 = %broadcast_in_dim3A_550) -> (vector<16xf32>, vector<16xf32>, vector<16xf32>, vector<16xf32>, vector<16xf32>, vector<16xf32>, vector<16xf32>, vector<16xf32>)  : i32 {
        %parallel_loop3A_589 = vector.broadcast %parallel_loop3A_580 : i32 to vector<16xi32>
        %parallel_loop3A_590 = tpu.vector_load_idx %arg15[%broadcast_in_dim3A_333, %add3A_548, %parallel_loop3A_589] : memref<2x128x32xf32, #tpu.memory_space<vmem>>[vector<16xi32>, vector<16xi32>, vector<16xi32>], vector<16xf32>,
        %parallel_loop3A_591 = arith.constant 4 : i32
        %parallel_loop3A_592 = arith.muli %parallel_loop3A_591, %parallel_loop3A_580 : i32
        %parallel_loop3A_593 = vector.broadcast %parallel_loop3A_592 : i32 to vector<16xi32>
        %parallel_loop3A_594 = arith.constant 1 : i32
        %parallel_loop3A_595 = arith.addi %parallel_loop3A_592, %parallel_loop3A_594 : i32
        %parallel_loop3A_596 = vector.broadcast %parallel_loop3A_595 : i32 to vector<16xi32>
        %parallel_loop3A_597 = arith.constant 2 : i32
        %parallel_loop3A_598 = arith.addi %parallel_loop3A_592, %parallel_loop3A_597 : i32
        %parallel_loop3A_599 = vector.broadcast %parallel_loop3A_598 : i32 to vector<16xi32>
        %parallel_loop3A_600 = arith.constant 3 : i32
        %parallel_loop3A_601 = arith.addi %parallel_loop3A_592, %parallel_loop3A_600 : i32
        %parallel_loop3A_602 = vector.broadcast %parallel_loop3A_601 : i32 to vector<16xi32>
        %parallel_loop3A_603 = tpu.vector_load_idx %arg14[%broadcast_in_dim3A_333, %add3A_548, %parallel_loop3A_593] : memref<2x128x128xf32, #tpu.memory_space<vmem>>[vector<16xi32>, vector<16xi32>, vector<16xi32>], vector<16xf32>,
        %parallel_loop3A_604 = tpu.vector_load_idx %arg14[%broadcast_in_dim3A_333, %add3A_548, %parallel_loop3A_596] : memref<2x128x128xf32, #tpu.memory_space<vmem>>[vector<16xi32>, vector<16xi32>, vector<16xi32>], vector<16xf32>,
        %parallel_loop3A_605 = arith.addf %parallel_loop3A_603, %parallel_loop3A_604 : vector<16xf32>
        %parallel_loop3A_606 = tpu.vector_load_idx %arg14[%broadcast_in_dim3A_333, %add3A_548, %parallel_loop3A_599] : memref<2x128x128xf32, #tpu.memory_space<vmem>>[vector<16xi32>, vector<16xi32>, vector<16xi32>], vector<16xf32>,
        %parallel_loop3A_607 = arith.addf %parallel_loop3A_605, %parallel_loop3A_606 : vector<16xf32>
        %parallel_loop3A_608 = tpu.vector_load_idx %arg14[%broadcast_in_dim3A_333, %add3A_548, %parallel_loop3A_602] : memref<2x128x128xf32, #tpu.memory_space<vmem>>[vector<16xi32>, vector<16xi32>, vector<16xi32>], vector<16xf32>,
        %parallel_loop3A_609 = arith.addf %parallel_loop3A_607, %parallel_loop3A_608 : vector<16xf32>
        %parallel_loop3A_610 = arith.mulf %parallel_loop3A_590, %parallel_loop3A_609 : vector<16xf32>
        %parallel_loop3A_611 = tpu.vector_load_idx %arg13[%broadcast_in_dim3A_333, %add3A_548, %parallel_loop3A_593] : memref<2x128x128xf32, #tpu.memory_space<vmem>>[vector<16xi32>, vector<16xi32>, vector<16xi32>], vector<16xf32>,
        %parallel_loop3A_612 = arith.mulf %parallel_loop3A_611, %parallel_loop3A_590 : vector<16xf32>
        %parallel_loop3A_613 = math.exp %parallel_loop3A_612 : vector<16xf32>
        %parallel_loop3A_614 = tpu.vector_load_idx %arg13[%broadcast_in_dim3A_333, %add3A_548, %parallel_loop3A_596] : memref<2x128x128xf32, #tpu.memory_space<vmem>>[vector<16xi32>, vector<16xi32>, vector<16xi32>], vector<16xf32>,
        %parallel_loop3A_615 = arith.mulf %parallel_loop3A_614, %parallel_loop3A_590 : vector<16xf32>
        %parallel_loop3A_616 = math.exp %parallel_loop3A_615 : vector<16xf32>
        %parallel_loop3A_617 = tpu.vector_load_idx %arg13[%broadcast_in_dim3A_333, %add3A_548, %parallel_loop3A_599] : memref<2x128x128xf32, #tpu.memory_space<vmem>>[vector<16xi32>, vector<16xi32>, vector<16xi32>], vector<16xf32>,
        %parallel_loop3A_618 = arith.mulf %parallel_loop3A_617, %parallel_loop3A_590 : vector<16xf32>
        %parallel_loop3A_619 = math.exp %parallel_loop3A_618 : vector<16xf32>
        %parallel_loop3A_620 = tpu.vector_load_idx %arg13[%broadcast_in_dim3A_333, %add3A_548, %parallel_loop3A_602] : memref<2x128x128xf32, #tpu.memory_space<vmem>>[vector<16xi32>, vector<16xi32>, vector<16xi32>], vector<16xf32>,
        %parallel_loop3A_621 = arith.mulf %parallel_loop3A_620, %parallel_loop3A_590 : vector<16xf32>
        %parallel_loop3A_622 = math.exp %parallel_loop3A_621 : vector<16xf32>
        %parallel_loop3A_623 = arith.addf %parallel_loop3A_581, %parallel_loop3A_613 : vector<16xf32>
        %parallel_loop3A_624 = arith.addf %parallel_loop3A_582, %parallel_loop3A_616 : vector<16xf32>
        %parallel_loop3A_625 = arith.addf %parallel_loop3A_583, %parallel_loop3A_619 : vector<16xf32>
        %parallel_loop3A_626 = arith.addf %parallel_loop3A_584, %parallel_loop3A_622 : vector<16xf32>
        %parallel_loop3A_627 = arith.mulf %parallel_loop3A_610, %parallel_loop3A_613 : vector<16xf32>
        %parallel_loop3A_628 = arith.addf %parallel_loop3A_585, %parallel_loop3A_627 : vector<16xf32>
        %parallel_loop3A_629 = arith.mulf %parallel_loop3A_610, %parallel_loop3A_616 : vector<16xf32>
        %parallel_loop3A_630 = arith.addf %parallel_loop3A_586, %parallel_loop3A_629 : vector<16xf32>
        %parallel_loop3A_631 = arith.mulf %parallel_loop3A_610, %parallel_loop3A_619 : vector<16xf32>
        %parallel_loop3A_632 = arith.addf %parallel_loop3A_587, %parallel_loop3A_631 : vector<16xf32>
        %parallel_loop3A_633 = arith.mulf %parallel_loop3A_610, %parallel_loop3A_622 : vector<16xf32>
        %parallel_loop3A_634 = arith.addf %parallel_loop3A_588, %parallel_loop3A_633 : vector<16xf32>
        scf.yield %parallel_loop3A_623, %parallel_loop3A_624, %parallel_loop3A_625, %parallel_loop3A_626, %parallel_loop3A_628, %parallel_loop3A_630, %parallel_loop3A_632, %parallel_loop3A_634 : vector<16xf32>, vector<16xf32>, vector<16xf32>, vector<16xf32>, vector<16xf32>, vector<16xf32>, vector<16xf32>, vector<16xf32>
      } {sc.loop_unroll_factor = 4 : i64, sc.parallel_access}
      %div3A = arith.divf %parallel_loop3A_553#4, %parallel_loop3A_553#0 : vector<16xf32>
      %div3A_554 = arith.divf %parallel_loop3A_553#5, %parallel_loop3A_553#1 : vector<16xf32>
      %add3A_555 = arith.addf %div3A, %div3A_554 : vector<16xf32>
      %div3A_556 = arith.divf %parallel_loop3A_553#6, %parallel_loop3A_553#2 : vector<16xf32>
      %add3A_557 = arith.addf %add3A_555, %div3A_556 : vector<16xf32>
      %div3A_558 = arith.divf %parallel_loop3A_553#7, %parallel_loop3A_553#3 : vector<16xf32>
      %add3A_559 = arith.addf %add3A_557, %div3A_558 : vector<16xf32>
      %mul3A_560 = arith.constant 16 : i32
      %mul3A_561 = arith.muli %scan3A_543, %mul3A_560 : i32
      %get3A_562 = arith.constant 1 : i32
      %get3A_563 = arith.index_cast %get3A_562 : i32 to index
      %get3A_564 = arith.index_cast %mul3A_561 : i32 to index
      %get3A_565 = tpu.vector_load %arg16[%get3A_563, %get3A_564] {strides = array<i32>} : memref<2x128xf32, #tpu.memory_space<vmem>>, vector<16xf32>,
      %mul3A_566 = arith.constant 16 : i32
      %mul3A_567 = arith.muli %scan3A_543, %mul3A_566 : i32
      %get3A_568 = arith.constant 1 : i32
      %get3A_569 = arith.index_cast %get3A_568 : i32 to index
      %get3A_570 = arith.index_cast %mul3A_567 : i32 to index
      %get3A_571 = tpu.vector_load %arg17[%get3A_569, %get3A_570] {strides = array<i32>} : memref<2x128xf32, #tpu.memory_space<vmem>>, vector<16xf32>,
      %add3A_572 = vector.broadcast %squeeze3A : f32 to vector<16xf32>
      %add3A_573 = arith.addf %add3A_559, %add3A_572 : vector<16xf32>
      %add3A_574 = arith.addf %add3A_573, %get3A_565 : vector<16xf32>
      %add3A_575 = arith.addf %add3A_574, %get3A_571 : vector<16xf32>
      %mul3A_576 = arith.constant 16 : i32
      %mul3A_577 = arith.muli %scan3A_543, %mul3A_576 : i32
      %swap3A = arith.index_cast %mul3A_577 : i32 to index
      %swap3A_578 = tpu.vector_load %arg18[%swap3A] {strides = array<i32>} : memref<128xf32, #tpu.memory_space<vmem>>, vector<16xf32>,
      tpu.vector_store %arg18[%swap3A], %add3A_575 {strides = array<i32>} : memref<128xf32, #tpu.memory_space<vmem>>, vector<16xf32>,
      %scan3A_579 = arith.constant 0 : i32
      scf.yield %scan3A_579 : i32
    }
    %scan3A_340 = arith.constant 8 : i32
    "tpu.region"() ({
      %run_scoped3A_543 = tpu.sem_alloc : memref<!tpu.dma_semaphore, #tpu.memory_space<semaphore_mem>>
      %dma_start3A_544 = tpu.memref_slice %arg9[%add3A_331] : memref<16384xf32, #tpu.memory_space<hbm>> -> memref<128xf32, #tpu.memory_space<hbm>>
      %dma_start3A_545 = tpu.memref_slice %arg9[%add3A_331] : memref<16384xf32, #tpu.memory_space<hbm>> -> memref<128xf32, #tpu.memory_space<hbm>>
      tpu.enqueue_dma source(%arg18 : memref<128xf32, #tpu.memory_space<vmem>>) target(%dma_start3A_545 : memref<128xf32, #tpu.memory_space<hbm>>) target_semaphore(%run_scoped3A_543 : memref<!tpu.dma_semaphore, #tpu.memory_space<semaphore_mem>>)
      %dma_wait3A_546 = tpu.memref_slice %arg9[%add3A_331] : memref<16384xf32, #tpu.memory_space<hbm>> -> memref<128xf32, #tpu.memory_space<hbm>>
      %dma_wait3A_547 = tpu.memref_slice %arg9[%add3A_331] : memref<16384xf32, #tpu.memory_space<hbm>> -> memref<128xf32, #tpu.memory_space<hbm>>
      tpu.wait_dma2 semaphore(%run_scoped3A_543 : memref<!tpu.dma_semaphore, #tpu.memory_space<semaphore_mem>>) src(%arg18 : memref<128xf32, #tpu.memory_space<vmem>>) dst(%dma_wait3A_547 : memref<128xf32, #tpu.memory_space<hbm>>)
      tpu.yield
    }) : () -> ()
    %add3A_341 = arith.constant 384 : i32
    %add3A_342 = arith.addi %mul3A_2, %add3A_341 : i32
    %broadcast_in_dim3A_343 = arith.constant 1 : i32
    %broadcast_in_dim3A_344 = vector.broadcast %broadcast_in_dim3A_343 : i32 to vector<16xi32>
    %run_scoped3A_345 = arith.constant 1 : i32
    "tpu.region"() ({
      %run_scoped3A_543 = tpu.sem_alloc : memref<!tpu.dma_semaphore, #tpu.memory_space<semaphore_mem>>
      %dma_start3A_544 = arith.constant 0 : i32
      %dma_start3A_545 = arith.constant 0 : i32
      %dma_start3A_546 = tpu.memref_slice %arg10[%run_scoped3A_345, %dma_start3A_544, %dma_start3A_545] : memref<2x128x2xi32, #tpu.memory_space<vmem>> -> memref<1x128x2xi32, #tpu.memory_space<vmem>>
      %dma_start3A_547 = tpu.memref_squeeze %dma_start3A_546 : memref<1x128x2xi32, #tpu.memory_space<vmem>> -> memref<128x2xi32, #tpu.memory_space<vmem>>
      %dma_start3A_548 = arith.constant 0 : i32
      %dma_start3A_549 = tpu.memref_slice %arg2[%add3A_342, %dma_start3A_548] : memref<16384x2xi32, #tpu.memory_space<hbm>> -> memref<128x2xi32, #tpu.memory_space<hbm>>
      %dma_start3A_550 = arith.constant 0 : i32
      %dma_start3A_551 = arith.constant 0 : i32
      %dma_start3A_552 = tpu.memref_slice %arg10[%run_scoped3A_345, %dma_start3A_550, %dma_start3A_551] : memref<2x128x2xi32, #tpu.memory_space<vmem>> -> memref<1x128x2xi32, #tpu.memory_space<vmem>>
      %dma_start3A_553 = tpu.memref_squeeze %dma_start3A_552 : memref<1x128x2xi32, #tpu.memory_space<vmem>> -> memref<128x2xi32, #tpu.memory_space<vmem>>
      %dma_start3A_554 = arith.constant 0 : i32
      %dma_start3A_555 = tpu.memref_slice %arg2[%add3A_342, %dma_start3A_554] : memref<16384x2xi32, #tpu.memory_space<hbm>> -> memref<128x2xi32, #tpu.memory_space<hbm>>
      tpu.enqueue_dma source(%dma_start3A_555 : memref<128x2xi32, #tpu.memory_space<hbm>>) target(%dma_start3A_553 : memref<128x2xi32, #tpu.memory_space<vmem>>) target_semaphore(%run_scoped3A_543 : memref<!tpu.dma_semaphore, #tpu.memory_space<semaphore_mem>>)
      %dma_wait3A_556 = arith.constant 0 : i32
      %dma_wait3A_557 = arith.constant 0 : i32
      %dma_wait3A_558 = tpu.memref_slice %arg10[%run_scoped3A_345, %dma_wait3A_556, %dma_wait3A_557] : memref<2x128x2xi32, #tpu.memory_space<vmem>> -> memref<1x128x2xi32, #tpu.memory_space<vmem>>
      %dma_wait3A_559 = tpu.memref_squeeze %dma_wait3A_558 : memref<1x128x2xi32, #tpu.memory_space<vmem>> -> memref<128x2xi32, #tpu.memory_space<vmem>>
      %dma_wait3A_560 = arith.constant 0 : i32
      %dma_wait3A_561 = tpu.memref_slice %arg2[%add3A_342, %dma_wait3A_560] : memref<16384x2xi32, #tpu.memory_space<hbm>> -> memref<128x2xi32, #tpu.memory_space<hbm>>
      %dma_wait3A_562 = arith.constant 0 : i32
      %dma_wait3A_563 = arith.constant 0 : i32
      %dma_wait3A_564 = tpu.memref_slice %arg10[%run_scoped3A_345, %dma_wait3A_562, %dma_wait3A_563] : memref<2x128x2xi32, #tpu.memory_space<vmem>> -> memref<1x128x2xi32, #tpu.memory_space<vmem>>
      %dma_wait3A_565 = tpu.memref_squeeze %dma_wait3A_564 : memref<1x128x2xi32, #tpu.memory_space<vmem>> -> memref<128x2xi32, #tpu.memory_space<vmem>>
      %dma_wait3A_566 = arith.constant 0 : i32
      %dma_wait3A_567 = tpu.memref_slice %arg2[%add3A_342, %dma_wait3A_566] : memref<16384x2xi32, #tpu.memory_space<hbm>> -> memref<128x2xi32, #tpu.memory_space<hbm>>
      tpu.wait_dma2 semaphore(%run_scoped3A_543 : memref<!tpu.dma_semaphore, #tpu.memory_space<semaphore_mem>>) src(%dma_wait3A_567 : memref<128x2xi32, #tpu.memory_space<hbm>>) dst(%dma_wait3A_565 : memref<128x2xi32, #tpu.memory_space<vmem>>)
      tpu.yield
    }) : () -> ()
    %scan3A_346 = arith.constant 0 : i32
    %scan3A_347 = arith.constant 0 : i32
    %scan3A_348 = arith.constant 8 : i32
    %scan3A_349 = arith.addi %scan3A_347, %scan3A_348 : i32
    %scan3A_350 = arith.constant 1 : i32
    %scan3A_351 = scf.for %scan3A_543 = %scan3A_347 to %scan3A_349 step %scan3A_350 iter_args(%scan3A_544 = %scan3A_346) -> (i32)  : i32 {
      %mul3A_545 = arith.constant 16 : i32
      %mul3A_546 = arith.muli %scan3A_543, %mul3A_545 : i32
      %add3A_547 = vector.broadcast %mul3A_546 : i32 to vector<16xi32>
      %add3A_548 = arith.addi %add3A_547, %iota3A : vector<16xi32>
      %gather3A = tpu.vector_load_idx %arg10[%broadcast_in_dim3A_344, %add3A_548, %broadcast_in_dim3A_4] : memref<2x128x2xi32, #tpu.memory_space<vmem>>[vector<16xi32>, vector<16xi32>, vector<16xi32>], vector<16xi32>,
      %mul3A_549 = arith.constant 16 : i32
      %mul3A_550 = arith.muli %scan3A_543, %mul3A_549 : i32
      %swap3A = arith.constant 1 : i32
      %swap3A_551 = arith.index_cast %swap3A : i32 to index
      %swap3A_552 = arith.index_cast %mul3A_550 : i32 to index
      %swap3A_553 = tpu.vector_load %arg11[%swap3A_551, %swap3A_552] {strides = array<i32>} : memref<2x128xi32, #tpu.memory_space<vmem>>, vector<16xi32>,
      tpu.vector_store %arg11[%swap3A_551, %swap3A_552], %gather3A {strides = array<i32>} : memref<2x128xi32, #tpu.memory_space<vmem>>, vector<16xi32>,
      %gather3A_554 = tpu.vector_load_idx %arg10[%broadcast_in_dim3A_344, %add3A_548, %broadcast_in_dim3A_6] : memref<2x128x2xi32, #tpu.memory_space<vmem>>[vector<16xi32>, vector<16xi32>, vector<16xi32>], vector<16xi32>,
      %mul3A_555 = arith.constant 16 : i32
      %mul3A_556 = arith.muli %scan3A_543, %mul3A_555 : i32
      %swap3A_557 = arith.constant 1 : i32
      %swap3A_558 = arith.index_cast %swap3A_557 : i32 to index
      %swap3A_559 = arith.index_cast %mul3A_556 : i32 to index
      %swap3A_560 = tpu.vector_load %arg12[%swap3A_558, %swap3A_559] {strides = array<i32>} : memref<2x128xi32, #tpu.memory_space<vmem>>, vector<16xi32>,
      tpu.vector_store %arg12[%swap3A_558, %swap3A_559], %gather3A_554 {strides = array<i32>} : memref<2x128xi32, #tpu.memory_space<vmem>>, vector<16xi32>,
      %scan3A_561 = arith.constant 0 : i32
      scf.yield %scan3A_561 : i32
    }
    %scan3A_352 = arith.constant 8 : i32
    %dma_start3A_353 = arith.constant 1 : i32
    %dma_start3A_354 = arith.constant 1 : i32
    %dma_start3A_355 = arith.constant 0 : i32
    %dma_start3A_356 = arith.constant 0 : i32
    %dma_start3A_357 = tpu.memref_slice %arg13[%dma_start3A_354, %dma_start3A_355, %dma_start3A_356] : memref<2x128x128xf32, #tpu.memory_space<vmem>> -> memref<1x128x128xf32, #tpu.memory_space<vmem>>
    %dma_start3A_358 = tpu.memref_squeeze %dma_start3A_357 : memref<1x128x128xf32, #tpu.memory_space<vmem>> -> memref<128x128xf32, #tpu.memory_space<vmem>>
    %dma_start3A_359 = arith.constant 0 : i32
    %dma_start3A_360 = tpu.memref_slice %arg11[%dma_start3A_353, %dma_start3A_359] : memref<2x128xi32, #tpu.memory_space<vmem>> -> memref<1x128xi32, #tpu.memory_space<vmem>>
    %dma_start3A_361 = tpu.memref_squeeze %dma_start3A_360 : memref<1x128xi32, #tpu.memory_space<vmem>> -> memref<128xi32, #tpu.memory_space<vmem>>
    %dma_start3A_362 = arith.constant 0 : i32
    %dma_start3A_363 = arith.constant 0 : i32
    %dma_start3A_364 = tpu.memref_slice %arg8[%dma_start3A_362, %dma_start3A_363] : memref<100000x128xf32, #tpu.memory_space<hbm>> -> memref<100000x128xf32, #tpu.memory_space<hbm>>
    tpu.enqueue_indirect_dma source(%dma_start3A_364 : memref<100000x128xf32, #tpu.memory_space<hbm>>) target(%dma_start3A_358 : memref<128x128xf32, #tpu.memory_space<vmem>>) offsets(%dma_start3A_361 : memref<128xi32, #tpu.memory_space<vmem>>) semaphore(%arg21 : memref<!tpu.dma_semaphore, #tpu.memory_space<semaphore_mem>>)
    %dma_start3A_365 = arith.constant 1 : i32
    %dma_start3A_366 = arith.constant 1 : i32
    %dma_start3A_367 = arith.constant 0 : i32
    %dma_start3A_368 = arith.constant 0 : i32
    %dma_start3A_369 = tpu.memref_slice %arg14[%dma_start3A_366, %dma_start3A_367, %dma_start3A_368] : memref<2x128x128xf32, #tpu.memory_space<vmem>> -> memref<1x128x128xf32, #tpu.memory_space<vmem>>
    %dma_start3A_370 = tpu.memref_squeeze %dma_start3A_369 : memref<1x128x128xf32, #tpu.memory_space<vmem>> -> memref<128x128xf32, #tpu.memory_space<vmem>>
    %dma_start3A_371 = arith.constant 0 : i32
    %dma_start3A_372 = tpu.memref_slice %arg11[%dma_start3A_365, %dma_start3A_371] : memref<2x128xi32, #tpu.memory_space<vmem>> -> memref<1x128xi32, #tpu.memory_space<vmem>>
    %dma_start3A_373 = tpu.memref_squeeze %dma_start3A_372 : memref<1x128xi32, #tpu.memory_space<vmem>> -> memref<128xi32, #tpu.memory_space<vmem>>
    %dma_start3A_374 = arith.constant 0 : i32
    %dma_start3A_375 = arith.constant 0 : i32
    %dma_start3A_376 = tpu.memref_slice %arg7[%dma_start3A_374, %dma_start3A_375] : memref<100000x128xf32, #tpu.memory_space<hbm>> -> memref<100000x128xf32, #tpu.memory_space<hbm>>
    tpu.enqueue_indirect_dma source(%dma_start3A_376 : memref<100000x128xf32, #tpu.memory_space<hbm>>) target(%dma_start3A_370 : memref<128x128xf32, #tpu.memory_space<vmem>>) offsets(%dma_start3A_373 : memref<128xi32, #tpu.memory_space<vmem>>) semaphore(%arg21 : memref<!tpu.dma_semaphore, #tpu.memory_space<semaphore_mem>>)
    %dma_start3A_377 = arith.constant 1 : i32
    %dma_start3A_378 = arith.constant 1 : i32
    %dma_start3A_379 = arith.constant 0 : i32
    %dma_start3A_380 = arith.constant 0 : i32
    %dma_start3A_381 = tpu.memref_slice %arg15[%dma_start3A_378, %dma_start3A_379, %dma_start3A_380] : memref<2x128x32xf32, #tpu.memory_space<vmem>> -> memref<1x128x32xf32, #tpu.memory_space<vmem>>
    %dma_start3A_382 = tpu.memref_squeeze %dma_start3A_381 : memref<1x128x32xf32, #tpu.memory_space<vmem>> -> memref<128x32xf32, #tpu.memory_space<vmem>>
    %dma_start3A_383 = arith.constant 0 : i32
    %dma_start3A_384 = tpu.memref_slice %arg12[%dma_start3A_377, %dma_start3A_383] : memref<2x128xi32, #tpu.memory_space<vmem>> -> memref<1x128xi32, #tpu.memory_space<vmem>>
    %dma_start3A_385 = tpu.memref_squeeze %dma_start3A_384 : memref<1x128xi32, #tpu.memory_space<vmem>> -> memref<128xi32, #tpu.memory_space<vmem>>
    %dma_start3A_386 = arith.constant 0 : i32
    %dma_start3A_387 = arith.constant 0 : i32
    %dma_start3A_388 = tpu.memref_slice %arg3[%dma_start3A_386, %dma_start3A_387] : memref<100000x32xf32, #tpu.memory_space<hbm>> -> memref<100000x32xf32, #tpu.memory_space<hbm>>
    tpu.enqueue_indirect_dma source(%dma_start3A_388 : memref<100000x32xf32, #tpu.memory_space<hbm>>) target(%dma_start3A_382 : memref<128x32xf32, #tpu.memory_space<vmem>>) offsets(%dma_start3A_385 : memref<128xi32, #tpu.memory_space<vmem>>) semaphore(%arg21 : memref<!tpu.dma_semaphore, #tpu.memory_space<semaphore_mem>>)
    %dma_start3A_389 = arith.constant 1 : i32
    %dma_start3A_390 = arith.constant 1 : i32
    %dma_start3A_391 = arith.constant 0 : i32
    %dma_start3A_392 = tpu.memref_slice %arg16[%dma_start3A_390, %dma_start3A_391] : memref<2x128xf32, #tpu.memory_space<vmem>> -> memref<1x128xf32, #tpu.memory_space<vmem>>
    %dma_start3A_393 = tpu.memref_squeeze %dma_start3A_392 : memref<1x128xf32, #tpu.memory_space<vmem>> -> memref<128xf32, #tpu.memory_space<vmem>>
    %dma_start3A_394 = arith.constant 0 : i32
    %dma_start3A_395 = tpu.memref_slice %arg11[%dma_start3A_389, %dma_start3A_394] : memref<2x128xi32, #tpu.memory_space<vmem>> -> memref<1x128xi32, #tpu.memory_space<vmem>>
    %dma_start3A_396 = tpu.memref_squeeze %dma_start3A_395 : memref<1x128xi32, #tpu.memory_space<vmem>> -> memref<128xi32, #tpu.memory_space<vmem>>
    %dma_start3A_397 = arith.constant 0 : i32
    %dma_start3A_398 = tpu.memref_slice %arg4[%dma_start3A_397] : memref<100000xf32, #tpu.memory_space<hbm>> -> memref<100000xf32, #tpu.memory_space<hbm>>
    tpu.enqueue_indirect_dma source(%dma_start3A_398 : memref<100000xf32, #tpu.memory_space<hbm>>) target(%dma_start3A_393 : memref<128xf32, #tpu.memory_space<vmem>>) offsets(%dma_start3A_396 : memref<128xi32, #tpu.memory_space<vmem>>) semaphore(%arg21 : memref<!tpu.dma_semaphore, #tpu.memory_space<semaphore_mem>>)
    %dma_start3A_399 = arith.constant 1 : i32
    %dma_start3A_400 = arith.constant 1 : i32
    %dma_start3A_401 = arith.constant 0 : i32
    %dma_start3A_402 = tpu.memref_slice %arg17[%dma_start3A_400, %dma_start3A_401] : memref<2x128xf32, #tpu.memory_space<vmem>> -> memref<1x128xf32, #tpu.memory_space<vmem>>
    %dma_start3A_403 = tpu.memref_squeeze %dma_start3A_402 : memref<1x128xf32, #tpu.memory_space<vmem>> -> memref<128xf32, #tpu.memory_space<vmem>>
    %dma_start3A_404 = arith.constant 0 : i32
    %dma_start3A_405 = tpu.memref_slice %arg12[%dma_start3A_399, %dma_start3A_404] : memref<2x128xi32, #tpu.memory_space<vmem>> -> memref<1x128xi32, #tpu.memory_space<vmem>>
    %dma_start3A_406 = tpu.memref_squeeze %dma_start3A_405 : memref<1x128xi32, #tpu.memory_space<vmem>> -> memref<128xi32, #tpu.memory_space<vmem>>
    %dma_start3A_407 = arith.constant 0 : i32
    %dma_start3A_408 = tpu.memref_slice %arg5[%dma_start3A_407] : memref<100000xf32, #tpu.memory_space<hbm>> -> memref<100000xf32, #tpu.memory_space<hbm>>
    tpu.enqueue_indirect_dma source(%dma_start3A_408 : memref<100000xf32, #tpu.memory_space<hbm>>) target(%dma_start3A_403 : memref<128xf32, #tpu.memory_space<vmem>>) offsets(%dma_start3A_406 : memref<128xi32, #tpu.memory_space<vmem>>) semaphore(%arg21 : memref<!tpu.dma_semaphore, #tpu.memory_space<semaphore_mem>>)
    %dma_wait3A_409 = arith.constant 0 : i32
    %dma_wait3A_410 = arith.constant 0 : i32
    %dma_wait3A_411 = arith.constant 0 : i32
    %dma_wait3A_412 = arith.constant 0 : i32
    %dma_wait3A_413 = tpu.memref_slice %arg13[%dma_wait3A_410, %dma_wait3A_411, %dma_wait3A_412] : memref<2x128x128xf32, #tpu.memory_space<vmem>> -> memref<1x128x128xf32, #tpu.memory_space<vmem>>
    %dma_wait3A_414 = tpu.memref_squeeze %dma_wait3A_413 : memref<1x128x128xf32, #tpu.memory_space<vmem>> -> memref<128x128xf32, #tpu.memory_space<vmem>>
    %dma_wait3A_415 = arith.constant 0 : i32
    %dma_wait3A_416 = tpu.memref_slice %arg11[%dma_wait3A_409, %dma_wait3A_415] : memref<2x128xi32, #tpu.memory_space<vmem>> -> memref<1x128xi32, #tpu.memory_space<vmem>>
    %dma_wait3A_417 = tpu.memref_squeeze %dma_wait3A_416 : memref<1x128xi32, #tpu.memory_space<vmem>> -> memref<128xi32, #tpu.memory_space<vmem>>
    %dma_wait3A_418 = arith.constant 0 : i32
    %dma_wait3A_419 = arith.constant 0 : i32
    %dma_wait3A_420 = tpu.memref_slice %arg8[%dma_wait3A_418, %dma_wait3A_419] : memref<100000x128xf32, #tpu.memory_space<hbm>> -> memref<100000x128xf32, #tpu.memory_space<hbm>>
    tpu.wait_indirect_dma semaphore(%arg20 : memref<!tpu.dma_semaphore, #tpu.memory_space<semaphore_mem>>) src(%dma_wait3A_420 : memref<100000x128xf32, #tpu.memory_space<hbm>>) dst(%dma_wait3A_414 : memref<128x128xf32, #tpu.memory_space<vmem>>)
    %dma_wait3A_421 = arith.constant 0 : i32
    %dma_wait3A_422 = arith.constant 0 : i32
    %dma_wait3A_423 = arith.constant 0 : i32
    %dma_wait3A_424 = arith.constant 0 : i32
    %dma_wait3A_425 = tpu.memref_slice %arg14[%dma_wait3A_422, %dma_wait3A_423, %dma_wait3A_424] : memref<2x128x128xf32, #tpu.memory_space<vmem>> -> memref<1x128x128xf32, #tpu.memory_space<vmem>>
    %dma_wait3A_426 = tpu.memref_squeeze %dma_wait3A_425 : memref<1x128x128xf32, #tpu.memory_space<vmem>> -> memref<128x128xf32, #tpu.memory_space<vmem>>
    %dma_wait3A_427 = arith.constant 0 : i32
    %dma_wait3A_428 = tpu.memref_slice %arg11[%dma_wait3A_421, %dma_wait3A_427] : memref<2x128xi32, #tpu.memory_space<vmem>> -> memref<1x128xi32, #tpu.memory_space<vmem>>
    %dma_wait3A_429 = tpu.memref_squeeze %dma_wait3A_428 : memref<1x128xi32, #tpu.memory_space<vmem>> -> memref<128xi32, #tpu.memory_space<vmem>>
    %dma_wait3A_430 = arith.constant 0 : i32
    %dma_wait3A_431 = arith.constant 0 : i32
    %dma_wait3A_432 = tpu.memref_slice %arg7[%dma_wait3A_430, %dma_wait3A_431] : memref<100000x128xf32, #tpu.memory_space<hbm>> -> memref<100000x128xf32, #tpu.memory_space<hbm>>
    tpu.wait_indirect_dma semaphore(%arg20 : memref<!tpu.dma_semaphore, #tpu.memory_space<semaphore_mem>>) src(%dma_wait3A_432 : memref<100000x128xf32, #tpu.memory_space<hbm>>) dst(%dma_wait3A_426 : memref<128x128xf32, #tpu.memory_space<vmem>>)
    %dma_wait3A_433 = arith.constant 0 : i32
    %dma_wait3A_434 = arith.constant 0 : i32
    %dma_wait3A_435 = arith.constant 0 : i32
    %dma_wait3A_436 = arith.constant 0 : i32
    %dma_wait3A_437 = tpu.memref_slice %arg15[%dma_wait3A_434, %dma_wait3A_435, %dma_wait3A_436] : memref<2x128x32xf32, #tpu.memory_space<vmem>> -> memref<1x128x32xf32, #tpu.memory_space<vmem>>
    %dma_wait3A_438 = tpu.memref_squeeze %dma_wait3A_437 : memref<1x128x32xf32, #tpu.memory_space<vmem>> -> memref<128x32xf32, #tpu.memory_space<vmem>>
    %dma_wait3A_439 = arith.constant 0 : i32
    %dma_wait3A_440 = tpu.memref_slice %arg12[%dma_wait3A_433, %dma_wait3A_439] : memref<2x128xi32, #tpu.memory_space<vmem>> -> memref<1x128xi32, #tpu.memory_space<vmem>>
    %dma_wait3A_441 = tpu.memref_squeeze %dma_wait3A_440 : memref<1x128xi32, #tpu.memory_space<vmem>> -> memref<128xi32, #tpu.memory_space<vmem>>
    %dma_wait3A_442 = arith.constant 0 : i32
    %dma_wait3A_443 = arith.constant 0 : i32
    %dma_wait3A_444 = tpu.memref_slice %arg3[%dma_wait3A_442, %dma_wait3A_443] : memref<100000x32xf32, #tpu.memory_space<hbm>> -> memref<100000x32xf32, #tpu.memory_space<hbm>>
    tpu.wait_indirect_dma semaphore(%arg20 : memref<!tpu.dma_semaphore, #tpu.memory_space<semaphore_mem>>) src(%dma_wait3A_444 : memref<100000x32xf32, #tpu.memory_space<hbm>>) dst(%dma_wait3A_438 : memref<128x32xf32, #tpu.memory_space<vmem>>)
    %dma_wait3A_445 = arith.constant 0 : i32
    %dma_wait3A_446 = arith.constant 0 : i32
    %dma_wait3A_447 = arith.constant 0 : i32
    %dma_wait3A_448 = tpu.memref_slice %arg16[%dma_wait3A_446, %dma_wait3A_447] : memref<2x128xf32, #tpu.memory_space<vmem>> -> memref<1x128xf32, #tpu.memory_space<vmem>>
    %dma_wait3A_449 = tpu.memref_squeeze %dma_wait3A_448 : memref<1x128xf32, #tpu.memory_space<vmem>> -> memref<128xf32, #tpu.memory_space<vmem>>
    %dma_wait3A_450 = arith.constant 0 : i32
    %dma_wait3A_451 = tpu.memref_slice %arg11[%dma_wait3A_445, %dma_wait3A_450] : memref<2x128xi32, #tpu.memory_space<vmem>> -> memref<1x128xi32, #tpu.memory_space<vmem>>
    %dma_wait3A_452 = tpu.memref_squeeze %dma_wait3A_451 : memref<1x128xi32, #tpu.memory_space<vmem>> -> memref<128xi32, #tpu.memory_space<vmem>>
    %dma_wait3A_453 = arith.constant 0 : i32
    %dma_wait3A_454 = tpu.memref_slice %arg4[%dma_wait3A_453] : memref<100000xf32, #tpu.memory_space<hbm>> -> memref<100000xf32, #tpu.memory_space<hbm>>
    tpu.wait_indirect_dma semaphore(%arg20 : memref<!tpu.dma_semaphore, #tpu.memory_space<semaphore_mem>>) src(%dma_wait3A_454 : memref<100000xf32, #tpu.memory_space<hbm>>) dst(%dma_wait3A_449 : memref<128xf32, #tpu.memory_space<vmem>>)
    %dma_wait3A_455 = arith.constant 0 : i32
    %dma_wait3A_456 = arith.constant 0 : i32
    %dma_wait3A_457 = arith.constant 0 : i32
    %dma_wait3A_458 = tpu.memref_slice %arg17[%dma_wait3A_456, %dma_wait3A_457] : memref<2x128xf32, #tpu.memory_space<vmem>> -> memref<1x128xf32, #tpu.memory_space<vmem>>
    %dma_wait3A_459 = tpu.memref_squeeze %dma_wait3A_458 : memref<1x128xf32, #tpu.memory_space<vmem>> -> memref<128xf32, #tpu.memory_space<vmem>>
    %dma_wait3A_460 = arith.constant 0 : i32
    %dma_wait3A_461 = tpu.memref_slice %arg12[%dma_wait3A_455, %dma_wait3A_460] : memref<2x128xi32, #tpu.memory_space<vmem>> -> memref<1x128xi32, #tpu.memory_space<vmem>>
    %dma_wait3A_462 = tpu.memref_squeeze %dma_wait3A_461 : memref<1x128xi32, #tpu.memory_space<vmem>> -> memref<128xi32, #tpu.memory_space<vmem>>
    %dma_wait3A_463 = arith.constant 0 : i32
    %dma_wait3A_464 = tpu.memref_slice %arg5[%dma_wait3A_463] : memref<100000xf32, #tpu.memory_space<hbm>> -> memref<100000xf32, #tpu.memory_space<hbm>>
    tpu.wait_indirect_dma semaphore(%arg20 : memref<!tpu.dma_semaphore, #tpu.memory_space<semaphore_mem>>) src(%dma_wait3A_464 : memref<100000xf32, #tpu.memory_space<hbm>>) dst(%dma_wait3A_459 : memref<128xf32, #tpu.memory_space<vmem>>)
    %add3A_465 = arith.constant 256 : i32
    %add3A_466 = arith.addi %mul3A_2, %add3A_465 : i32
    %broadcast_in_dim3A_467 = arith.constant 0 : i32
    %broadcast_in_dim3A_468 = vector.broadcast %broadcast_in_dim3A_467 : i32 to vector<16xi32>
    %scan3A_469 = arith.constant 0 : i32
    %scan3A_470 = arith.constant 0 : i32
    %scan3A_471 = arith.constant 8 : i32
    %scan3A_472 = arith.addi %scan3A_470, %scan3A_471 : i32
    %scan3A_473 = arith.constant 1 : i32
    %scan3A_474 = scf.for %scan3A_543 = %scan3A_470 to %scan3A_472 step %scan3A_473 iter_args(%scan3A_544 = %scan3A_469) -> (i32)  : i32 {
      %mul3A_545 = arith.constant 16 : i32
      %mul3A_546 = arith.muli %scan3A_543, %mul3A_545 : i32
      %add3A_547 = vector.broadcast %mul3A_546 : i32 to vector<16xi32>
      %add3A_548 = arith.addi %add3A_547, %iota3A : vector<16xi32>
      %broadcast_in_dim3A_549 = arith.constant 0.000000e+00 : f32
      %broadcast_in_dim3A_550 = vector.broadcast %broadcast_in_dim3A_549 : f32 to vector<16xf32>
      %parallel_loop3A = arith.constant 0 : i32
      %parallel_loop3A_551 = arith.constant 32 : i32
      %parallel_loop3A_552 = arith.constant 1 : i32
      %parallel_loop3A_553:8 = scf.for %parallel_loop3A_580 = %parallel_loop3A to %parallel_loop3A_551 step %parallel_loop3A_552 iter_args(%parallel_loop3A_581 = %broadcast_in_dim3A_550, %parallel_loop3A_582 = %broadcast_in_dim3A_550, %parallel_loop3A_583 = %broadcast_in_dim3A_550, %parallel_loop3A_584 = %broadcast_in_dim3A_550, %parallel_loop3A_585 = %broadcast_in_dim3A_550, %parallel_loop3A_586 = %broadcast_in_dim3A_550, %parallel_loop3A_587 = %broadcast_in_dim3A_550, %parallel_loop3A_588 = %broadcast_in_dim3A_550) -> (vector<16xf32>, vector<16xf32>, vector<16xf32>, vector<16xf32>, vector<16xf32>, vector<16xf32>, vector<16xf32>, vector<16xf32>)  : i32 {
        %parallel_loop3A_589 = vector.broadcast %parallel_loop3A_580 : i32 to vector<16xi32>
        %parallel_loop3A_590 = tpu.vector_load_idx %arg15[%broadcast_in_dim3A_468, %add3A_548, %parallel_loop3A_589] : memref<2x128x32xf32, #tpu.memory_space<vmem>>[vector<16xi32>, vector<16xi32>, vector<16xi32>], vector<16xf32>,
        %parallel_loop3A_591 = arith.constant 4 : i32
        %parallel_loop3A_592 = arith.muli %parallel_loop3A_591, %parallel_loop3A_580 : i32
        %parallel_loop3A_593 = vector.broadcast %parallel_loop3A_592 : i32 to vector<16xi32>
        %parallel_loop3A_594 = arith.constant 1 : i32
        %parallel_loop3A_595 = arith.addi %parallel_loop3A_592, %parallel_loop3A_594 : i32
        %parallel_loop3A_596 = vector.broadcast %parallel_loop3A_595 : i32 to vector<16xi32>
        %parallel_loop3A_597 = arith.constant 2 : i32
        %parallel_loop3A_598 = arith.addi %parallel_loop3A_592, %parallel_loop3A_597 : i32
        %parallel_loop3A_599 = vector.broadcast %parallel_loop3A_598 : i32 to vector<16xi32>
        %parallel_loop3A_600 = arith.constant 3 : i32
        %parallel_loop3A_601 = arith.addi %parallel_loop3A_592, %parallel_loop3A_600 : i32
        %parallel_loop3A_602 = vector.broadcast %parallel_loop3A_601 : i32 to vector<16xi32>
        %parallel_loop3A_603 = tpu.vector_load_idx %arg14[%broadcast_in_dim3A_468, %add3A_548, %parallel_loop3A_593] : memref<2x128x128xf32, #tpu.memory_space<vmem>>[vector<16xi32>, vector<16xi32>, vector<16xi32>], vector<16xf32>,
        %parallel_loop3A_604 = tpu.vector_load_idx %arg14[%broadcast_in_dim3A_468, %add3A_548, %parallel_loop3A_596] : memref<2x128x128xf32, #tpu.memory_space<vmem>>[vector<16xi32>, vector<16xi32>, vector<16xi32>], vector<16xf32>,
        %parallel_loop3A_605 = arith.addf %parallel_loop3A_603, %parallel_loop3A_604 : vector<16xf32>
        %parallel_loop3A_606 = tpu.vector_load_idx %arg14[%broadcast_in_dim3A_468, %add3A_548, %parallel_loop3A_599] : memref<2x128x128xf32, #tpu.memory_space<vmem>>[vector<16xi32>, vector<16xi32>, vector<16xi32>], vector<16xf32>,
        %parallel_loop3A_607 = arith.addf %parallel_loop3A_605, %parallel_loop3A_606 : vector<16xf32>
        %parallel_loop3A_608 = tpu.vector_load_idx %arg14[%broadcast_in_dim3A_468, %add3A_548, %parallel_loop3A_602] : memref<2x128x128xf32, #tpu.memory_space<vmem>>[vector<16xi32>, vector<16xi32>, vector<16xi32>], vector<16xf32>,
        %parallel_loop3A_609 = arith.addf %parallel_loop3A_607, %parallel_loop3A_608 : vector<16xf32>
        %parallel_loop3A_610 = arith.mulf %parallel_loop3A_590, %parallel_loop3A_609 : vector<16xf32>
        %parallel_loop3A_611 = tpu.vector_load_idx %arg13[%broadcast_in_dim3A_468, %add3A_548, %parallel_loop3A_593] : memref<2x128x128xf32, #tpu.memory_space<vmem>>[vector<16xi32>, vector<16xi32>, vector<16xi32>], vector<16xf32>,
        %parallel_loop3A_612 = arith.mulf %parallel_loop3A_611, %parallel_loop3A_590 : vector<16xf32>
        %parallel_loop3A_613 = math.exp %parallel_loop3A_612 : vector<16xf32>
        %parallel_loop3A_614 = tpu.vector_load_idx %arg13[%broadcast_in_dim3A_468, %add3A_548, %parallel_loop3A_596] : memref<2x128x128xf32, #tpu.memory_space<vmem>>[vector<16xi32>, vector<16xi32>, vector<16xi32>], vector<16xf32>,
        %parallel_loop3A_615 = arith.mulf %parallel_loop3A_614, %parallel_loop3A_590 : vector<16xf32>
        %parallel_loop3A_616 = math.exp %parallel_loop3A_615 : vector<16xf32>
        %parallel_loop3A_617 = tpu.vector_load_idx %arg13[%broadcast_in_dim3A_468, %add3A_548, %parallel_loop3A_599] : memref<2x128x128xf32, #tpu.memory_space<vmem>>[vector<16xi32>, vector<16xi32>, vector<16xi32>], vector<16xf32>,
        %parallel_loop3A_618 = arith.mulf %parallel_loop3A_617, %parallel_loop3A_590 : vector<16xf32>
        %parallel_loop3A_619 = math.exp %parallel_loop3A_618 : vector<16xf32>
        %parallel_loop3A_620 = tpu.vector_load_idx %arg13[%broadcast_in_dim3A_468, %add3A_548, %parallel_loop3A_602] : memref<2x128x128xf32, #tpu.memory_space<vmem>>[vector<16xi32>, vector<16xi32>, vector<16xi32>], vector<16xf32>,
        %parallel_loop3A_621 = arith.mulf %parallel_loop3A_620, %parallel_loop3A_590 : vector<16xf32>
        %parallel_loop3A_622 = math.exp %parallel_loop3A_621 : vector<16xf32>
        %parallel_loop3A_623 = arith.addf %parallel_loop3A_581, %parallel_loop3A_613 : vector<16xf32>
        %parallel_loop3A_624 = arith.addf %parallel_loop3A_582, %parallel_loop3A_616 : vector<16xf32>
        %parallel_loop3A_625 = arith.addf %parallel_loop3A_583, %parallel_loop3A_619 : vector<16xf32>
        %parallel_loop3A_626 = arith.addf %parallel_loop3A_584, %parallel_loop3A_622 : vector<16xf32>
        %parallel_loop3A_627 = arith.mulf %parallel_loop3A_610, %parallel_loop3A_613 : vector<16xf32>
        %parallel_loop3A_628 = arith.addf %parallel_loop3A_585, %parallel_loop3A_627 : vector<16xf32>
        %parallel_loop3A_629 = arith.mulf %parallel_loop3A_610, %parallel_loop3A_616 : vector<16xf32>
        %parallel_loop3A_630 = arith.addf %parallel_loop3A_586, %parallel_loop3A_629 : vector<16xf32>
        %parallel_loop3A_631 = arith.mulf %parallel_loop3A_610, %parallel_loop3A_619 : vector<16xf32>
        %parallel_loop3A_632 = arith.addf %parallel_loop3A_587, %parallel_loop3A_631 : vector<16xf32>
        %parallel_loop3A_633 = arith.mulf %parallel_loop3A_610, %parallel_loop3A_622 : vector<16xf32>
        %parallel_loop3A_634 = arith.addf %parallel_loop3A_588, %parallel_loop3A_633 : vector<16xf32>
        scf.yield %parallel_loop3A_623, %parallel_loop3A_624, %parallel_loop3A_625, %parallel_loop3A_626, %parallel_loop3A_628, %parallel_loop3A_630, %parallel_loop3A_632, %parallel_loop3A_634 : vector<16xf32>, vector<16xf32>, vector<16xf32>, vector<16xf32>, vector<16xf32>, vector<16xf32>, vector<16xf32>, vector<16xf32>
      } {sc.loop_unroll_factor = 4 : i64, sc.parallel_access}
      %div3A = arith.divf %parallel_loop3A_553#4, %parallel_loop3A_553#0 : vector<16xf32>
      %div3A_554 = arith.divf %parallel_loop3A_553#5, %parallel_loop3A_553#1 : vector<16xf32>
      %add3A_555 = arith.addf %div3A, %div3A_554 : vector<16xf32>
      %div3A_556 = arith.divf %parallel_loop3A_553#6, %parallel_loop3A_553#2 : vector<16xf32>
      %add3A_557 = arith.addf %add3A_555, %div3A_556 : vector<16xf32>
      %div3A_558 = arith.divf %parallel_loop3A_553#7, %parallel_loop3A_553#3 : vector<16xf32>
      %add3A_559 = arith.addf %add3A_557, %div3A_558 : vector<16xf32>
      %mul3A_560 = arith.constant 16 : i32
      %mul3A_561 = arith.muli %scan3A_543, %mul3A_560 : i32
      %get3A_562 = arith.constant 0 : i32
      %get3A_563 = arith.index_cast %get3A_562 : i32 to index
      %get3A_564 = arith.index_cast %mul3A_561 : i32 to index
      %get3A_565 = tpu.vector_load %arg16[%get3A_563, %get3A_564] {strides = array<i32>} : memref<2x128xf32, #tpu.memory_space<vmem>>, vector<16xf32>,
      %mul3A_566 = arith.constant 16 : i32
      %mul3A_567 = arith.muli %scan3A_543, %mul3A_566 : i32
      %get3A_568 = arith.constant 0 : i32
      %get3A_569 = arith.index_cast %get3A_568 : i32 to index
      %get3A_570 = arith.index_cast %mul3A_567 : i32 to index
      %get3A_571 = tpu.vector_load %arg17[%get3A_569, %get3A_570] {strides = array<i32>} : memref<2x128xf32, #tpu.memory_space<vmem>>, vector<16xf32>,
      %add3A_572 = vector.broadcast %squeeze3A : f32 to vector<16xf32>
      %add3A_573 = arith.addf %add3A_559, %add3A_572 : vector<16xf32>
      %add3A_574 = arith.addf %add3A_573, %get3A_565 : vector<16xf32>
      %add3A_575 = arith.addf %add3A_574, %get3A_571 : vector<16xf32>
      %mul3A_576 = arith.constant 16 : i32
      %mul3A_577 = arith.muli %scan3A_543, %mul3A_576 : i32
      %swap3A = arith.index_cast %mul3A_577 : i32 to index
      %swap3A_578 = tpu.vector_load %arg18[%swap3A] {strides = array<i32>} : memref<128xf32, #tpu.memory_space<vmem>>, vector<16xf32>,
      tpu.vector_store %arg18[%swap3A], %add3A_575 {strides = array<i32>} : memref<128xf32, #tpu.memory_space<vmem>>, vector<16xf32>,
      %scan3A_579 = arith.constant 0 : i32
      scf.yield %scan3A_579 : i32
    }
    %scan3A_475 = arith.constant 8 : i32
    "tpu.region"() ({
      %run_scoped3A_543 = tpu.sem_alloc : memref<!tpu.dma_semaphore, #tpu.memory_space<semaphore_mem>>
      %dma_start3A_544 = tpu.memref_slice %arg9[%add3A_466] : memref<16384xf32, #tpu.memory_space<hbm>> -> memref<128xf32, #tpu.memory_space<hbm>>
      %dma_start3A_545 = tpu.memref_slice %arg9[%add3A_466] : memref<16384xf32, #tpu.memory_space<hbm>> -> memref<128xf32, #tpu.memory_space<hbm>>
      tpu.enqueue_dma source(%arg18 : memref<128xf32, #tpu.memory_space<vmem>>) target(%dma_start3A_545 : memref<128xf32, #tpu.memory_space<hbm>>) target_semaphore(%run_scoped3A_543 : memref<!tpu.dma_semaphore, #tpu.memory_space<semaphore_mem>>)
      %dma_wait3A_546 = tpu.memref_slice %arg9[%add3A_466] : memref<16384xf32, #tpu.memory_space<hbm>> -> memref<128xf32, #tpu.memory_space<hbm>>
      %dma_wait3A_547 = tpu.memref_slice %arg9[%add3A_466] : memref<16384xf32, #tpu.memory_space<hbm>> -> memref<128xf32, #tpu.memory_space<hbm>>
      tpu.wait_dma2 semaphore(%run_scoped3A_543 : memref<!tpu.dma_semaphore, #tpu.memory_space<semaphore_mem>>) src(%arg18 : memref<128xf32, #tpu.memory_space<vmem>>) dst(%dma_wait3A_547 : memref<128xf32, #tpu.memory_space<hbm>>)
      tpu.yield
    }) : () -> ()
    %dma_wait3A_476 = arith.constant 1 : i32
    %dma_wait3A_477 = arith.constant 1 : i32
    %dma_wait3A_478 = arith.constant 0 : i32
    %dma_wait3A_479 = arith.constant 0 : i32
    %dma_wait3A_480 = tpu.memref_slice %arg13[%dma_wait3A_477, %dma_wait3A_478, %dma_wait3A_479] : memref<2x128x128xf32, #tpu.memory_space<vmem>> -> memref<1x128x128xf32, #tpu.memory_space<vmem>>
    %dma_wait3A_481 = tpu.memref_squeeze %dma_wait3A_480 : memref<1x128x128xf32, #tpu.memory_space<vmem>> -> memref<128x128xf32, #tpu.memory_space<vmem>>
    %dma_wait3A_482 = arith.constant 0 : i32
    %dma_wait3A_483 = tpu.memref_slice %arg11[%dma_wait3A_476, %dma_wait3A_482] : memref<2x128xi32, #tpu.memory_space<vmem>> -> memref<1x128xi32, #tpu.memory_space<vmem>>
    %dma_wait3A_484 = tpu.memref_squeeze %dma_wait3A_483 : memref<1x128xi32, #tpu.memory_space<vmem>> -> memref<128xi32, #tpu.memory_space<vmem>>
    %dma_wait3A_485 = arith.constant 0 : i32
    %dma_wait3A_486 = arith.constant 0 : i32
    %dma_wait3A_487 = tpu.memref_slice %arg8[%dma_wait3A_485, %dma_wait3A_486] : memref<100000x128xf32, #tpu.memory_space<hbm>> -> memref<100000x128xf32, #tpu.memory_space<hbm>>
    tpu.wait_indirect_dma semaphore(%arg21 : memref<!tpu.dma_semaphore, #tpu.memory_space<semaphore_mem>>) src(%dma_wait3A_487 : memref<100000x128xf32, #tpu.memory_space<hbm>>) dst(%dma_wait3A_481 : memref<128x128xf32, #tpu.memory_space<vmem>>)
    %dma_wait3A_488 = arith.constant 1 : i32
    %dma_wait3A_489 = arith.constant 1 : i32
    %dma_wait3A_490 = arith.constant 0 : i32
    %dma_wait3A_491 = arith.constant 0 : i32
    %dma_wait3A_492 = tpu.memref_slice %arg14[%dma_wait3A_489, %dma_wait3A_490, %dma_wait3A_491] : memref<2x128x128xf32, #tpu.memory_space<vmem>> -> memref<1x128x128xf32, #tpu.memory_space<vmem>>
    %dma_wait3A_493 = tpu.memref_squeeze %dma_wait3A_492 : memref<1x128x128xf32, #tpu.memory_space<vmem>> -> memref<128x128xf32, #tpu.memory_space<vmem>>
    %dma_wait3A_494 = arith.constant 0 : i32
    %dma_wait3A_495 = tpu.memref_slice %arg11[%dma_wait3A_488, %dma_wait3A_494] : memref<2x128xi32, #tpu.memory_space<vmem>> -> memref<1x128xi32, #tpu.memory_space<vmem>>
    %dma_wait3A_496 = tpu.memref_squeeze %dma_wait3A_495 : memref<1x128xi32, #tpu.memory_space<vmem>> -> memref<128xi32, #tpu.memory_space<vmem>>
    %dma_wait3A_497 = arith.constant 0 : i32
    %dma_wait3A_498 = arith.constant 0 : i32
    %dma_wait3A_499 = tpu.memref_slice %arg7[%dma_wait3A_497, %dma_wait3A_498] : memref<100000x128xf32, #tpu.memory_space<hbm>> -> memref<100000x128xf32, #tpu.memory_space<hbm>>
    tpu.wait_indirect_dma semaphore(%arg21 : memref<!tpu.dma_semaphore, #tpu.memory_space<semaphore_mem>>) src(%dma_wait3A_499 : memref<100000x128xf32, #tpu.memory_space<hbm>>) dst(%dma_wait3A_493 : memref<128x128xf32, #tpu.memory_space<vmem>>)
    %dma_wait3A_500 = arith.constant 1 : i32
    %dma_wait3A_501 = arith.constant 1 : i32
    %dma_wait3A_502 = arith.constant 0 : i32
    %dma_wait3A_503 = arith.constant 0 : i32
    %dma_wait3A_504 = tpu.memref_slice %arg15[%dma_wait3A_501, %dma_wait3A_502, %dma_wait3A_503] : memref<2x128x32xf32, #tpu.memory_space<vmem>> -> memref<1x128x32xf32, #tpu.memory_space<vmem>>
    %dma_wait3A_505 = tpu.memref_squeeze %dma_wait3A_504 : memref<1x128x32xf32, #tpu.memory_space<vmem>> -> memref<128x32xf32, #tpu.memory_space<vmem>>
    %dma_wait3A_506 = arith.constant 0 : i32
    %dma_wait3A_507 = tpu.memref_slice %arg12[%dma_wait3A_500, %dma_wait3A_506] : memref<2x128xi32, #tpu.memory_space<vmem>> -> memref<1x128xi32, #tpu.memory_space<vmem>>
    %dma_wait3A_508 = tpu.memref_squeeze %dma_wait3A_507 : memref<1x128xi32, #tpu.memory_space<vmem>> -> memref<128xi32, #tpu.memory_space<vmem>>
    %dma_wait3A_509 = arith.constant 0 : i32
    %dma_wait3A_510 = arith.constant 0 : i32
    %dma_wait3A_511 = tpu.memref_slice %arg3[%dma_wait3A_509, %dma_wait3A_510] : memref<100000x32xf32, #tpu.memory_space<hbm>> -> memref<100000x32xf32, #tpu.memory_space<hbm>>
    tpu.wait_indirect_dma semaphore(%arg21 : memref<!tpu.dma_semaphore, #tpu.memory_space<semaphore_mem>>) src(%dma_wait3A_511 : memref<100000x32xf32, #tpu.memory_space<hbm>>) dst(%dma_wait3A_505 : memref<128x32xf32, #tpu.memory_space<vmem>>)
    %dma_wait3A_512 = arith.constant 1 : i32
    %dma_wait3A_513 = arith.constant 1 : i32
    %dma_wait3A_514 = arith.constant 0 : i32
    %dma_wait3A_515 = tpu.memref_slice %arg16[%dma_wait3A_513, %dma_wait3A_514] : memref<2x128xf32, #tpu.memory_space<vmem>> -> memref<1x128xf32, #tpu.memory_space<vmem>>
    %dma_wait3A_516 = tpu.memref_squeeze %dma_wait3A_515 : memref<1x128xf32, #tpu.memory_space<vmem>> -> memref<128xf32, #tpu.memory_space<vmem>>
    %dma_wait3A_517 = arith.constant 0 : i32
    %dma_wait3A_518 = tpu.memref_slice %arg11[%dma_wait3A_512, %dma_wait3A_517] : memref<2x128xi32, #tpu.memory_space<vmem>> -> memref<1x128xi32, #tpu.memory_space<vmem>>
    %dma_wait3A_519 = tpu.memref_squeeze %dma_wait3A_518 : memref<1x128xi32, #tpu.memory_space<vmem>> -> memref<128xi32, #tpu.memory_space<vmem>>
    %dma_wait3A_520 = arith.constant 0 : i32
    %dma_wait3A_521 = tpu.memref_slice %arg4[%dma_wait3A_520] : memref<100000xf32, #tpu.memory_space<hbm>> -> memref<100000xf32, #tpu.memory_space<hbm>>
    tpu.wait_indirect_dma semaphore(%arg21 : memref<!tpu.dma_semaphore, #tpu.memory_space<semaphore_mem>>) src(%dma_wait3A_521 : memref<100000xf32, #tpu.memory_space<hbm>>) dst(%dma_wait3A_516 : memref<128xf32, #tpu.memory_space<vmem>>)
    %dma_wait3A_522 = arith.constant 1 : i32
    %dma_wait3A_523 = arith.constant 1 : i32
    %dma_wait3A_524 = arith.constant 0 : i32
    %dma_wait3A_525 = tpu.memref_slice %arg17[%dma_wait3A_523, %dma_wait3A_524] : memref<2x128xf32, #tpu.memory_space<vmem>> -> memref<1x128xf32, #tpu.memory_space<vmem>>
    %dma_wait3A_526 = tpu.memref_squeeze %dma_wait3A_525 : memref<1x128xf32, #tpu.memory_space<vmem>> -> memref<128xf32, #tpu.memory_space<vmem>>
    %dma_wait3A_527 = arith.constant 0 : i32
    %dma_wait3A_528 = tpu.memref_slice %arg12[%dma_wait3A_522, %dma_wait3A_527] : memref<2x128xi32, #tpu.memory_space<vmem>> -> memref<1x128xi32, #tpu.memory_space<vmem>>
    %dma_wait3A_529 = tpu.memref_squeeze %dma_wait3A_528 : memref<1x128xi32, #tpu.memory_space<vmem>> -> memref<128xi32, #tpu.memory_space<vmem>>
    %dma_wait3A_530 = arith.constant 0 : i32
    %dma_wait3A_531 = tpu.memref_slice %arg5[%dma_wait3A_530] : memref<100000xf32, #tpu.memory_space<hbm>> -> memref<100000xf32, #tpu.memory_space<hbm>>
    tpu.wait_indirect_dma semaphore(%arg21 : memref<!tpu.dma_semaphore, #tpu.memory_space<semaphore_mem>>) src(%dma_wait3A_531 : memref<100000xf32, #tpu.memory_space<hbm>>) dst(%dma_wait3A_526 : memref<128xf32, #tpu.memory_space<vmem>>)
    %add3A_532 = arith.constant 384 : i32
    %add3A_533 = arith.addi %mul3A_2, %add3A_532 : i32
    %broadcast_in_dim3A_534 = arith.constant 1 : i32
    %broadcast_in_dim3A_535 = vector.broadcast %broadcast_in_dim3A_534 : i32 to vector<16xi32>
    %scan3A_536 = arith.constant 0 : i32
    %scan3A_537 = arith.constant 0 : i32
    %scan3A_538 = arith.constant 8 : i32
    %scan3A_539 = arith.addi %scan3A_537, %scan3A_538 : i32
    %scan3A_540 = arith.constant 1 : i32
    %scan3A_541 = scf.for %scan3A_543 = %scan3A_537 to %scan3A_539 step %scan3A_540 iter_args(%scan3A_544 = %scan3A_536) -> (i32)  : i32 {
      %mul3A_545 = arith.constant 16 : i32
      %mul3A_546 = arith.muli %scan3A_543, %mul3A_545 : i32
      %add3A_547 = vector.broadcast %mul3A_546 : i32 to vector<16xi32>
      %add3A_548 = arith.addi %add3A_547, %iota3A : vector<16xi32>
      %broadcast_in_dim3A_549 = arith.constant 0.000000e+00 : f32
      %broadcast_in_dim3A_550 = vector.broadcast %broadcast_in_dim3A_549 : f32 to vector<16xf32>
      %parallel_loop3A = arith.constant 0 : i32
      %parallel_loop3A_551 = arith.constant 32 : i32
      %parallel_loop3A_552 = arith.constant 1 : i32
      %parallel_loop3A_553:8 = scf.for %parallel_loop3A_580 = %parallel_loop3A to %parallel_loop3A_551 step %parallel_loop3A_552 iter_args(%parallel_loop3A_581 = %broadcast_in_dim3A_550, %parallel_loop3A_582 = %broadcast_in_dim3A_550, %parallel_loop3A_583 = %broadcast_in_dim3A_550, %parallel_loop3A_584 = %broadcast_in_dim3A_550, %parallel_loop3A_585 = %broadcast_in_dim3A_550, %parallel_loop3A_586 = %broadcast_in_dim3A_550, %parallel_loop3A_587 = %broadcast_in_dim3A_550, %parallel_loop3A_588 = %broadcast_in_dim3A_550) -> (vector<16xf32>, vector<16xf32>, vector<16xf32>, vector<16xf32>, vector<16xf32>, vector<16xf32>, vector<16xf32>, vector<16xf32>)  : i32 {
        %parallel_loop3A_589 = vector.broadcast %parallel_loop3A_580 : i32 to vector<16xi32>
        %parallel_loop3A_590 = tpu.vector_load_idx %arg15[%broadcast_in_dim3A_535, %add3A_548, %parallel_loop3A_589] : memref<2x128x32xf32, #tpu.memory_space<vmem>>[vector<16xi32>, vector<16xi32>, vector<16xi32>], vector<16xf32>,
        %parallel_loop3A_591 = arith.constant 4 : i32
        %parallel_loop3A_592 = arith.muli %parallel_loop3A_591, %parallel_loop3A_580 : i32
        %parallel_loop3A_593 = vector.broadcast %parallel_loop3A_592 : i32 to vector<16xi32>
        %parallel_loop3A_594 = arith.constant 1 : i32
        %parallel_loop3A_595 = arith.addi %parallel_loop3A_592, %parallel_loop3A_594 : i32
        %parallel_loop3A_596 = vector.broadcast %parallel_loop3A_595 : i32 to vector<16xi32>
        %parallel_loop3A_597 = arith.constant 2 : i32
        %parallel_loop3A_598 = arith.addi %parallel_loop3A_592, %parallel_loop3A_597 : i32
        %parallel_loop3A_599 = vector.broadcast %parallel_loop3A_598 : i32 to vector<16xi32>
        %parallel_loop3A_600 = arith.constant 3 : i32
        %parallel_loop3A_601 = arith.addi %parallel_loop3A_592, %parallel_loop3A_600 : i32
        %parallel_loop3A_602 = vector.broadcast %parallel_loop3A_601 : i32 to vector<16xi32>
        %parallel_loop3A_603 = tpu.vector_load_idx %arg14[%broadcast_in_dim3A_535, %add3A_548, %parallel_loop3A_593] : memref<2x128x128xf32, #tpu.memory_space<vmem>>[vector<16xi32>, vector<16xi32>, vector<16xi32>], vector<16xf32>,
        %parallel_loop3A_604 = tpu.vector_load_idx %arg14[%broadcast_in_dim3A_535, %add3A_548, %parallel_loop3A_596] : memref<2x128x128xf32, #tpu.memory_space<vmem>>[vector<16xi32>, vector<16xi32>, vector<16xi32>], vector<16xf32>,
        %parallel_loop3A_605 = arith.addf %parallel_loop3A_603, %parallel_loop3A_604 : vector<16xf32>
        %parallel_loop3A_606 = tpu.vector_load_idx %arg14[%broadcast_in_dim3A_535, %add3A_548, %parallel_loop3A_599] : memref<2x128x128xf32, #tpu.memory_space<vmem>>[vector<16xi32>, vector<16xi32>, vector<16xi32>], vector<16xf32>,
        %parallel_loop3A_607 = arith.addf %parallel_loop3A_605, %parallel_loop3A_606 : vector<16xf32>
        %parallel_loop3A_608 = tpu.vector_load_idx %arg14[%broadcast_in_dim3A_535, %add3A_548, %parallel_loop3A_602] : memref<2x128x128xf32, #tpu.memory_space<vmem>>[vector<16xi32>, vector<16xi32>, vector<16xi32>], vector<16xf32>,
        %parallel_loop3A_609 = arith.addf %parallel_loop3A_607, %parallel_loop3A_608 : vector<16xf32>
        %parallel_loop3A_610 = arith.mulf %parallel_loop3A_590, %parallel_loop3A_609 : vector<16xf32>
        %parallel_loop3A_611 = tpu.vector_load_idx %arg13[%broadcast_in_dim3A_535, %add3A_548, %parallel_loop3A_593] : memref<2x128x128xf32, #tpu.memory_space<vmem>>[vector<16xi32>, vector<16xi32>, vector<16xi32>], vector<16xf32>,
        %parallel_loop3A_612 = arith.mulf %parallel_loop3A_611, %parallel_loop3A_590 : vector<16xf32>
        %parallel_loop3A_613 = math.exp %parallel_loop3A_612 : vector<16xf32>
        %parallel_loop3A_614 = tpu.vector_load_idx %arg13[%broadcast_in_dim3A_535, %add3A_548, %parallel_loop3A_596] : memref<2x128x128xf32, #tpu.memory_space<vmem>>[vector<16xi32>, vector<16xi32>, vector<16xi32>], vector<16xf32>,
        %parallel_loop3A_615 = arith.mulf %parallel_loop3A_614, %parallel_loop3A_590 : vector<16xf32>
        %parallel_loop3A_616 = math.exp %parallel_loop3A_615 : vector<16xf32>
        %parallel_loop3A_617 = tpu.vector_load_idx %arg13[%broadcast_in_dim3A_535, %add3A_548, %parallel_loop3A_599] : memref<2x128x128xf32, #tpu.memory_space<vmem>>[vector<16xi32>, vector<16xi32>, vector<16xi32>], vector<16xf32>,
        %parallel_loop3A_618 = arith.mulf %parallel_loop3A_617, %parallel_loop3A_590 : vector<16xf32>
        %parallel_loop3A_619 = math.exp %parallel_loop3A_618 : vector<16xf32>
        %parallel_loop3A_620 = tpu.vector_load_idx %arg13[%broadcast_in_dim3A_535, %add3A_548, %parallel_loop3A_602] : memref<2x128x128xf32, #tpu.memory_space<vmem>>[vector<16xi32>, vector<16xi32>, vector<16xi32>], vector<16xf32>,
        %parallel_loop3A_621 = arith.mulf %parallel_loop3A_620, %parallel_loop3A_590 : vector<16xf32>
        %parallel_loop3A_622 = math.exp %parallel_loop3A_621 : vector<16xf32>
        %parallel_loop3A_623 = arith.addf %parallel_loop3A_581, %parallel_loop3A_613 : vector<16xf32>
        %parallel_loop3A_624 = arith.addf %parallel_loop3A_582, %parallel_loop3A_616 : vector<16xf32>
        %parallel_loop3A_625 = arith.addf %parallel_loop3A_583, %parallel_loop3A_619 : vector<16xf32>
        %parallel_loop3A_626 = arith.addf %parallel_loop3A_584, %parallel_loop3A_622 : vector<16xf32>
        %parallel_loop3A_627 = arith.mulf %parallel_loop3A_610, %parallel_loop3A_613 : vector<16xf32>
        %parallel_loop3A_628 = arith.addf %parallel_loop3A_585, %parallel_loop3A_627 : vector<16xf32>
        %parallel_loop3A_629 = arith.mulf %parallel_loop3A_610, %parallel_loop3A_616 : vector<16xf32>
        %parallel_loop3A_630 = arith.addf %parallel_loop3A_586, %parallel_loop3A_629 : vector<16xf32>
        %parallel_loop3A_631 = arith.mulf %parallel_loop3A_610, %parallel_loop3A_619 : vector<16xf32>
        %parallel_loop3A_632 = arith.addf %parallel_loop3A_587, %parallel_loop3A_631 : vector<16xf32>
        %parallel_loop3A_633 = arith.mulf %parallel_loop3A_610, %parallel_loop3A_622 : vector<16xf32>
        %parallel_loop3A_634 = arith.addf %parallel_loop3A_588, %parallel_loop3A_633 : vector<16xf32>
        scf.yield %parallel_loop3A_623, %parallel_loop3A_624, %parallel_loop3A_625, %parallel_loop3A_626, %parallel_loop3A_628, %parallel_loop3A_630, %parallel_loop3A_632, %parallel_loop3A_634 : vector<16xf32>, vector<16xf32>, vector<16xf32>, vector<16xf32>, vector<16xf32>, vector<16xf32>, vector<16xf32>, vector<16xf32>
      } {sc.loop_unroll_factor = 4 : i64, sc.parallel_access}
      %div3A = arith.divf %parallel_loop3A_553#4, %parallel_loop3A_553#0 : vector<16xf32>
      %div3A_554 = arith.divf %parallel_loop3A_553#5, %parallel_loop3A_553#1 : vector<16xf32>
      %add3A_555 = arith.addf %div3A, %div3A_554 : vector<16xf32>
      %div3A_556 = arith.divf %parallel_loop3A_553#6, %parallel_loop3A_553#2 : vector<16xf32>
      %add3A_557 = arith.addf %add3A_555, %div3A_556 : vector<16xf32>
      %div3A_558 = arith.divf %parallel_loop3A_553#7, %parallel_loop3A_553#3 : vector<16xf32>
      %add3A_559 = arith.addf %add3A_557, %div3A_558 : vector<16xf32>
      %mul3A_560 = arith.constant 16 : i32
      %mul3A_561 = arith.muli %scan3A_543, %mul3A_560 : i32
      %get3A_562 = arith.constant 1 : i32
      %get3A_563 = arith.index_cast %get3A_562 : i32 to index
      %get3A_564 = arith.index_cast %mul3A_561 : i32 to index
      %get3A_565 = tpu.vector_load %arg16[%get3A_563, %get3A_564] {strides = array<i32>} : memref<2x128xf32, #tpu.memory_space<vmem>>, vector<16xf32>,
      %mul3A_566 = arith.constant 16 : i32
      %mul3A_567 = arith.muli %scan3A_543, %mul3A_566 : i32
      %get3A_568 = arith.constant 1 : i32
      %get3A_569 = arith.index_cast %get3A_568 : i32 to index
      %get3A_570 = arith.index_cast %mul3A_567 : i32 to index
      %get3A_571 = tpu.vector_load %arg17[%get3A_569, %get3A_570] {strides = array<i32>} : memref<2x128xf32, #tpu.memory_space<vmem>>, vector<16xf32>,
      %add3A_572 = vector.broadcast %squeeze3A : f32 to vector<16xf32>
      %add3A_573 = arith.addf %add3A_559, %add3A_572 : vector<16xf32>
      %add3A_574 = arith.addf %add3A_573, %get3A_565 : vector<16xf32>
      %add3A_575 = arith.addf %add3A_574, %get3A_571 : vector<16xf32>
      %mul3A_576 = arith.constant 16 : i32
      %mul3A_577 = arith.muli %scan3A_543, %mul3A_576 : i32
      %swap3A = arith.index_cast %mul3A_577 : i32 to index
      %swap3A_578 = tpu.vector_load %arg18[%swap3A] {strides = array<i32>} : memref<128xf32, #tpu.memory_space<vmem>>, vector<16xf32>,
      tpu.vector_store %arg18[%swap3A], %add3A_575 {strides = array<i32>} : memref<128xf32, #tpu.memory_space<vmem>>, vector<16xf32>,
      %scan3A_579 = arith.constant 0 : i32
      scf.yield %scan3A_579 : i32
    }
    %scan3A_542 = arith.constant 8 : i32
    "tpu.region"() ({
      %run_scoped3A_543 = tpu.sem_alloc : memref<!tpu.dma_semaphore, #tpu.memory_space<semaphore_mem>>
      %dma_start3A_544 = tpu.memref_slice %arg9[%add3A_533] : memref<16384xf32, #tpu.memory_space<hbm>> -> memref<128xf32, #tpu.memory_space<hbm>>
      %dma_start3A_545 = tpu.memref_slice %arg9[%add3A_533] : memref<16384xf32, #tpu.memory_space<hbm>> -> memref<128xf32, #tpu.memory_space<hbm>>
      tpu.enqueue_dma source(%arg18 : memref<128xf32, #tpu.memory_space<vmem>>) target(%dma_start3A_545 : memref<128xf32, #tpu.memory_space<hbm>>) target_semaphore(%run_scoped3A_543 : memref<!tpu.dma_semaphore, #tpu.memory_space<semaphore_mem>>)
      %dma_wait3A_546 = tpu.memref_slice %arg9[%add3A_533] : memref<16384xf32, #tpu.memory_space<hbm>> -> memref<128xf32, #tpu.memory_space<hbm>>
      %dma_wait3A_547 = tpu.memref_slice %arg9[%add3A_533] : memref<16384xf32, #tpu.memory_space<hbm>> -> memref<128xf32, #tpu.memory_space<hbm>>
      tpu.wait_dma2 semaphore(%run_scoped3A_543 : memref<!tpu.dma_semaphore, #tpu.memory_space<semaphore_mem>>) src(%arg18 : memref<128xf32, #tpu.memory_space<vmem>>) dst(%dma_wait3A_547 : memref<128xf32, #tpu.memory_space<hbm>>)
      tpu.yield
    }) : () -> ()
    return
  }
}

</mosaic_0001>

<sc_bundles>
// kernel: kernel.3.cloned.1.call-start
scs
__scs_entry_jumppad:
0x0: {  	(pc) =	sbr.rel $0x88, $3  }
0x1: {  	(tag) =	ssettag $0x0;
	lr =	simm.s32 $0x1  }
0x2: {  	[smem:$0x3F9A] =	sst lr;
	_ =	strace $0xD0000000  }
0x3: {  	_ = 	snop  }
0x4: {  	_ = 	snop  }
0x5: {  	_ = 	snop  }
0x6: {  	_ = 	snop  }
0x7: {  	_ = 	snop  }
__scs_overlays_trampoline_lowered:
0x8: {  	[smem:$0x3FA9] =	sst s0  }
0x9: {  	[smem:$0x3FAA] =	sst s1  }
0xa: {  	[smem:$0x3FAB] =	sst s2  }
0xb: {  	[smem:$0x3FAC] =	sst s3  }
0xc: {  	[smem:$0x3FAD] =	sst s4  }
0xd: {  	[smem:$0x3FAE] =	sst s5  }
0xe: {  	[smem:$0x3FAF] =	sst s6  }
0xf: {  	[smem:$0x3FB0] =	sst s7  }
0x10: {  	[smem:$0x3FB1] =	sst s8  }
0x11: {  	[smem:$0x3FB2] =	sst s9;
	s0 =	simm.s32 @!p0 $0x0  }
0x12: {  	s1 =	sld [smem:$0x3F98];
	s0 =	simm.s32 @p0 $0x1  }
0x13: {  	[smem:$0x3FB3] =	sst s0;
	s0 =	simm.s32 @!p1 $0x0  }
0x14: {  	s2 =	sld [smem:$0x3F97];
	s0 =	simm.s32 @p1 $0x1  }
0x15: {  	[smem:$0x3FB4] =	sst s0;
	s0 =	simm.s32 @!p2 $0x0  }
0x16: {  	s3 =	sld [smem:$0x3FDB];
	s0 =	simm.s32 @p2 $0x1  }
0x17: {  	s4 =	simm.s32 $0x1BF5;
	[smem:$0x3FB6] =	sst s0  }
0x18: {  	s0 =	sld [smem:$0x3F99];
	_ =	swait.ge [sflag:s4], $0x0  }
0x19: {  	s7 =	sld [smem:$0x3F9A]  }
0x1a: {  	s8 =	sadd.s32 $0xFFFFE003, lr  }
0x1b: {  	s9 =	sadd.s32 $0xFFFFFEF7, lr;
	s5 =	simm.s32 $0xFFFFFFFF;
	p2 =	slt.u32 s8, $0xFFFFF086  }
0x1c: {  	p1 =	slt.u32 s9, $0xF7A;
	s5 =	simm.s32 @!p2 $0x0  }
0x1d: {  	s5 =	simm.s32 @p1 $0x1;
	p0 =	seq.s32 s7, s2  }
0x1e: {  	s7 =	smul.u32 @!p0 $0xF7A, s2;
	p2 =	seq.s32 @!p0 s5, $0x0  }
0x1f: {  	s9 =	smul.u32 $0xF7A, s1;
	s8 =	simm.s32 @!p0 $0x1BF5;
	p2 =	por !p2, p0  }
0x20: {  	[sflag:s8] =	ssyncset.s32 @!p0 $0xFFFFF086;
	s6 =	sadd.s32 @!p0 s3, s7;
	s7 =	simm.s32 @!p0 $0x108  }
0x21: {  	s3 =	sadd.s32 s3, s9;
	s6 =	sadd.s32 @!p0 $0x88, s6;
	s7 =	simm.s32 @p2 $0x1082  }
0x22: {  	[simem:s7], [sflag:s8] =	dma.local @!p0 [hbm:s6], $0xF7A  }
0x23: {  	s9 =	sor.u32 $0xD0000000, s2;
	s6 =	simm.s32 $0x108;
	_ =	swait.ge @!p0 [sflag:s8], $0x0  }
0x24: {  	s3 =	sadd.s32 $0x88, s3;
	s6 =	simm.s32 @!p1 $0x1082;
	[sflag:s4] =	ssyncset.s32 $0xFFFFF086  }
0x25: {  	[simem:s6], [sflag:s4] =	dma.local [hbm:s3], $0xF7A  }
0x26: {  	[smem:$0x3F9A] =	sst s1;
	(tag) =	ssettag s2;
	_ =	strace s9  }
0x27: {  	s1 =	sld [smem:$0x3FAA]  }
0x28: {  	s2 =	sld [smem:$0x3FAB]  }
0x29: {  	s4 =	sld [smem:$0x3FAD]  }
0x2a: {  	p0 =	seq.s32 s5, $0x0;
	s5 =	sld [smem:$0x3FAE]  }
0x2b: {  	s6 =	sld [smem:$0x3FAF]  }
0x2c: {  	s7 =	sld [smem:$0x3FB0]  }
0x2d: {  	s3 =	simm.s32 $0x108;
	s8 =	sld [smem:$0x3FB1]  }
0x2e: {  	s3 =	simm.s32 @!p0 $0x1082;
	s9 =	sld [smem:$0x3FB2]  }
0x2f: {  	lr =	sadd.s32 s0, s3;
	s0 =	sld [smem:$0x3FA9]  }
0x30: {  	s3 =	sld [smem:$0x3FAC]  }
0x31: {  	[smem:$0x3FB5] =	sst s10  }
0x32: {  	s10 =	sld [smem:$0x3FB3];
	_ =	sdelay $0x3  }
0x33: {  	p0 =	seq.s32 s10, $0x1;
	s10 =	sld [smem:$0x3FB5];
	_ =	sdelay $0x3  }
0x34: {  	[smem:$0x3FB5] =	sst s10  }
0x35: {  	s10 =	sld [smem:$0x3FB4];
	_ =	sdelay $0x3  }
0x36: {  	p1 =	seq.s32 s10, $0x1;
	s10 =	sld [smem:$0x3FB5];
	_ =	sdelay $0x3  }
0x37: {  	[smem:$0x3FB5] =	sst s10  }
0x38: {  	s10 =	sld [smem:$0x3FB6]  }
0x39: {  	_ = 	snop;
	(pc) =	sbr.ind lr, $3  }
0x3a: {  	_ = 	snop  }
0x3b: {  	_ = 	snop  }
0x3c: {  	p2 =	seq.s32 s10, $0x1;
	s10 =	sld [smem:$0x3FB5]  }
0x3d: {  	_ =	shalt  }
0x3e: {  	_ =	shalt  }
0x3f: {  	_ =	shalt  }
0x40: {  	_ =	shalt  }
0x41: {  	_ =	shalt  }
0x42: {  	_ =	shalt  }
0x43: {  	_ =	shalt  }
0x44: {  	_ =	shalt  }
0x45: {  	_ =	shalt  }
0x46: {  	_ =	shalt  }
0x47: {  	_ =	shalt  }
0x48: {  	_ =	shalt  }
0x49: {  	_ =	shalt  }
0x4a: {  	_ =	shalt  }
0x4b: {  	_ =	shalt  }
0x4c: {  	_ =	shalt  }
0x4d: {  	_ =	shalt  }
0x4e: {  	_ =	shalt  }
0x4f: {  	_ =	shalt  }
0x50: {  	_ =	shalt  }
0x51: {  	_ =	shalt  }
0x52: {  	_ =	shalt  }
0x53: {  	_ =	shalt  }
0x54: {  	_ =	shalt  }
0x55: {  	_ =	shalt  }
0x56: {  	_ =	shalt  }
0x57: {  	_ =	shalt  }
0x58: {  	_ =	shalt  }
0x59: {  	_ =	shalt  }
0x5a: {  	_ =	shalt  }
0x5b: {  	_ =	shalt  }
0x5c: {  	_ =	shalt  }
0x5d: {  	_ =	shalt  }
0x5e: {  	_ =	shalt  }
0x5f: {  	_ =	shalt  }
0x60: {  	_ =	shalt  }
0x61: {  	_ =	shalt  }
0x62: {  	_ =	shalt  }
0x63: {  	_ =	shalt  }
0x64: {  	_ =	shalt  }
0x65: {  	_ =	shalt  }
0x66: {  	_ =	shalt  }
0x67: {  	_ =	shalt  }
0x68: {  	_ =	shalt  }
0x69: {  	_ =	shalt  }
0x6a: {  	_ =	shalt  }
0x6b: {  	_ =	shalt  }
0x6c: {  	_ =	shalt  }
0x6d: {  	_ =	shalt  }
0x6e: {  	_ =	shalt  }
0x6f: {  	_ =	shalt  }
0x70: {  	_ =	shalt  }
0x71: {  	_ =	shalt  }
0x72: {  	_ =	shalt  }
0x73: {  	_ =	shalt  }
0x74: {  	_ =	shalt  }
0x75: {  	_ =	shalt  }
0x76: {  	_ =	shalt  }
0x77: {  	_ =	shalt  }
0x78: {  	_ =	shalt  }
0x79: {  	_ =	shalt  }
0x7a: {  	_ =	shalt  }
0x7b: {  	_ =	shalt  }
0x7c: {  	_ =	shalt  }
0x7d: {  	_ =	shalt  }
0x7e: {  	_ =	shalt  }
0x7f: {  	_ =	shalt  }
0x80: {  	_ =	shalt  }
0x81: {  	_ =	shalt  }
0x82: {  	_ =	shalt  }
0x83: {  	_ =	shalt  }
0x84: {  	_ =	shalt  }
0x85: {  	_ =	shalt  }
0x86: {  	_ =	shalt  }
0x87: {  	_ =	shalt  }
.Lfunc_end0:
.L_simem_size_0:
called_computation.2_lowered:
.L_overlay_start_0:
0x88: {  	s2 =	sld [smem:$0x3FD9]  }
0x89: {  	s3 =	sld [smem:$0x3FFE];
	_ =	sdelay $0x1  }
0x8a: {  	s1 =	srdreg.scid  }
0x8b: {  	s0 =	sand.u32 $0x1, s1  }
0x8c: {  	s17 =	sshll.u32 s0, $0xA;
	s2 =	sadd.s32 s3, s2  }
0x8d: {  	s2 =	sadd.s32 s2, s17  }
0x8e: {  	[smem:$0x3FC1] =	sst s2  }
0x8f: {  	_ = 	snop  }
0x90: {  	s2 =	sld [smem:$0x3FC5]  }
0x91: {  	s18 =	sld [smem:$0x3FD0];
	(tm) =	ssettm $0x1  }
0x92: {  	s4 =	sld [smem:$0x3FFB];
	_ =	sdelay $0x3  }
0x93: {  	_ =	strace s4  }
0x94: {  	s4 =	sld [smem:$0x3FFC];
	_ =	sdelay $0x3  }
0x95: {  	_ =	strace s4  }
0x96: {  	s4 =	sld [smem:$0x3FFD];
	_ =	sdelay $0x3  }
0x97: {  	_ =	strace s4  }
0x98: {  	_ =	strace $0x8FFFFFFF  }
0x99: {  	s19 =	sld [smem:$0x3FDB];
	_ =	sdelay $0x1  }
0x9a: {  	s5 =	simm.s32 $_scs_section_size  }
0x9b: {  	s6 =	simm.s32 $_size__tile_overlayer_lowered;
	s7 =	simm.s32 $_tile_overlayer_lowered  }
0x9c: {  	s22 =	simm.s32 $0x1BFF;
	s21 =	sshll.u32 s7, $0x1;
	s4 =	sadd.s32 s5, s19  }
0x9d: {  	s8 =	simm.s32 $0x0;
	s20 =	sshll.u32 s6, $0x1;
	s6 =	sadd.s32 s21, s4  }
0x9e: {  	[timem:s8], [sflag:s22] =	dma.local [hbm:s6], s20  }
0x9f: {  	_ =	swait.ge [sflag:s22], s20  }
0xa0: {  	s5 =	ssub.s32 $0x0, s20;
	[sflag:s22] =	ssyncset.done $0x0  }
0xa1: {  	[sflag:s22] =	ssyncadd.s32 s5;
	_ =	sdelay $0x1  }
0xa2: {  	s23 =	simm.s32 $0x1B8B  }
0xa3: {  	_ =	swait.ge [sflag:s23], $0x1  }
0xa4: {  	[sflag:s23] =	ssyncset.done $0x0  }
0xa5: {  	s25 =	simm.s32 $0x1B8E;
	s24 =	sld [smem:$0x3FFE];
	[sflag:s23] =	ssyncadd.s32 $0xFFFFFFFF  }
0xa6: {  	s26 =	simm.s32 $execute0_lowered;
	[smem:$0x3FD2] =	sst s25  }
0xa7: {  	s6 =	sshll.u32 s26, $0x1;
	_ =	strace $0x8000004C;
	[dreg:$0x1] =	wrdreg $0xFFFFFFFF  }
0xa8: {  	s28 =	simm.s32 $_size_execute0_lowered;
	s4 =	sadd.s32 s4, s6;
	[dreg:$0x0] =	wrdreg $0x0  }
0xa9: {  	s6 =	sshll.u32 s28, $0x1;
	[dreg:$0x2] =	wrdreg s4  }
0xaa: {  	[dreg:$0x3] =	wrdreg s6  }
0xab: {  	[dreg:$0x4] =	wrdreg $0xC0  }
0xac: {  	_ =	task [dreg:s8], $0x5FFFF  }
0xad: {  	[dreg:$0x1] =	wrdreg $0xFFFFFFFF  }
0xae: {  	[dreg:$0x0] =	wrdreg $0x60  }
0xaf: {  	[dreg:$0x2] =	wrdreg s24  }
0xb0: {  	[dreg:$0x3] =	wrdreg s2  }
0xb1: {  	[dreg:$0x4] =	wrdreg s18  }
0xb2: {  	[dreg:$0x5] =	wrdreg $0x9  }
0xb3: {  	_ =	task.clear_ibuf [dreg:s8], $0x6FFFF;
	_ =	strace $0x9000004C  }
0xb4: {  	s29 =	simm.s32 $0x9;
	_ =	strace $0x8000004E  }
0xb5: {  	_ =	swait.ge [sflag:s29], $0x1  }
0xb6: {  	[sflag:s29] =	ssyncadd.s32 $0xFFFFFFFF  }
0xb7: {  	_ =	strace $0x9000004E  }
0xb8: {  	_ =	sfence  }
0xb9: {  	s30 =	sld [smem:$0x0];
	_ =	sdelay $0x2  }
0xba: {  	s31 =	sshll.u32 s1, $0xD;
	s1 =	sshrl.u32 s1, $0x2  }
0xbb: {  	s3 =	sand.u32 $0x4000, s31;
	s1 =	sadd.s32 s1, s30  }
0xbc: {  	s0 =	sor.u32 s3, s0;
	s1 =	sshll.u32 s1, $0x11  }
0xbd: {  	s0 =	sor.u32 s1, s0  }
0xbe: {  	s0 =	sadd.s32 $0x8F2B, s0  }
0xbf: {  	[sflag:s0] =	ssyncadd.remote.s32 $0x1  }
0xc0: {  	_ =	sfence.sel $0xFFFF  }
0xc1: {  	[dreg:$0x0] =	wrdreg $0xFFFFFFFF;
	(pc) =	sbr.abs _section_cstart, $3  }
0xc2: {  	[dreg:$0x1] =	wrdreg $0xFFFFFFFF  }
0xc3: {  	_ =	task.clear_ibuf [dreg:s8], $0x2FFFF;
	_ =	strace $0x9FFFFFFF  }
0xc4: {  	(tm) =	ssettm $0x7FFFFFFF  }
0xc5: {  	_ =	shalt  }
tec
execute0_lowered:
.L_overlay_start_1:
0x0: {  	(tag) =	ssettag $0x1  }
0x1: {  	s0 =	rddreg [dreg:$0x0]  }
0x2: {  	s1 =	rddreg [dreg:$0x2]  }
0x3: {  	s2 =	simm.s32 $0x0;
	s8 =	srdreg.scid;
	s10 =	stileid.u32  }
0x4: {  	s30 =	simm.s32 $0x880;
	s29 =	simm.s32 $0x12C00;
	[smem:$0x7FF] =	sst s2  }
0x5: {  	s28 =	simm.s32 $0x1;
	s4 =	sadd.s32 $0x61CC00, s0;
	s3 =	sadd.s32 $0x7A3600, s0  }
0x6: {  	s31 =	simm.s32 $0x2;
	s5 =	sadd.s32 $0x623E00, s0;
	s6 =	sadd.s32 $0x620C00, s0  }
0x7: {  	s7 =	sadd.s32 $0x496200, s0;
	s8 =	sand.u32 $0x1, s8;
	s10 =	sshll.u32 s10, $0xA  }
0x8: {  	_ =	strace $0x8000004D;
	s9 =	ssub.s32 $0x2, s8;
	s11 =	sshll.u32 s8, $0x9  }
0x9: {  	s8 =	sadd.s32 $0x188800, s0;
	s17 =	sshrl.u32 s9, $0x1;
	s10 =	sor.u32 s11, s10  }
0xa: {  	s0 =	ssub.s32 s9, s17;
	s18 =	sadd.s32 s4, s10;
	s19 =	sor.u32 $0x80, s10  }
0xb: {  	s21 =	sshrl.u32 s10, $0x3;
	s12 =	sor.u32 $0x100, s10;
	s23 =	sor.u32 $0x180, s10  }
0xc: {  	[dreg:$0x4] =	wrdreg s18;
	s20 =	sadd.s32 s4, s19;
	s11 =	sadd.s32 s1, s21  }
0xd: {  	s22 =	sadd.s32 s4, s12;
	s9 =	sshrl.u32 s19, $0x3;
	s24 =	sshrl.u32 s12, $0x3  }
0xe: {  	s4 =	sadd.s32 s4, s23;
	s26 =	sshrl.u32 s23, $0x3;
	[dreg:$0x5] =	wrdreg s20  }
0xf: {  	s17 =	smax.u32 s0, $0x1;
	s19 =	simm.s32 $0x3;
	[dreg:$0x6] =	wrdreg s11  }
0x10: {  	s21 =	simm.s32 $0x800;
	s23 =	simm.s32 $0x8A00;
	[dreg:$0x7] =	wrdreg s22  }
0x11: {  	s0 =	simm.s32 $0x0;
	s9 =	sadd.s32 s1, s9;
	[dreg:$0x9] =	wrdreg s4  }
0x12: {  	s25 =	sadd.s32 s1, s24;
	s16 =	sadd.s32 s1, s26;
	s20 =	simm.s32 $0x80  }
0x13: {  	v0 =	vlaneseq.u32;
	v2 =	vimm.s32 $0x0;
	vm0 =	vcmask $0x300;
	s22 =	simm.s32 $0xA00;
	s24 =	simm.s32 $0x900;
	[dreg:$0x8] =	wrdreg s9  }
0x14: {  	v1 =	vmul.u32 $0x8, v0;
	v2 =	vsel vm0, $0x3, v2;
	s4 =	simm.s32 $0x980;
	[dreg:$0xa] =	wrdreg s25;
	s25 =	simm.s32 $0x10A00  }
.LBB2_1:
0x15: {  	s1 =	rddreg [dreg:$0x1];
	s9 =	simm.s32 $0x12C80  }
0x16: {  	[tilespmem:s9], [sflag:$0x3] =	stream.linear.gather [hbm4b:s1+s2], $0x1, $0x38;
	[tilespmem:$0x12C90] =	vst v63  }
0x17: {  	v3 =	vmov s2;
	_ =	swait.ge [sflag:s19], $0x1  }
0x18: {  	v4 =	vshll.u32 v3, $0x3;
	[sflag:s19] =	ssyncset.done $0x0  }
0x19: {  	v4 =	vor.u32 v1, v4;
	s15 =	rddreg [dreg:$0x4];
	[sflag:s19] =	ssyncadd.s32 $0xFFFFFFFF  }
0x1a: {  	v3 =	vld [tilespmem:$0x12C80];
	[tilespmem:s2], [sflag:$0x3] =	stream.linear.gather [hbm4b:s15+s2], $0x400, $0x38  }
0x1b: {  	_ =	swait.ge [sflag:s19], $0x400  }
0x1c: {  	[sflag:s19] =	ssyncset.done $0x0  }
0x1d: {  	[sflag:s19] =	ssyncadd.s32 $0xFFFFFC00  }
0x1e: {  	v5 =	vld.idx.msk [tilespmem:v4+s2+$0x0], $0xffff  }
0x1f: {  	v4 =	vor.u32 $0x1, v4;
	_ =	sdelay $0x2  }
0x20: {  	s18 =	simm.s32 $0x10  }
0x21: {  	[tilespmem:s21+$0x0] =	vst v5;
	v5 =	vmov s18  }
0x22: {  	v4 =	vld.idx.msk [tilespmem:v4+s2+$0x0], $0xffff;
	v5 =	vshll.u32 v5, $0x3  }
0x23: {  	v5 =	vor.u32 v1, v5;
	_ =	sdelay $0x3  }
0x24: {  	[tilespmem:s24+$0x0] =	vst v4  }
0x25: {  	v4 =	vld.idx.msk [tilespmem:v5+s2+$0x0], $0xffff  }
0x26: {  	v6 =	vor.u32 $0x1, v5;
	_ =	sdelay $0x2  }
0x27: {  	s1 =	simm.s32 $0x810  }
0x28: {  	s26 =	simm.s32 $0x20;
	[tilespmem:s1+$0x0] =	vst v4  }
0x29: {  	s10 =	simm.s32 $0x30;
	s9 =	simm.s32 $0x900;
	v5 =	vmov s26;
	v4 =	vld.idx.msk [tilespmem:v6+s2+$0x0], $0xffff  }
.LBB2_2:
0x2a: {  	p0 =	sne.s32 s10, $0x70;
	v5 =	vshll.u32 v5, $0x3  }
0x2b: {  	v5 =	vor.u32 v1, v5;
	_ =	sdelay $0x2  }
0x2c: {  	s9 =	sadd.s32 $0x10, s9  }
0x2d: {  	[tilespmem:s9+$0x0] =	vst v4  }
0x2e: {  	v4 =	vld.idx.msk [tilespmem:v5+s2+$0x0], $0xffff;
	_ =	sdelay $0x1  }
0x2f: {  	v6 =	vor.u32 $0x1, v5  }
.Ltmp0:
0x30: {  	(pc) =	sbr.rel @p0 .LBB2_2-.Ltmp0, $4  }
0x31: {  	_ = 	snop  }
0x32: {  	s1 =	sadd.s32 $0x10, s1  }
0x33: {  	[tilespmem:s1+$0x0] =	vst v4  }
0x34: {  	v5 =	vmov s10;
	s10 =	sadd.s32 $0x10, s10;
	v4 =	vld.idx.msk [tilespmem:v6+s2+$0x0], $0xffff  }
0x35: {  	v5 =	vshll.u32 v5, $0x3  }
0x36: {  	v5 =	vor.u32 v1, v5;
	_ =	sdelay $0x2  }
0x37: {  	s9 =	sadd.s32 $0x10, s9  }
0x38: {  	[tilespmem:s9+$0x0] =	vst v4  }
0x39: {  	v4 =	vld.idx.msk [tilespmem:v5+s2+$0x0], $0xffff  }
0x3a: {  	v5 =	vor.u32 $0x1, v5;
	_ =	sdelay $0x2  }
0x3b: {  	s1 =	sadd.s32 $0x10, s1  }
0x3c: {  	[tilespmem:s1+$0x0] =	vst v4  }
0x3d: {  	v4 =	vld.idx.msk [tilespmem:v5+s2+$0x0], $0xffff;
	_ =	sdelay $0x3  }
0x3e: {  	s10 =	sadd.s32 $0x10, s9  }
0x3f: {  	[tilespmem:s10+$0x0] =	vst v4  }
0x40: {  	[tilespmem:s22], [sflag:$0x1] =	stream.indirect.gather [hbm4b:s8+s20], $0x80, s21, s20, $0xb8;
	[tilespmem:$0x12C90] =	vst v63  }
0x41: {  	_ = 	snop  }
0x42: {  	[tilespmem:s23], [sflag:$0x1] =	stream.indirect.gather [hbm4b:s7+s20], $0x80, s21, s20, $0xb8;
	[tilespmem:$0x12C90] =	vst v63  }
0x43: {  	_ = 	snop  }
0x44: {  	[tilespmem:s25], [sflag:$0x1] =	stream.indirect.gather [hbm4b:s3+s20], $0x20, s24, s20, $0xb8;
	[tilespmem:$0x12C90] =	vst v63  }
0x45: {  	s11 =	simm.s32 $0x0;
	s12 =	simm.s32 $0x12A00  }
0x46: {  	v4 =	vmov s11;
	[tilespmem:s12], [sflag:$0x1] =	stream.indirect.gather [hbm4b:s5+s20], $0x1, s21, s20, $0xb8;
	[tilespmem:$0x12C90] =	vst v63  }
0x47: {  	s13 =	simm.s32 $0x12B00;
	v4 =	vshll.u32 v4, $0x3  }
0x48: {  	v4 =	vor.u32 v1, v4;
	[tilespmem:s13], [sflag:$0x1] =	stream.indirect.gather [hbm4b:s6+s20], $0x1, s24, s20, $0xb8;
	[tilespmem:$0x12C90] =	vst v63  }
0x49: {  	s14 =	rddreg [dreg:$0x5];
	s10 =	simm.s32 $0x400;
	v5 =	vor.u32 $0x400, v4  }
0x4a: {  	[tilespmem:s10], [sflag:$0x3] =	stream.linear.gather [hbm4b:s14+s11], $0x400, $0x38;
	[tilespmem:$0x12C90] =	vst v63  }
0x4b: {  	_ =	swait.ge [sflag:s19], $0x400  }
0x4c: {  	[sflag:s19] =	ssyncset.done $0x0  }
0x4d: {  	[sflag:s19] =	ssyncadd.s32 $0xFFFFFC00  }
0x4e: {  	v5 =	vld.idx.msk [tilespmem:v5+s2+$0x0], $0xffff  }
0x4f: {  	v4 =	vor.u32 $0x401, v4;
	_ =	sdelay $0x1  }
0x50: {  	s15 =	simm.s32 $0x10  }
0x51: {  	s18 =	simm.s32 $0x880;
	v6 =	vmov s15  }
0x52: {  	[tilespmem:s18+$0x0] =	vst v5;
	v5 =	vshll.u32 v6, $0x3  }
0x53: {  	v4 =	vld.idx.msk [tilespmem:v4+s2+$0x0], $0xffff;
	v5 =	vor.u32 v1, v5  }
0x54: {  	v6 =	vor.u32 $0x400, v5;
	_ =	sdelay $0x2  }
0x55: {  	s1 =	simm.s32 $0x980  }
0x56: {  	[tilespmem:s1+$0x0] =	vst v4  }
0x57: {  	v6 =	vld.idx.msk [tilespmem:v6+s2+$0x0], $0xffff  }
0x58: {  	v4 =	vor.u32 $0x401, v5;
	_ =	sdelay $0x2  }
0x59: {  	s26 =	simm.s32 $0x20;
	s9 =	simm.s32 $0x890  }
0x5a: {  	s10 =	simm.s32 $0x30;
	v5 =	vmov s26;
	[tilespmem:s9+$0x0] =	vst v6  }
.LBB2_4:
0x5b: {  	p0 =	sne.s32 s10, $0x70;
	v5 =	vshll.u32 v5, $0x3;
	v4 =	vld.idx.msk [tilespmem:v4+s2+$0x0], $0xffff  }
0x5c: {  	v5 =	vor.u32 v1, v5  }
0x5d: {  	v6 =	vor.u32 $0x400, v5;
	_ =	sdelay $0x2  }
0x5e: {  	s1 =	sadd.s32 $0x10, s1  }
0x5f: {  	[tilespmem:s1+$0x0] =	vst v4  }
0x60: {  	v6 =	vld.idx.msk [tilespmem:v6+s2+$0x0], $0xffff;
	_ =	sdelay $0x1  }
.Ltmp1:
0x61: {  	v4 =	vor.u32 $0x401, v5;
	(pc) =	sbr.rel @p0 .LBB2_4-.Ltmp1, $3  }
0x62: {  	_ =	sdelay $0x1  }
0x63: {  	s9 =	sadd.s32 $0x10, s9  }
0x64: {  	v5 =	vmov s10;
	s10 =	sadd.s32 $0x10, s10;
	[tilespmem:s9+$0x0] =	vst v6  }
0x65: {  	_ =	sdelay $0x2  }
0x66: {  	v5 =	vshll.u32 v5, $0x3  }
0x67: {  	v4 =	vld.idx.msk [tilespmem:v4+s2+$0x0], $0xffff;
	v5 =	vor.u32 v1, v5  }
0x68: {  	v6 =	vor.u32 $0x400, v5;
	_ =	sdelay $0x2  }
0x69: {  	s1 =	sadd.s32 $0x10, s1  }
0x6a: {  	[tilespmem:s1+$0x0] =	vst v4  }
0x6b: {  	v4 =	vld.idx.msk [tilespmem:v6+s2+$0x0], $0xffff  }
0x6c: {  	v5 =	vor.u32 $0x401, v5;
	_ =	sdelay $0x2  }
0x6d: {  	s9 =	sadd.s32 $0x10, s9  }
0x6e: {  	[tilespmem:s9+$0x0] =	vst v4  }
0x6f: {  	v4 =	vld.idx.msk [tilespmem:v5+s2+$0x0], $0xffff;
	_ =	sdelay $0x3  }
0x70: {  	s1 =	sadd.s32 $0x10, s1  }
0x71: {  	s13 =	simm.s32 $0x4A00;
	[tilespmem:s1+$0x0] =	vst v4  }
0x72: {  	[tilespmem:s13], [sflag:$0x2] =	stream.indirect.gather [hbm4b:s8+s20], $0x80, s30, s20, $0xb8;
	[tilespmem:$0x12C90] =	vst v63  }
0x73: {  	s14 =	simm.s32 $0xCA00  }
0x74: {  	[tilespmem:s14], [sflag:$0x2] =	stream.indirect.gather [hbm4b:s7+s20], $0x80, s30, s20, $0xb8;
	[tilespmem:$0x12C90] =	vst v63  }
0x75: {  	s15 =	simm.s32 $0x11A00  }
0x76: {  	[tilespmem:s15], [sflag:$0x2] =	stream.indirect.gather [hbm4b:s3+s20], $0x20, s4, s20, $0xb8;
	[tilespmem:$0x12C90] =	vst v63  }
0x77: {  	s18 =	simm.s32 $0x12A80  }
0x78: {  	[tilespmem:s18], [sflag:$0x2] =	stream.indirect.gather [hbm4b:s5+s20], $0x1, s30, s20, $0xb8;
	[tilespmem:$0x12C90] =	vst v63  }
0x79: {  	s26 =	simm.s32 $0x12B80  }
0x7a: {  	[tilespmem:s26], [sflag:$0x2] =	stream.indirect.gather [hbm4b:s6+s20], $0x1, s4, s20, $0xb8;
	[tilespmem:$0x12C90] =	vst v63  }
0x7b: {  	_ =	swait.ge [sflag:s28], $0x4000  }
0x7c: {  	[sflag:s28] =	ssyncset.done $0x0  }
0x7d: {  	[sflag:s28] =	ssyncadd.s32 $0xFFFFC000  }
0x7e: {  	_ =	swait.ge [sflag:s28], $0x4000  }
0x7f: {  	[sflag:s28] =	ssyncset.done $0x0  }
0x80: {  	[sflag:s28] =	ssyncadd.s32 $0xFFFFC000  }
0x81: {  	_ =	swait.ge [sflag:s28], $0x1000  }
0x82: {  	[sflag:s28] =	ssyncset.done $0x0  }
0x83: {  	[sflag:s28] =	ssyncadd.s32 $0xFFFFF000  }
0x84: {  	_ =	swait.ge [sflag:s28], $0x80  }
0x85: {  	[sflag:s28] =	ssyncset.done $0x0  }
0x86: {  	[sflag:s28] =	ssyncadd.s32 $0xFFFFFF80  }
0x87: {  	_ =	swait.ge [sflag:s28], $0x80  }
0x88: {  	[sflag:s28] =	ssyncset.done $0x0  }
0x89: {  	v3 =	vbroadcast v3, $0x0;
	s1 =	simm.s32 $0x0;
	s18 =	simm.s32 $0x0;
	[sflag:s28] =	ssyncadd.s32 $0xFFFFFF80  }
.LBB2_6:
0x8a: {  	s9 =	simm.s32 $0x0  }
0x8b: {  	v4 =	vmov s1;
	v5 =	vmov s9  }
0x8c: {  	s26 =	sshll.u32 s18, $0x4;
	v4 =	vand.u32 $0x1C, v4;
	v5 =	vshrl.u32 v5, $0x3  }
0x8d: {  	v6 =	vor.u32 s26, v0;
	v7 =	vbroadcast v4, $0x0;
	v5 =	vshll.u32 v5, v2  }
0x8e: {  	v4 =	vshll.u32 v6, $0x5;
	v9 =	vbroadcast v5, $0x0  }
0x8f: {  	v5 =	vshll.u32 v6, $0x7;
	v8 =	vor.u32 v4, v7  }
0x90: {  	s10 =	simm.s32 $0x8;
	v6 =	vor.u32 $0x2, v5;
	v10 =	vor.u32 v5, v9  }
0x91: {  	v12 =	vmov s10;
	v11 =	vadd.s32 v6, v9  }
0x92: {  	v12 =	vshrl.u32 v12, $0x3  }
0x93: {  	v12 =	vshll.u32 v12, v2;
	v7 =	vor.u32 $0x1, v5  }
0x94: {  	s11 =	simm.s32 $0x2;
	v12 =	vbroadcast v12, $0x0;
	v13 =	vadd.s32 v7, v9;
	v14 =	vld.idx.msk [tilespmem:v8+s25+$0x0], $0xffff  }
0x95: {  	v15 =	vmov s11;
	v8 =	vor.u32 $0x3, v5;
	v17 =	vld.idx.msk [tilespmem:v10+s23+$0x0], $0xffff  }
0x96: {  	s12 =	simm.s32 $0x4;
	v20 =	vadd.s32 v7, v12;
	v18 =	vadd.s32 v8, v9;
	v9 =	vand.u32 $0x1E, v15;
	v15 =	vld.idx.msk [tilespmem:v11+s23+$0x0], $0xffff  }
0x97: {  	v16 =	vmov s12;
	v21 =	vadd.s32 v5, v12;
	v19 =	vld.idx.msk [tilespmem:v11+s22+$0x0], $0xffff  }
0x98: {  	v26 =	vadd.s32 v6, v12;
	v11 =	vshrl.u32 v16, $0x3;
	v16 =	vld.idx.msk [tilespmem:v10+s22+$0x0], $0xffff  }
0x99: {  	v22 =	vld.idx.msk [tilespmem:v13+s23+$0x0], $0xffff  }
0x9a: {  	s13 =	simm.s32 $0x1;
	v13 =	vld.idx.msk [tilespmem:v13+s22+$0x0], $0xffff  }
0x9b: {  	v25 =	vmov s13;
	v28 =	vld.idx.msk [tilespmem:v20+s23+$0x0], $0xffff  }
0x9c: {  	v23 =	vadd.s32 v8, v12;
	v12 =	vand.u32 $0x1D, v25;
	v9 =	vbroadcast v9, $0x0;
	v30 =	vld.idx.msk [tilespmem:v21+s22+$0x0], $0xffff  }
0x9d: {  	v12 =	vbroadcast v12, $0x0;
	v35 =	vld.idx.msk [tilespmem:v26+s22+$0x0], $0xffff;
	v10 =	vshll.u32 v11, v2  }
0x9e: {  	v20 =	vld.idx.msk [tilespmem:v20+s22+$0x0], $0xffff;
	v11 =	vor.u32 v4, v9;
	v24 =	vbroadcast v10, $0x0  }
0x9f: {  	s14 =	simm.s32 $0x3;
	v21 =	vld.idx.msk [tilespmem:v21+s23+$0x0], $0xffff;
	v9 =	vor.u32 $0x5, v5;
	v32 =	vor.u32 v4, v12  }
0xa0: {  	v10 =	vor.u32 $0x4, v5;
	v12 =	vmov s14;
	v27 =	vld.idx.msk [tilespmem:v18+s22+$0x0], $0xffff;
	v25 =	vadd.s32 v9, v24  }
0xa1: {  	v12 =	vand.u32 $0x1F, v12;
	v29 =	vadd.s32 v10, v24;
	v33 =	vld.idx.msk [tilespmem:v23+s22+$0x0], $0xffff  }
0xa2: {  	v37 =	vbroadcast v12, $0x0;
	v18 =	vld.idx.msk [tilespmem:v18+s23+$0x0], $0xffff;
	v13 =	vmul.f32 v13, v14  }
0xa3: {  	s15 =	simm.s32 $0xC;
	v12 =	vor.u32 $0x7, v5;
	v16 =	vmul.f32 v16, v14;
	v40 =	vmul.f32 v19, v14;
	v31 =	vld.idx.msk [tilespmem:v11+s25+$0x0], $0xffff  }
0xa4: {  	v19 =	vmov s15;
	v17 =	vadd.f32 v22, v17;
	v11 =	vor.u32 $0x6, v5;
	v32 =	vld.idx.msk [tilespmem:v32+s25+$0x0], $0xffff  }
0xa5: {  	v19 =	vshrl.u32 v19, $0x3;
	v41 =	vmul.f32 $1.442695020e+00, v16;
	v34 =	vadd.s32 v11, v24;
	v36 =	vld.idx.msk [tilespmem:v25+s22+$0x0], $0xffff  }
0xa6: {  	v19 =	vshll.u32 v19, v2;
	v13 =	vmul.f32 $1.442695020e+00, v13;
	v24 =	vadd.s32 v12, v24;
	v38 =	vld.idx.msk [tilespmem:v29+s22+$0x0], $0xffff  }
0xa7: {  	v15 =	vadd.f32 v15, v17;
	v29 =	vld.idx.msk [tilespmem:v29+s23+$0x0], $0xffff;
	v27 =	vmul.f32 v27, v14;
	(erf) = vpow2.f32 v41  }
0xa8: {  	v52 =	vor.u32 v4, v37;
	v19 =	vbroadcast v19, $0x0;
	v25 =	vld.idx.msk [tilespmem:v25+s23+$0x0], $0xffff;
	(erf) = vpow2.f32 v13  }
0xa9: {  	v26 =	vld.idx.msk [tilespmem:v26+s23+$0x0], $0xffff;
	v15 =	vadd.f32 v18, v15;
	v27 =	vmul.f32 $1.442695020e+00, v27;
	v33 =	vmul.f32 v33, v31  }
0xaa: {  	v54 =	vadd.s32 v12, v19;
	v30 =	vmul.f32 v30, v31;
	v35 =	vmul.f32 v35, v31;
	v39 =	vld.idx.msk [tilespmem:v34+s22+$0x0], $0xffff  }
0xab: {  	v13 =	vadd.f32 v28, v21;
	v20 =	vmul.f32 v20, v31;
	v17 =	vld.idx.msk [tilespmem:v24+s22+$0x0], $0xffff;
	v33 =	vmul.f32 $1.442695020e+00, v33  }
0xac: {  	v21 =	vadd.s32 v9, v19;
	v34 =	vld.idx.msk [tilespmem:v34+s23+$0x0], $0xffff;
	v22 =	vmul.f32 v36, v32;
	v51 =	vmul.f32 v38, v32  }
0xad: {  	v24 =	vld.idx.msk [tilespmem:v24+s23+$0x0], $0xffff;
	v16 =	vmul.f32 $1.442695020e+00, v35;
	v25 =	vadd.f32 v25, v29;
	v28 =	vmul.f32 $1.442695020e+00, v30  }
0xae: {  	v29 =	vadd.s32 v10, v19;
	v35 =	vmul.f32 $1.442695020e+00, v51;
	v18 =	vmul.f32 $1.442695020e+00, v22;
	v22 =	vld.idx.msk [tilespmem:v23+s23+$0x0], $0xffff  }
0xaf: {  	v23 =	vadd.s32 v11, v19;
	v19 =	vmul.f32 v15, v14;
	v14 =	vadd.f32 v26, v13;
	v13 =	vld.idx.msk [tilespmem:v52+s25+$0x0], $0xffff  }
0xb0: {  	v20 =	vmul.f32 $1.442695020e+00, v20;
	v26 =	vld.idx.msk [tilespmem:v54+s22+$0x0], $0xffff;
	v17 =	vmul.f32 v17, v32  }
0xb1: {  	v53 =	vmul.f32 v39, v32;
	(erf) = vpow2.f32 v35  }
0xb2: {  	v15 =	vadd.f32 v34, v25;
	(erf) = vpow2.f32 v28;
	v17 =	vmul.f32 $1.442695020e+00, v17  }
0xb3: {  	v28 =	vld.idx.msk [tilespmem:v21+s23+$0x0], $0xffff;
	v25 =	vmul.f32 $1.442695020e+00, v53;
	(erf) = vpow2.f32 v18  }
0xb4: {  	v30 =	vld.idx.msk [tilespmem:v29+s22+$0x0], $0xffff;
	v18 =	vmul.f32 $1.442695020e+00, v40;
	v24 =	vadd.f32 v24, v15;
	(erf) = vpow2.f32 v33  }
0xb5: {  	v55 =	vpop (erf);
	v29 =	vld.idx.msk [tilespmem:v29+s23+$0x0], $0xffff;
	v14 =	vadd.f32 v22, v14;
	v58 =	vmul.f32 v26, v13;
	(erf) = vpow2.f32 v25  }
0xb6: {  	v25 =	vld.idx.msk [tilespmem:v21+s22+$0x0], $0xffff;
	v21 =	vmul.f32 v55, v19;
	v22 =	vmul.f32 v24, v32  }
0xb7: {  	v56 =	vpop (erf);
	v15 =	vimm.f32 $0.0e+00;
	(erf) = vpow2.f32 v27;
	v14 =	vmul.f32 v14, v31  }
0xb8: {  	v59 =	vld.idx.msk [tilespmem:v23+s23+$0x0], $0xffff;
	v27 =	vadd.f32 v55, v15;
	v31 =	vmul.f32 v56, v19;
	v62 =	vmul.f32 $1.442695020e+00, v58  }
0xb9: {  	v24 =	vld.idx.msk [tilespmem:v23+s22+$0x0], $0xffff;
	(erf) = vpow2.f32 v18;
	v18 =	vadd.f32 v56, v15;
	v30 =	vmul.f32 v30, v13  }
0xba: {  	v60 =	vadd.f32 v21, v15;
	(erf) = vpow2.f32 v17;
	v17 =	vadd.f32 v28, v29;
	v57 =	vpop (erf)  }
0xbb: {  	v29 =	vmul.f32 $1.442695020e+00, v30;
	v32 =	vmul.f32 v25, v13;
	v25 =	vld.idx.msk [tilespmem:v54+s23+$0x0], $0xffff;
	v26 =	vadd.f32 v57, v27  }
0xbc: {  	v21 =	vadd.f32 v31, v15;
	(erf) = vpow2.f32 v20;
	v27 =	vmul.f32 v57, v22;
	v23 =	vpop (erf)  }
0xbd: {  	v17 =	vadd.f32 v59, v17;
	(erf) = vpow2.f32 v29;
	v31 =	vmul.f32 v23, v14;
	v61 =	vpop (erf)  }
0xbe: {  	v30 =	vadd.f32 v61, v18;
	v18 =	vmul.f32 v24, v13;
	v24 =	vadd.f32 v27, v60  }
0xbf: {  	(erf) = vpow2.f32 v62;
	v23 =	vadd.f32 v23, v26;
	v27 =	vmul.f32 v61, v22;
	v26 =	vpop (erf)  }
0xc0: {  	v24 =	vadd.f32 v31, v24;
	v25 =	vadd.f32 v25, v17;
	v31 =	vmul.f32 $1.442695020e+00, v18;
	v28 =	vpop (erf)  }
0xc1: {  	v18 =	vimm.f32 $0.0e+00;
	v17 =	vimm.f32 $0.0e+00;
	v20 =	vmul.f32 v26, v14;
	v63 =	vpop (erf)  }
0xc2: {  	s9 =	simm.s32 $0x4;
	s10 =	simm.s32 $0x1C;
	v29 =	vmul.f32 v28, v22;
	v34 =	vadd.f32 v63, v15;
	v35 =	vmul.f32 v63, v19;
	v33 =	vpop (erf)  }
.LBB2_7:
0xc3: {  	s12 =	sadd.s32 $0xFFFFFFF4, s10  }
0xc4: {  	v37 =	vmov s9;
	s13 =	sadd.s32 $0xFFFFFFF8, s10;
	s14 =	sadd.s32 $0x2, s9;
	v15 =	vadd.f32 v35, v15;
	(erf) = vpow2.f32 v16;
	s11 =	smov.u32 s9  }
0xc5: {  	p0 =	slt.u32 s9, $0x1C;
	s9 =	sadd.s32 $0x4, s9;
	v32 =	vmul.f32 $1.442695020e+00, v32;
	v16 =	vand.u32 $0x1C, v37;
	v35 =	vmov s12;
	s12 =	sadd.s32 $0x1, s11  }
0xc6: {  	v19 =	vmul.f32 v33, v19;
	v16 =	vbroadcast v16, $0x0;
	v35 =	vshrl.u32 v35, $0x3;
	v36 =	vpop (erf)  }
0xc7: {  	v37 =	vmov s13;
	v35 =	vshll.u32 v35, v2;
	v34 =	vadd.f32 v36, v34;
	v38 =	vpop (erf)  }
0xc8: {  	v18 =	vadd.f32 v33, v18;
	s13 =	sadd.s32 $0xFFFFFFFC, s10;
	v16 =	vor.u32 v4, v16;
	v35 =	vbroadcast v35, $0x0  }
0xc9: {  	v33 =	vmov s12;
	v39 =	vmov s13;
	v40 =	vmul.f32 v38, v14;
	v41 =	vpop (erf)  }
0xca: {  	v45 =	vmul.f32 v36, v22;
	v42 =	vor.u32 v5, v35;
	v43 =	vadd.s32 v7, v35  }
0xcb: {  	v30 =	vadd.f32 v38, v30;
	v36 =	vadd.s32 v6, v35;
	v35 =	vadd.s32 v8, v35  }
0xcc: {  	v37 =	vshrl.u32 v37, $0x3;
	v38 =	vmov s14;
	v15 =	vadd.f32 v45, v15;
	v22 =	vpop (erf)  }
0xcd: {  	v17 =	vadd.f32 v19, v17;
	v33 =	vand.u32 $0x1D, v33;
	v39 =	vshrl.u32 v39, $0x3;
	v44 =	vpop (erf)  }
0xce: {  	v19 =	vld.idx.msk [tilespmem:v16+s25+$0x0], $0xffff;
	v16 =	vand.u32 $0x1E, v38;
	v38 =	vshll.u32 v39, v2;
	(erf) = vpow2.f32 v32  }
0xcf: {  	v13 =	vmul.f32 v25, v13;
	v17 =	vadd.f32 v29, v17;
	v32 =	vld.idx.msk [tilespmem:v42+s23+$0x0], $0xffff;
	v38 =	vbroadcast v38, $0x0  }
0xd0: {  	v25 =	vshll.u32 v37, v2;
	v16 =	vbroadcast v16, $0x0;
	v29 =	vld.idx.msk [tilespmem:v36+s23+$0x0], $0xffff;
	(erf) = vpow2.f32 v31  }
0xd1: {  	v33 =	vbroadcast v33, $0x0;
	v31 =	vld.idx.msk [tilespmem:v36+s22+$0x0], $0xffff;
	v36 =	vadd.s32 v5, v38;
	v37 =	vadd.s32 v7, v38  }
0xd2: {  	v26 =	vadd.f32 v26, v34;
	v16 =	vor.u32 v4, v16;
	v39 =	vld.idx.msk [tilespmem:v42+s22+$0x0], $0xffff;
	v42 =	vadd.s32 v8, v38  }
0xd3: {  	v18 =	vadd.f32 v28, v18;
	v45 =	vbroadcast v25, $0x0;
	v33 =	vor.u32 v4, v33;
	v34 =	vld.idx.msk [tilespmem:v43+s23+$0x0], $0xffff  }
0xd4: {  	v21 =	vadd.f32 v27, v21;
	v27 =	vmul.f32 v22, v13;
	v38 =	vadd.s32 v6, v38;
	v28 =	vld.idx.msk [tilespmem:v43+s22+$0x0], $0xffff  }
0xd5: {  	v23 =	vadd.f32 v41, v23;
	v46 =	vadd.s32 v10, v45;
	v47 =	vadd.s32 v9, v45;
	v43 =	vld.idx.msk [tilespmem:v35+s22+$0x0], $0xffff  }
0xd6: {  	v41 =	vmul.f32 v41, v13;
	v48 =	vadd.s32 v12, v45;
	v18 =	vadd.f32 v44, v18;
	v49 =	vld.idx.msk [tilespmem:v37+s23+$0x0], $0xffff  }
0xd7: {  	s11 =	sadd.s32 $0x3, s11;
	v21 =	vadd.f32 v40, v21;
	v25 =	vadd.f32 v22, v26;
	v50 =	vld.idx.msk [tilespmem:v36+s22+$0x0], $0xffff;
	v22 =	vpop (erf)  }
0xd8: {  	v14 =	vmul.f32 v44, v14;
	v26 =	vld.idx.msk [tilespmem:v16+s25+$0x0], $0xffff;
	v16 =	vmov s11;
	v40 =	vmul.f32 v22, v13  }
0xd9: {  	v15 =	vadd.f32 v20, v15;
	v20 =	vadd.f32 v41, v24;
	v44 =	vadd.s32 v11, v45;
	v45 =	vld.idx.msk [tilespmem:v42+s22+$0x0], $0xffff;
	v24 =	vpop (erf)  }
0xda: {  	v14 =	vadd.f32 v14, v17;
	v16 =	vand.u32 $0x1F, v16;
	v41 =	vld.idx.msk [tilespmem:v47+s22+$0x0], $0xffff;
	v18 =	vadd.f32 v24, v18  }
0xdb: {  	v17 =	vadd.f32 v34, v32;
	v16 =	vbroadcast v16, $0x0;
	v13 =	vmul.f32 v24, v13;
	v32 =	vld.idx.msk [tilespmem:v38+s22+$0x0], $0xffff  }
0xdc: {  	v15 =	vadd.f32 v27, v15;
	v30 =	vadd.f32 v22, v30;
	v24 =	vld.idx.msk [tilespmem:v46+s22+$0x0], $0xffff  }
0xdd: {  	v27 =	vmul.f32 v28, v19;
	v22 =	vadd.f32 v29, v17;
	v17 =	vadd.f32 v13, v14;
	v28 =	vld.idx.msk [tilespmem:v37+s22+$0x0], $0xffff  }
0xde: {  	v21 =	vadd.f32 v40, v21;
	v29 =	vor.u32 v4, v16;
	v14 =	vmul.f32 v50, v26;
	v13 =	vld.idx.msk [tilespmem:v44+s22+$0x0], $0xffff  }
0xdf: {  	v16 =	vmul.f32 v39, v19;
	v34 =	vmul.f32 v45, v26;
	v33 =	vld.idx.msk [tilespmem:v33+s25+$0x0], $0xffff  }
0xe0: {  	v31 =	vmul.f32 v31, v19;
	v39 =	vmov s10;
	v37 =	vld.idx.msk [tilespmem:v46+s23+$0x0], $0xffff  }
0xe1: {  	v39 =	vshrl.u32 v39, $0x3;
	v32 =	vmul.f32 v32, v26;
	v34 =	vmul.f32 $1.442695020e+00, v34;
	v40 =	vld.idx.msk [tilespmem:v47+s23+$0x0], $0xffff  }
0xe2: {  	v43 =	vmul.f32 v43, v19;
	v45 =	vmul.f32 $1.442695020e+00, v16;
	v39 =	vshll.u32 v39, v2;
	v38 =	vld.idx.msk [tilespmem:v38+s23+$0x0], $0xffff  }
0xe3: {  	v16 =	vmul.f32 $1.442695020e+00, v32;
	v32 =	vbroadcast v39, $0x0;
	v36 =	vld.idx.msk [tilespmem:v36+s23+$0x0], $0xffff  }
0xe4: {  	v28 =	vmul.f32 v28, v26;
	v35 =	vld.idx.msk [tilespmem:v35+s23+$0x0], $0xffff  }
0xe5: {  	v27 =	vmul.f32 $1.442695020e+00, v27;
	v39 =	vmul.f32 v41, v33;
	v41 =	vld.idx.msk [tilespmem:v48+s22+$0x0], $0xffff  }
0xe6: {  	v43 =	vmul.f32 $1.442695020e+00, v43;
	v46 =	vmul.f32 v13, v33  }
0xe7: {  	v13 =	vmul.f32 v24, v33;
	v37 =	vadd.f32 v40, v37;
	(erf) = vpow2.f32 v45  }
0xe8: {  	v40 =	vadd.s32 v10, v32;
	v24 =	vld.idx.msk [tilespmem:v44+s23+$0x0], $0xffff;
	v44 =	vadd.s32 v12, v32;
	(erf) = vpow2.f32 v27  }
0xe9: {  	v27 =	vmul.f32 $1.442695020e+00, v13;
	v13 =	vadd.f32 v49, v36;
	v36 =	vadd.s32 v9, v32  }
0xea: {  	v28 =	vmul.f32 $1.442695020e+00, v28;
	v39 =	vmul.f32 $1.442695020e+00, v39;
	v22 =	vadd.f32 v35, v22;
	v35 =	vld.idx.msk [tilespmem:v48+s23+$0x0], $0xffff  }
0xeb: {  	v14 =	vmul.f32 $1.442695020e+00, v14;
	v32 =	vadd.s32 v11, v32;
	v41 =	vmul.f32 v41, v33;
	v42 =	vld.idx.msk [tilespmem:v42+s23+$0x0], $0xffff  }
0xec: {  	v38 =	vadd.f32 v38, v13;
	v19 =	vmul.f32 v22, v19;
	v13 =	vld.idx.msk [tilespmem:v29+s25+$0x0], $0xffff;
	(erf) = vpow2.f32 v27  }
0xed: {  	v27 =	vmul.f32 $1.442695020e+00, v41;
	v29 =	vld.idx.msk [tilespmem:v44+s22+$0x0], $0xffff;
	(erf) = vpow2.f32 v14  }
0xee: {  	v31 =	vmul.f32 $1.442695020e+00, v31;
	v22 =	vmul.f32 $1.442695020e+00, v46;
	v14 =	vadd.f32 v24, v37;
	v24 =	vld.idx.msk [tilespmem:v36+s23+$0x0], $0xffff  }
0xef: {  	v37 =	vld.idx.msk [tilespmem:v40+s22+$0x0], $0xffff;
	(erf) = vpow2.f32 v39  }
0xf0: {  	v14 =	vadd.f32 v35, v14;
	v35 =	vld.idx.msk [tilespmem:v36+s22+$0x0], $0xffff;
	v36 =	vpop (erf);
	(erf) = vpow2.f32 v34  }
0xf1: {  	v23 =	vadd.f32 v36, v23;
	v34 =	vmul.f32 v36, v19;
	v36 =	vld.idx.msk [tilespmem:v40+s23+$0x0], $0xffff;
	v39 =	vpop (erf);
	(erf) = vpow2.f32 v22  }
0xf2: {  	v22 =	vmul.f32 v14, v33;
	v14 =	vadd.f32 v42, v38;
	v33 =	vld.idx.msk [tilespmem:v32+s23+$0x0], $0xffff  }
0xf3: {  	v38 =	vld.idx.msk [tilespmem:v32+s22+$0x0], $0xffff;
	(erf) = vpow2.f32 v43  }
0xf4: {  	v14 =	vmul.f32 v14, v26;
	(erf) = vpow2.f32 v31  }
0xf5: {  	v30 =	vadd.f32 v39, v30;
	v29 =	vmul.f32 v29, v13;
	v26 =	vmul.f32 v39, v19;
	v31 =	vpop (erf)  }
0xf6: {  	v37 =	vmul.f32 v37, v13;
	v23 =	vadd.f32 v31, v23;
	v31 =	vmul.f32 v31, v22;
	v32 =	vpop (erf)  }
0xf7: {  	v20 =	vadd.f32 v34, v20;
	v21 =	vadd.f32 v26, v21;
	v39 =	vmul.f32 v32, v14  }
0xf8: {  	v23 =	vadd.f32 v32, v23;
	v40 =	vld.idx.msk [tilespmem:v44+s23+$0x0], $0xffff;
	v32 =	vmul.f32 v35, v13;
	v34 =	vpop (erf);
	(erf) = vpow2.f32 v27  }
0xf9: {  	v35 =	vadd.f32 v24, v36;
	v27 =	vmul.f32 $1.442695020e+00, v37;
	(erf) = vpow2.f32 v28;
	v26 =	vpop (erf)  }
.Ltmp2:
0xfa: {  	v36 =	vmul.f32 v38, v13;
	v37 =	vmul.f32 $1.442695020e+00, v29;
	v30 =	vadd.f32 v34, v30;
	v28 =	vpop (erf);
	(pc) =	sbr.rel @p0 .LBB2_7-.Ltmp2, $4  }
0xfb: {  	v31 =	vadd.f32 v31, v20;
	v20 =	vmul.f32 v26, v14;
	(erf) = vpow2.f32 v27  }
0xfc: {  	v38 =	vadd.f32 v33, v35;
	v27 =	vmul.f32 v34, v22;
	v29 =	vmul.f32 v28, v22;
	v24 =	vpop (erf)  }
0xfd: {  	v34 =	vadd.f32 v24, v25;
	v35 =	vmul.f32 v24, v19;
	v24 =	vadd.f32 v39, v31;
	v33 =	vpop (erf)  }
0xfe: {  	s10 =	sadd.s32 $0x10, s10;
	v25 =	vadd.f32 v40, v38;
	v31 =	vmul.f32 $1.442695020e+00, v36;
	(erf) = vpow2.f32 v37  }
0xff: {  	v4 =	vmul.f32 $1.442695020e+00, v32  }
0x100: {  	(erf) = vpow2.f32 v16  }
0x101: {  	(erf) = vpow2.f32 v4;
	_ =	sdelay $0x1  }
0x102: {  	(erf) = vpow2.f32 v31;
	_ =	sdelay $0x1  }
0x103: {  	v4 =	vpop (erf)  }
0x104: {  	v5 =	vpop (erf)  }
0x105: {  	v6 =	vadd.f32 v33, v18;
	v7 =	vpop (erf)  }
0x106: {  	v8 =	vpop (erf)  }
0x107: {  	v6 =	vadd.f32 v28, v6;
	v9 =	vadd.f32 v5, v30;
	v10 =	vpop (erf)  }
0x108: {  	v11 =	vadd.f32 v4, v34;
	v12 =	vadd.f32 v7, v23;
	v49 =	vpop (erf)  }
0x109: {  	v6 =	vadd.f32 v10, v6;
	v9 =	vadd.f32 v49, v9  }
0x10a: {  	(erf) = vrcp.f32 v12;
	v50 =	vpop (erf)  }
0x10b: {  	v11 =	vadd.f32 v26, v11;
	v6 =	vadd.f32 v50, v6;
	(erf) = vrcp.f32 v9;
	_ =	sdelay $0x1  }
0x10c: {  	v51 =	vmul.f32 v33, v19;
	v11 =	vadd.f32 v8, v11;
	(erf) = vrcp.f32 v6  }
0x10d: {  	v53 =	vadd.f32 v27, v21;
	v13 =	vmul.f32 v25, v13;
	v5 =	vmul.f32 v5, v14  }
0x10e: {  	v52 =	vadd.f32 v35, v15;
	v9 =	vadd.f32 v51, v17;
	(erf) = vrcp.f32 v11  }
0x10f: {  	v4 =	vmul.f32 v4, v22;
	v7 =	vmul.f32 v7, v13;
	v5 =	vadd.f32 v5, v53  }
0x110: {  	v10 =	vmul.f32 v10, v14;
	v54 =	vmul.f32 v49, v13;
	v9 =	vadd.f32 v29, v9  }
0x111: {  	v4 =	vadd.f32 v4, v52;
	v55 =	vadd.f32 v7, v24  }
0x112: {  	v57 =	vmul.f32 v50, v13;
	v5 =	vadd.f32 v54, v5;
	v56 =	vadd.f32 v10, v9;
	v58 =	vpop (erf)  }
0x113: {  	v8 =	vmul.f32 v8, v13;
	v4 =	vadd.f32 v20, v4;
	v59 =	vpop (erf)  }
0x114: {  	v6 =	vmul.f32 v55, v58;
	v7 =	vadd.f32 v57, v56;
	v5 =	vmul.f32 v5, v59  }
0x115: {  	v60 =	vpop (erf)  }
0x116: {  	v4 =	vadd.f32 v8, v4;
	v61 =	vmul.f32 v7, v60;
	v5 =	vadd.f32 v5, v6  }
0x117: {  	v62 =	vpop (erf)  }
0x118: {  	v4 =	vmul.f32 v4, v62;
	v5 =	vadd.f32 v61, v5  }
0x119: {  	v63 =	vld [tilespmem:s26+$0x12A00]  }
0x11a: {  	v4 =	vadd.f32 v4, v5  }
0x11b: {  	v5 =	vld [tilespmem:s26+$0x12B00]  }
0x11c: {  	s18 =	sadd.s32 $0x1, s18;
	v4 =	vadd.f32 v4, v3  }
0x11d: {  	p0 =	sne.s32 s18, $0x8  }
.Ltmp3:
0x11e: {  	v4 =	vadd.f32 v63, v4;
	(pc) =	sbr.rel @p0 .LBB2_6-.Ltmp3, $3  }
0x11f: {  	_ = 	snop  }
0x120: {  	v4 =	vadd.f32 v5, v4;
	_ =	sdelay $0x1  }
0x121: {  	[tilespmem:s26+$0x12C00] =	vst v4  }
0x122: {  	s1 =	simm.s32 $0x0;
	s9 =	rddreg [dreg:$0x6]  }
0x123: {  	[hbm4b:s9+s1] =	stream.linear.scatter [tilespmem:s29], [sflag:$0x3], $0x80, $0x38;
	[tilespmem:$0x12C90] =	vst v63  }
0x124: {  	v4 =	vmov s1;
	_ =	swait.ge [sflag:s19], $0x80  }
0x125: {  	v4 =	vshll.u32 v4, $0x3;
	[sflag:s19] =	ssyncset.done $0x0  }
0x126: {  	v4 =	vor.u32 v1, v4;
	s15 =	rddreg [dreg:$0x7];
	[sflag:s19] =	ssyncadd.s32 $0xFFFFFF80  }
0x127: {  	[tilespmem:s1], [sflag:$0x3] =	stream.linear.gather [hbm4b:s15+s1], $0x400, $0x38;
	[tilespmem:$0x12C90] =	vst v63  }
0x128: {  	_ =	swait.ge [sflag:s19], $0x400  }
0x129: {  	[sflag:s19] =	ssyncset.done $0x0  }
0x12a: {  	[sflag:s19] =	ssyncadd.s32 $0xFFFFFC00  }
0x12b: {  	v5 =	vld.idx.msk [tilespmem:v4+s2+$0x0], $0xffff  }
0x12c: {  	v4 =	vor.u32 $0x1, v4;
	_ =	sdelay $0x2  }
0x12d: {  	s18 =	simm.s32 $0x800;
	s26 =	simm.s32 $0x10  }
0x12e: {  	[tilespmem:s18+$0x0] =	vst v5;
	v5 =	vmov s26  }
0x12f: {  	v4 =	vld.idx.msk [tilespmem:v4+s2+$0x0], $0xffff;
	v5 =	vshll.u32 v5, $0x3  }
0x130: {  	v5 =	vor.u32 v1, v5;
	_ =	sdelay $0x2  }
0x131: {  	s1 =	simm.s32 $0x900  }
0x132: {  	[tilespmem:s1+$0x0] =	vst v4  }
0x133: {  	v4 =	vld.idx.msk [tilespmem:v5+s2+$0x0], $0xffff  }
0x134: {  	v6 =	vor.u32 $0x1, v5;
	_ =	sdelay $0x2  }
0x135: {  	s9 =	simm.s32 $0x810  }
0x136: {  	s10 =	simm.s32 $0x20;
	[tilespmem:s9+$0x0] =	vst v4  }
0x137: {  	v5 =	vmov s10;
	s10 =	simm.s32 $0x30;
	v4 =	vld.idx.msk [tilespmem:v6+s2+$0x0], $0xffff  }
.LBB2_10:
0x138: {  	p0 =	sne.s32 s10, $0x70;
	v5 =	vshll.u32 v5, $0x3  }
0x139: {  	v5 =	vor.u32 v1, v5;
	_ =	sdelay $0x2  }
0x13a: {  	s1 =	sadd.s32 $0x10, s1  }
0x13b: {  	[tilespmem:s1+$0x0] =	vst v4  }
0x13c: {  	v4 =	vld.idx.msk [tilespmem:v5+s2+$0x0], $0xffff;
	_ =	sdelay $0x1  }
0x13d: {  	v6 =	vor.u32 $0x1, v5  }
.Ltmp4:
0x13e: {  	(pc) =	sbr.rel @p0 .LBB2_10-.Ltmp4, $4  }
0x13f: {  	_ = 	snop  }
0x140: {  	s9 =	sadd.s32 $0x10, s9  }
0x141: {  	[tilespmem:s9+$0x0] =	vst v4  }
0x142: {  	v5 =	vmov s10;
	s10 =	sadd.s32 $0x10, s10;
	v4 =	vld.idx.msk [tilespmem:v6+s2+$0x0], $0xffff  }
0x143: {  	v5 =	vshll.u32 v5, $0x3  }
0x144: {  	v5 =	vor.u32 v1, v5;
	_ =	sdelay $0x2  }
0x145: {  	s1 =	sadd.s32 $0x10, s1  }
0x146: {  	[tilespmem:s1+$0x0] =	vst v4  }
0x147: {  	v4 =	vld.idx.msk [tilespmem:v5+s2+$0x0], $0xffff  }
0x148: {  	v5 =	vor.u32 $0x1, v5;
	_ =	sdelay $0x2  }
0x149: {  	s9 =	sadd.s32 $0x10, s9  }
0x14a: {  	[tilespmem:s9+$0x0] =	vst v4  }
0x14b: {  	v4 =	vld.idx.msk [tilespmem:v5+s2+$0x0], $0xffff;
	_ =	sdelay $0x3  }
0x14c: {  	s1 =	sadd.s32 $0x10, s1  }
0x14d: {  	[tilespmem:s1+$0x0] =	vst v4  }
0x14e: {  	[tilespmem:s22], [sflag:$0x1] =	stream.indirect.gather [hbm4b:s8+s20], $0x80, s21, s20, $0xb8;
	[tilespmem:$0x12C90] =	vst v63  }
0x14f: {  	_ = 	snop  }
0x150: {  	[tilespmem:s23], [sflag:$0x1] =	stream.indirect.gather [hbm4b:s7+s20], $0x80, s21, s20, $0xb8;
	[tilespmem:$0x12C90] =	vst v63  }
0x151: {  	_ = 	snop  }
0x152: {  	[tilespmem:s25], [sflag:$0x1] =	stream.indirect.gather [hbm4b:s3+s20], $0x20, s24, s20, $0xb8;
	[tilespmem:$0x12C90] =	vst v63  }
0x153: {  	s18 =	simm.s32 $0x12A00  }
0x154: {  	[tilespmem:s18], [sflag:$0x1] =	stream.indirect.gather [hbm4b:s5+s20], $0x1, s21, s20, $0xb8;
	[tilespmem:$0x12C90] =	vst v63  }
0x155: {  	s26 =	simm.s32 $0x12B00  }
0x156: {  	[tilespmem:s26], [sflag:$0x1] =	stream.indirect.gather [hbm4b:s6+s20], $0x1, s24, s20, $0xb8;
	[tilespmem:$0x12C90] =	vst v63  }
0x157: {  	_ =	swait.ge [sflag:s31], $0x4000  }
0x158: {  	[sflag:s31] =	ssyncset.done $0x0  }
0x159: {  	[sflag:s31] =	ssyncadd.s32 $0xFFFFC000  }
0x15a: {  	_ =	swait.ge [sflag:s31], $0x4000  }
0x15b: {  	[sflag:s31] =	ssyncset.done $0x0  }
0x15c: {  	[sflag:s31] =	ssyncadd.s32 $0xFFFFC000  }
0x15d: {  	_ =	swait.ge [sflag:s31], $0x1000  }
0x15e: {  	[sflag:s31] =	ssyncset.done $0x0  }
0x15f: {  	[sflag:s31] =	ssyncadd.s32 $0xFFFFF000  }
0x160: {  	_ =	swait.ge [sflag:s31], $0x80  }
0x161: {  	[sflag:s31] =	ssyncset.done $0x0  }
0x162: {  	[sflag:s31] =	ssyncadd.s32 $0xFFFFFF80  }
0x163: {  	_ =	swait.ge [sflag:s31], $0x80  }
0x164: {  	[sflag:s31] =	ssyncset.done $0x0  }
0x165: {  	s1 =	simm.s32 $0x0;
	s18 =	simm.s32 $0x0;
	[sflag:s31] =	ssyncadd.s32 $0xFFFFFF80  }
.LBB2_12:
0x166: {  	s9 =	simm.s32 $0x0;
	s26 =	sshll.u32 s18, $0x4;
	v9 =	vmov s1  }
0x167: {  	s13 =	simm.s32 $0x2;
	v4 =	vmov s9;
	v5 =	vor.u32 s26, v0;
	v9 =	vand.u32 $0x1C, v9  }
0x168: {  	v16 =	vmov s13;
	v6 =	vshrl.u32 v4, $0x3;
	v7 =	vshll.u32 v5, $0x5  }
0x169: {  	v4 =	vshll.u32 v5, $0x7;
	v9 =	vbroadcast v9, $0x0;
	v16 =	vand.u32 $0x1E, v16  }
0x16a: {  	v8 =	vshll.u32 v6, v2;
	v5 =	vadd.s32 $0x1000, v7;
	v16 =	vbroadcast v16, $0x0  }
0x16b: {  	v6 =	vadd.s32 $0x4000, v4;
	v7 =	vbroadcast v8, $0x0;
	v9 =	vor.u32 v5, v9  }
0x16c: {  	v11 =	vadd.s32 $0x4002, v8;
	v12 =	vadd.s32 $0x4001, v8;
	v16 =	vor.u32 v5, v16  }
0x16d: {  	s11 =	simm.s32 $0x1;
	s12 =	simm.s32 $0x4;
	v8 =	vadd.s32 $0x4003, v8;
	v11 =	vbroadcast v11, $0x0;
	v7 =	vor.u32 v6, v7  }
0x16e: {  	v10 =	vmov s11;
	v13 =	vmov s12;
	v8 =	vbroadcast v8, $0x0  }
0x16f: {  	v13 =	vshrl.u32 v13, $0x3;
	v12 =	vbroadcast v12, $0x0;
	v11 =	vadd.s32 v4, v11  }
0x170: {  	v10 =	vand.u32 $0x1D, v10;
	v13 =	vshll.u32 v13, v2;
	v14 =	vadd.s32 v4, v8;
	v9 =	vld.idx.msk [tilespmem:v9+s25+$0x0], $0xffff  }
0x171: {  	s10 =	simm.s32 $0x8;
	v17 =	vadd.s32 $0x4004, v13;
	v8 =	vbroadcast v10, $0x0;
	v10 =	vadd.s32 v4, v12;
	v16 =	vld.idx.msk [tilespmem:v16+s25+$0x0], $0xffff  }
0x172: {  	v19 =	vmov s10;
	v17 =	vbroadcast v17, $0x0;
	v15 =	vld.idx.msk [tilespmem:v7+s22+$0x0], $0xffff  }
0x173: {  	v19 =	vshrl.u32 v19, $0x3;
	v20 =	vadd.s32 $0x4007, v13;
	v7 =	vld.idx.msk [tilespmem:v7+s23+$0x0], $0xffff  }
0x174: {  	v19 =	vshll.u32 v19, v2;
	v20 =	vbroadcast v20, $0x0;
	v17 =	vadd.s32 v4, v17;
	v18 =	vld.idx.msk [tilespmem:v11+s22+$0x0], $0xffff  }
0x175: {  	s14 =	simm.s32 $0xC;
	v24 =	vadd.s32 $0x4002, v19;
	v21 =	vld.idx.msk [tilespmem:v14+s22+$0x0], $0xffff  }
0x176: {  	v29 =	vmov s14;
	v24 =	vbroadcast v24, $0x0;
	v20 =	vadd.s32 v4, v20;
	v22 =	vld.idx.msk [tilespmem:v10+s23+$0x0], $0xffff  }
0x177: {  	v29 =	vshrl.u32 v29, $0x3;
	v8 =	vor.u32 v5, v8;
	v11 =	vld.idx.msk [tilespmem:v11+s23+$0x0], $0xffff  }
0x178: {  	v29 =	vshll.u32 v29, v2;
	v12 =	vadd.s32 $0x4006, v13;
	v24 =	vadd.s32 v4, v24;
	v14 =	vld.idx.msk [tilespmem:v14+s23+$0x0], $0xffff  }
0x179: {  	v23 =	vadd.s32 $0x4003, v19;
	v13 =	vadd.s32 $0x4005, v13;
	v12 =	vbroadcast v12, $0x0;
	v27 =	vld.idx.msk [tilespmem:v17+s23+$0x0], $0xffff  }
0x17a: {  	v25 =	vadd.s32 $0x4001, v19;
	v19 =	vbroadcast v19, $0x0;
	v13 =	vbroadcast v13, $0x0;
	v10 =	vld.idx.msk [tilespmem:v10+s22+$0x0], $0xffff  }
0x17b: {  	v31 =	vadd.s32 $0x4007, v29;
	v32 =	vadd.s32 $0x4006, v29;
	v12 =	vadd.s32 v4, v12;
	v30 =	vld.idx.msk [tilespmem:v20+s22+$0x0], $0xffff  }
0x17c: {  	s15 =	simm.s32 $0x3;
	v23 =	vbroadcast v23, $0x0;
	v25 =	vbroadcast v25, $0x0;
	v13 =	vadd.s32 v4, v13;
	v8 =	vld.idx.msk [tilespmem:v8+s25+$0x0], $0xffff  }
0x17d: {  	v49 =	vmov s15;
	v31 =	vbroadcast v31, $0x0;
	v51 =	vbroadcast v32, $0x0;
	v48 =	vld.idx.msk [tilespmem:v24+s22+$0x0], $0xffff  }
0x17e: {  	v23 =	vadd.s32 v4, v23;
	v17 =	vld.idx.msk [tilespmem:v17+s22+$0x0], $0xffff;
	v18 =	vmul.f32 v18, v9;
	v21 =	vmul.f32 v21, v9  }
0x17f: {  	v20 =	vld.idx.msk [tilespmem:v20+s23+$0x0], $0xffff;
	v15 =	vmul.f32 v15, v9;
	v7 =	vadd.f32 v22, v7;
	v10 =	vmul.f32 v10, v9  }
0x180: {  	v19 =	vadd.s32 v6, v19;
	v26 =	vld.idx.msk [tilespmem:v12+s22+$0x0], $0xffff;
	v18 =	vmul.f32 $1.442695020e+00, v18;
	v21 =	vmul.f32 $1.442695020e+00, v21  }
0x181: {  	v34 =	vld.idx.msk [tilespmem:v13+s23+$0x0], $0xffff;
	v7 =	vadd.f32 v11, v7;
	v11 =	vmul.f32 $1.442695020e+00, v15;
	v30 =	vmul.f32 v30, v8  }
0x182: {  	v13 =	vld.idx.msk [tilespmem:v13+s22+$0x0], $0xffff;
	v15 =	vadd.s32 v4, v25;
	v25 =	vmul.f32 v48, v16;
	v10 =	vmul.f32 $1.442695020e+00, v10  }
0x183: {  	v17 =	vmul.f32 v17, v8;
	(erf) = vpow2.f32 v18;
	v18 =	vld.idx.msk [tilespmem:v24+s23+$0x0], $0xffff;
	v24 =	vand.u32 $0x1F, v49  }
0x184: {  	v22 =	vld.idx.msk [tilespmem:v23+s22+$0x0], $0xffff;
	(erf) = vpow2.f32 v21;
	v24 =	vbroadcast v24, $0x0  }
0x185: {  	v31 =	vadd.s32 v4, v31;
	v26 =	vmul.f32 v26, v8;
	(erf) = vpow2.f32 v11;
	v11 =	vld.idx.msk [tilespmem:v19+s22+$0x0], $0xffff  }
0x186: {  	v21 =	vadd.s32 $0x4004, v29;
	v29 =	vadd.s32 $0x4005, v29;
	v19 =	vld.idx.msk [tilespmem:v19+s23+$0x0], $0xffff;
	v24 =	vor.u32 v5, v24  }
0x187: {  	v28 =	vimm.f32 $0.0e+00;
	v26 =	vmul.f32 $1.442695020e+00, v26;
	v29 =	vbroadcast v29, $0x0;
	v33 =	vld.idx.msk [tilespmem:v15+s23+$0x0], $0xffff  }
0x188: {  	v53 =	vadd.f32 v34, v27;
	v13 =	vmul.f32 v13, v8;
	v25 =	vmul.f32 $1.442695020e+00, v25;
	v15 =	vld.idx.msk [tilespmem:v15+s22+$0x0], $0xffff  }
0x189: {  	v52 =	vld.idx.msk [tilespmem:v12+s23+$0x0], $0xffff;
	v21 =	vbroadcast v21, $0x0;
	(erf) = vpow2.f32 v26;
	v50 =	vadd.s32 v4, v29  }
0x18a: {  	v29 =	vadd.s32 v4, v51;
	(erf) = vpow2.f32 v10;
	v10 =	vld.idx.msk [tilespmem:v31+s22+$0x0], $0xffff;
	v11 =	vmul.f32 v11, v16  }
0x18b: {  	v7 =	vadd.f32 v14, v7;
	v14 =	vmul.f32 $1.442695020e+00, v30;
	v17 =	vmul.f32 $1.442695020e+00, v17;
	v12 =	vld.idx.msk [tilespmem:v24+s25+$0x0], $0xffff  }
0x18c: {  	v22 =	vmul.f32 v22, v16;
	v21 =	vadd.s32 v4, v21;
	v11 =	vmul.f32 $1.442695020e+00, v11  }
0x18d: {  	v23 =	vld.idx.msk [tilespmem:v23+s23+$0x0], $0xffff;
	v13 =	vmul.f32 $1.442695020e+00, v13;
	v19 =	vadd.f32 v33, v19;
	v15 =	vmul.f32 v15, v16  }
0x18e: {  	v7 =	vmul.f32 v7, v9;
	v22 =	vmul.f32 $1.442695020e+00, v22;
	v24 =	vadd.f32 v52, v53;
	v55 =	vld.idx.msk [tilespmem:v50+s22+$0x0], $0xffff  }
0x18f: {  	v58 =	vld.idx.msk [tilespmem:v29+s22+$0x0], $0xffff;
	v9 =	vadd.f32 v18, v19;
	v59 =	vmul.f32 $1.442695020e+00, v15;
	(erf) = vpow2.f32 v11  }
0x190: {  	v19 =	vld.idx.msk [tilespmem:v50+s23+$0x0], $0xffff;
	v15 =	vadd.f32 v20, v24;
	v11 =	vpop (erf);
	(erf) = vpow2.f32 v25;
	v20 =	vmul.f32 v10, v12  }
0x191: {  	v54 =	vpop (erf);
	(erf) = vpow2.f32 v17;
	v17 =	vld.idx.msk [tilespmem:v21+s23+$0x0], $0xffff;
	v57 =	vadd.f32 v11, v28;
	v11 =	vmul.f32 v11, v7  }
0x192: {  	v23 =	vadd.f32 v23, v9;
	v18 =	vpop (erf);
	v9 =	vmul.f32 v54, v7;
	v20 =	vmul.f32 $1.442695020e+00, v20  }
0x193: {  	v56 =	vadd.f32 v18, v28;
	v18 =	vmul.f32 v18, v7;
	v60 =	vpop (erf);
	v11 =	vadd.f32 v11, v28  }
0x194: {  	v29 =	vld.idx.msk [tilespmem:v29+s23+$0x0], $0xffff;
	v26 =	vadd.f32 v60, v57;
	v62 =	vpop (erf);
	(erf) = vpow2.f32 v13;
	v13 =	vmul.f32 v15, v8  }
0x195: {  	v61 =	vadd.f32 v18, v28;
	v18 =	vmul.f32 v55, v12;
	(erf) = vpow2.f32 v14  }
0x196: {  	v31 =	vld.idx.msk [tilespmem:v31+s23+$0x0], $0xffff;
	v35 =	vmul.f32 v62, v7;
	v17 =	vadd.f32 v19, v17;
	v19 =	vmul.f32 v58, v12  }
0x197: {  	v10 =	vadd.f32 v9, v28;
	(erf) = vpow2.f32 v22;
	v22 =	vmul.f32 $1.442695020e+00, v18  }
0x198: {  	v30 =	vadd.f32 v62, v28;
	v24 =	vmul.f32 v60, v13;
	v9 =	vpop (erf);
	v15 =	vmul.f32 $1.442695020e+00, v19  }
0x199: {  	v14 =	vadd.f32 v54, v28;
	v8 =	vadd.f32 v29, v17;
	v7 =	vpop (erf);
	(erf) = vpow2.f32 v22  }
0x19a: {  	v18 =	vadd.f32 v35, v28;
	v11 =	vadd.f32 v24, v11;
	v19 =	vpop (erf);
	(erf) = vpow2.f32 v15  }
0x19b: {  	v8 =	vadd.f32 v31, v8;
	v15 =	vmul.f32 v23, v16;
	v23 =	vld.idx.msk [tilespmem:v21+s22+$0x0], $0xffff;
	v63 =	vmul.f32 v19, v13  }
0x19c: {  	v17 =	vadd.f32 v7, v26;
	v22 =	vadd.f32 v19, v56  }
0x19d: {  	(erf) = vpow2.f32 v20;
	v8 =	vmul.f32 v8, v12;
	v20 =	vadd.f32 v63, v61;
	v19 =	vpop (erf)  }
0x19e: {  	s10 =	simm.s32 $0x4;
	s9 =	simm.s32 $0x1C;
	(erf) = vpow2.f32 v59;
	v16 =	vadd.f32 v19, v30;
	v21 =	vmul.f32 v19, v13;
	v19 =	vpop (erf)  }
.LBB2_13:
0x19f: {  	s12 =	sadd.s32 $0xFFFFFFF4, s9  }
0x1a0: {  	v24 =	vmov s10;
	s13 =	sadd.s32 $0x1, s10;
	s14 =	sadd.s32 $0x2, s10;
	v25 =	vmul.f32 v9, v15;
	v12 =	vmul.f32 v23, v12;
	v23 =	vpop (erf);
	s11 =	smov.u32 s10  }
0x1a1: {  	s15 =	sadd.s32 $0xFFFFFFFC, s9;
	v22 =	vadd.f32 v9, v22;
	v26 =	vmov s12;
	v27 =	vmov s13;
	s13 =	sadd.s32 $0xFFFFFFF8, s9;
	s12 =	sadd.s32 $0x4, s10  }
0x1a2: {  	p0 =	slt.u32 s10, $0x1C;
	v9 =	vshrl.u32 v26, $0x3;
	v26 =	vand.u32 $0x1D, v27;
	v12 =	vmul.f32 $1.442695020e+00, v12  }
0x1a3: {  	v18 =	vadd.f32 v21, v18;
	v27 =	vmov s14;
	v31 =	vshll.u32 v9, v2;
	v21 =	vpop (erf)  }
0x1a4: {  	v28 =	vadd.s32 $0x4001, v31;
	v29 =	vadd.s32 $0x4002, v31;
	(erf) = vpow2.f32 v12  }
0x1a5: {  	v20 =	vadd.f32 v25, v20;
	v12 =	vbroadcast v31, $0x0;
	v30 =	vadd.s32 $0x4003, v31;
	v9 =	vpop (erf)  }
0x1a6: {  	v25 =	vbroadcast v29, $0x0;
	v29 =	vmov s13;
	v31 =	vmul.f32 v9, v8;
	v32 =	vpop (erf)  }
0x1a7: {  	v24 =	vand.u32 $0x1C, v24;
	v12 =	vor.u32 v6, v12;
	v9 =	vadd.f32 v9, v17  }
0x1a8: {  	v17 =	vshrl.u32 v29, $0x3;
	v25 =	vadd.s32 v4, v25;
	v29 =	vmul.f32 v32, v8;
	v33 =	vpop (erf)  }
0x1a9: {  	v34 =	vadd.f32 v19, v14;
	v24 =	vbroadcast v24, $0x0;
	v17 =	vshll.u32 v17, v2  }
0x1aa: {  	v13 =	vmul.f32 v19, v13;
	v14 =	vbroadcast v30, $0x0;
	v30 =	vadd.s32 $0x4007, v17  }
0x1ab: {  	v35 =	vmul.f32 v23, v15;
	v19 =	vor.u32 v5, v24;
	v24 =	vmov s15  }
0x1ac: {  	v28 =	vbroadcast v28, $0x0;
	v36 =	vadd.s32 v4, v14;
	v14 =	vand.u32 $0x1E, v27;
	v37 =	vld.idx.msk [tilespmem:v12+s22+$0x0], $0xffff  }
0x1ad: {  	v10 =	vadd.f32 v13, v10;
	v26 =	vbroadcast v26, $0x0;
	v27 =	vadd.s32 $0x4004, v17;
	v12 =	vld.idx.msk [tilespmem:v12+s23+$0x0], $0xffff;
	v38 =	vpop (erf)  }
0x1ae: {  	v28 =	vadd.s32 v4, v28;
	v13 =	vadd.s32 $0x4006, v17;
	v40 =	vmul.f32 v33, v15;
	v39 =	vld.idx.msk [tilespmem:v25+s22+$0x0], $0xffff  }
0x1af: {  	v10 =	vadd.f32 v35, v10;
	v26 =	vor.u32 v5, v26;
	v27 =	vbroadcast v27, $0x0  }
0x1b0: {  	v35 =	vadd.s32 $0x4005, v17;
	v13 =	vbroadcast v13, $0x0;
	v18 =	vadd.f32 v40, v18  }
0x1b1: {  	v30 =	vbroadcast v30, $0x0;
	v10 =	vadd.f32 v29, v10;
	v27 =	vadd.s32 v4, v27  }
0x1b2: {  	v17 =	vld.idx.msk [tilespmem:v19+s25+$0x0], $0xffff;
	v19 =	vadd.s32 v4, v13;
	v13 =	vbroadcast v14, $0x0;
	v14 =	vmul.f32 v38, v8  }
0x1b3: {  	v24 =	vshrl.u32 v24, $0x3;
	v33 =	vadd.f32 v33, v16;
	v30 =	vadd.s32 v4, v30;
	v29 =	vld.idx.msk [tilespmem:v36+s22+$0x0], $0xffff  }
0x1b4: {  	v24 =	vshll.u32 v24, v2;
	v40 =	vld.idx.msk [tilespmem:v28+s23+$0x0], $0xffff;
	v41 =	vor.u32 v5, v13;
	v16 =	vadd.f32 v14, v20  }
0x1b5: {  	v42 =	vadd.s32 $0x4003, v24;
	v14 =	vadd.f32 v21, v33;
	v20 =	vld.idx.msk [tilespmem:v25+s23+$0x0], $0xffff;
	v25 =	vadd.s32 $0x4001, v24  }
0x1b6: {  	v7 =	vmul.f32 v7, v15;
	v33 =	vbroadcast v42, $0x0;
	v13 =	vld.idx.msk [tilespmem:v26+s25+$0x0], $0xffff;
	v26 =	vadd.s32 $0x4002, v24  }
0x1b7: {  	v23 =	vadd.f32 v23, v34;
	v22 =	vadd.f32 v38, v22;
	v42 =	vld.idx.msk [tilespmem:v19+s22+$0x0], $0xffff;
	v15 =	vbroadcast v26, $0x0  }
0x1b8: {  	v11 =	vadd.f32 v7, v11;
	v25 =	vbroadcast v25, $0x0;
	v33 =	vadd.s32 v4, v33;
	v26 =	vld.idx.msk [tilespmem:v36+s23+$0x0], $0xffff  }
0x1b9: {  	v7 =	vadd.f32 v32, v23;
	v24 =	vbroadcast v24, $0x0;
	v34 =	vld.idx.msk [tilespmem:v27+s23+$0x0], $0xffff;
	v36 =	vadd.s32 v4, v15  }
0x1ba: {  	v32 =	vmov s9;
	v23 =	vbroadcast v35, $0x0;
	v21 =	vmul.f32 v21, v8;
	v27 =	vld.idx.msk [tilespmem:v27+s22+$0x0], $0xffff  }
0x1bb: {  	v8 =	vadd.f32 v31, v11;
	v35 =	vmul.f32 v39, v17;
	v29 =	vmul.f32 v29, v17;
	v38 =	vld.idx.msk [tilespmem:v30+s22+$0x0], $0xffff  }
0x1bc: {  	v24 =	vadd.s32 v6, v24;
	v11 =	vadd.f32 v40, v12;
	v12 =	vmul.f32 v37, v17;
	v15 =	vld.idx.msk [tilespmem:v41+s25+$0x0], $0xffff  }
0x1bd: {  	v32 =	vshrl.u32 v32, $0x3;
	v31 =	vmul.f32 $1.442695020e+00, v35;
	v29 =	vmul.f32 $1.442695020e+00, v29;
	v35 =	vld.idx.msk [tilespmem:v33+s22+$0x0], $0xffff  }
0x1be: {  	v11 =	vadd.f32 v20, v11;
	v12 =	vmul.f32 $1.442695020e+00, v12;
	v20 =	vadd.s32 v4, v25;
	v25 =	vld.idx.msk [tilespmem:v36+s22+$0x0], $0xffff  }
0x1bf: {  	s10 =	sadd.s32 $0x3, s11;
	v23 =	vadd.s32 v4, v23;
	v18 =	vadd.f32 v21, v18;
	v36 =	vld.idx.msk [tilespmem:v36+s23+$0x0], $0xffff;
	(erf) = vpow2.f32 v31  }
0x1c0: {  	v31 =	vshll.u32 v32, v2;
	v21 =	vld.idx.msk [tilespmem:v28+s22+$0x0], $0xffff;
	v28 =	vmov s10;
	(erf) = vpow2.f32 v29  }
0x1c1: {  	v32 =	vadd.s32 $0x4004, v31;
	v37 =	vadd.s32 $0x4007, v31;
	v29 =	vld.idx.msk [tilespmem:v24+s22+$0x0], $0xffff;
	(erf) = vpow2.f32 v12  }
0x1c2: {  	v39 =	vadd.s32 $0x4006, v31;
	v12 =	vmul.f32 v42, v13;
	v32 =	vbroadcast v32, $0x0;
	v24 =	vld.idx.msk [tilespmem:v24+s23+$0x0], $0xffff  }
0x1c3: {  	v28 =	vand.u32 $0x1F, v28;
	v37 =	vbroadcast v37, $0x0;
	v35 =	vmul.f32 v35, v15;
	v40 =	vld.idx.msk [tilespmem:v20+s23+$0x0], $0xffff  }
0x1c4: {  	v31 =	vadd.s32 $0x4005, v31;
	v28 =	vbroadcast v28, $0x0;
	v12 =	vmul.f32 $1.442695020e+00, v12;
	v20 =	vld.idx.msk [tilespmem:v20+s22+$0x0], $0xffff  }
0x1c5: {  	v38 =	vmul.f32 v38, v13;
	v31 =	vbroadcast v31, $0x0;
	v37 =	vadd.s32 v4, v37;
	v41 =	vld.idx.msk [tilespmem:v23+s23+$0x0], $0xffff  }
0x1c6: {  	v28 =	vor.u32 v5, v28;
	v21 =	vmul.f32 v21, v17;
	v23 =	vld.idx.msk [tilespmem:v23+s22+$0x0], $0xffff;
	(erf) = vpow2.f32 v12  }
0x1c7: {  	v25 =	vmul.f32 v25, v15;
	v12 =	vmul.f32 v29, v15;
	v29 =	vadd.s32 v4, v31;
	v33 =	vld.idx.msk [tilespmem:v33+s23+$0x0], $0xffff  }
0x1c8: {  	v31 =	vadd.s32 v4, v32;
	v32 =	vbroadcast v39, $0x0;
	v21 =	vmul.f32 $1.442695020e+00, v21;
	v19 =	vld.idx.msk [tilespmem:v19+s23+$0x0], $0xffff;
	v39 =	vpop (erf)  }
0x1c9: {  	v27 =	vmul.f32 v27, v13;
	v24 =	vadd.f32 v40, v24;
	v40 =	vmul.f32 $1.442695020e+00, v12;
	v30 =	vld.idx.msk [tilespmem:v30+s23+$0x0], $0xffff;
	v42 =	vpop (erf)  }
0x1ca: {  	v25 =	vmul.f32 $1.442695020e+00, v25;
	v32 =	vadd.s32 v4, v32;
	v43 =	vld.idx.msk [tilespmem:v37+s22+$0x0], $0xffff;
	v44 =	vpop (erf);
	(erf) = vpow2.f32 v21  }
0x1cb: {  	v11 =	vadd.f32 v26, v11;
	v21 =	vmul.f32 $1.442695020e+00, v38;
	v12 =	vld.idx.msk [tilespmem:v28+s25+$0x0], $0xffff;
	(erf) = vpow2.f32 v40  }
0x1cc: {  	v26 =	vadd.f32 v41, v34;
	v34 =	vmul.f32 $1.442695020e+00, v27;
	v23 =	vmul.f32 v23, v13;
	v28 =	vld.idx.msk [tilespmem:v29+s22+$0x0], $0xffff  }
0x1cd: {  	v11 =	vmul.f32 v11, v17;
	v17 =	vadd.f32 v36, v24;
	v24 =	vld.idx.msk [tilespmem:v29+s23+$0x0], $0xffff;
	(erf) = vpow2.f32 v25  }
0x1ce: {  	v20 =	vmul.f32 v20, v15;
	v19 =	vadd.f32 v19, v26;
	v25 =	vld.idx.msk [tilespmem:v31+s23+$0x0], $0xffff;
	(erf) = vpow2.f32 v34  }
0x1cf: {  	v9 =	vadd.f32 v39, v9;
	v22 =	vadd.f32 v44, v22;
	v23 =	vmul.f32 $1.442695020e+00, v23;
	v26 =	vld.idx.msk [tilespmem:v32+s22+$0x0], $0xffff;
	v27 =	vpop (erf)  }
0x1d0: {  	v33 =	vadd.f32 v33, v17;
	v29 =	vmul.f32 v44, v11;
	v34 =	vmul.f32 $1.442695020e+00, v20;
	v17 =	vld.idx.msk [tilespmem:v32+s23+$0x0], $0xffff  }
0x1d1: {  	v20 =	vmul.f32 v39, v11;
	v19 =	vadd.f32 v30, v19;
	v30 =	vmul.f32 v43, v12  }
0x1d2: {  	v16 =	vadd.f32 v29, v16;
	v29 =	vmul.f32 v42, v11;
	v28 =	vmul.f32 v28, v12  }
0x1d3: {  	v35 =	vmul.f32 $1.442695020e+00, v35;
	v32 =	vadd.f32 v27, v9;
	v36 =	vld.idx.msk [tilespmem:v37+s23+$0x0], $0xffff;
	v37 =	vpop (erf);
	(erf) = vpow2.f32 v23  }
0x1d4: {  	v10 =	vadd.f32 v29, v10;
	v11 =	vmul.f32 v37, v11;
	(erf) = vpow2.f32 v21;
	v9 =	vpop (erf)  }
0x1d5: {  	v21 =	vadd.f32 v24, v25;
	v23 =	vmul.f32 v26, v12;
	(erf) = vpow2.f32 v35  }
0x1d6: {  	v24 =	vadd.f32 v37, v14;
	v14 =	vadd.f32 v42, v7;
	v25 =	vmul.f32 $1.442695020e+00, v28;
	v7 =	vpop (erf)  }
0x1d7: {  	v13 =	vmul.f32 v19, v13;
	v19 =	vadd.f32 v17, v21;
	v21 =	vmul.f32 $1.442695020e+00, v23;
	v26 =	vpop (erf)  }
0x1d8: {  	v18 =	vadd.f32 v11, v18;
	v17 =	vadd.f32 v7, v32;
	v23 =	vld.idx.msk [tilespmem:v31+s22+$0x0], $0xffff;
	(erf) = vpow2.f32 v25  }
.Ltmp5:
0x1d9: {  	v11 =	vmul.f32 v27, v13;
	v28 =	vadd.f32 v36, v19;
	v25 =	vmul.f32 $1.442695020e+00, v30;
	(pc) =	sbr.rel @p0 .LBB2_13-.Ltmp5, $4  }
0x1da: {  	v27 =	vadd.f32 v20, v8;
	v20 =	vmul.f32 v26, v13;
	(erf) = vpow2.f32 v21  }
0x1db: {  	v22 =	vadd.f32 v26, v22;
	v8 =	vmul.f32 v28, v12;
	(erf) = vpow2.f32 v25  }
0x1dc: {  	v15 =	vmul.f32 v33, v15;
	v11 =	vadd.f32 v11, v27;
	v20 =	vadd.f32 v20, v16;
	v19 =	vpop (erf)  }
0x1dd: {  	s9 =	sadd.s32 $0x10, s9;
	s10 =	smov.u32 s12;
	v16 =	vadd.f32 v19, v24;
	v21 =	vmul.f32 v19, v13;
	v19 =	vpop (erf);
	(erf) = vpow2.f32 v34  }
0x1de: {  	v4 =	vmul.f32 v23, v12;
	_ =	sdelay $0x1  }
0x1df: {  	v4 =	vmul.f32 $1.442695020e+00, v4;
	_ =	sdelay $0x1  }
0x1e0: {  	(erf) = vpow2.f32 v4;
	_ =	sdelay $0x3  }
0x1e1: {  	v4 =	vpop (erf)  }
0x1e2: {  	v5 =	vpop (erf)  }
0x1e3: {  	v6 =	vpop (erf)  }
0x1e4: {  	v51 =	vpop (erf)  }
0x1e5: {  	v22 =	vadd.f32 v9, v22;
	v52 =	vpop (erf)  }
0x1e6: {  	v16 =	vadd.f32 v52, v16;
	v24 =	vpop (erf)  }
0x1e7: {  	v22 =	vadd.f32 v24, v22  }
0x1e8: {  	v14 =	vadd.f32 v19, v14;
	v16 =	vadd.f32 v5, v16  }
0x1e9: {  	(erf) = vrcp.f32 v22  }
0x1ea: {  	v14 =	vadd.f32 v4, v14;
	v17 =	vadd.f32 v6, v17;
	(erf) = vrcp.f32 v16;
	_ =	sdelay $0x1  }
0x1eb: {  	v14 =	vadd.f32 v51, v14;
	(erf) = vrcp.f32 v17  }
0x1ec: {  	v53 =	vmul.f32 v9, v15  }
0x1ed: {  	v54 =	vadd.f32 v21, v18;
	v55 =	vmul.f32 v52, v15;
	(erf) = vrcp.f32 v14  }
0x1ee: {  	v13 =	vmul.f32 v19, v13;
	v7 =	vmul.f32 v7, v15;
	v9 =	vadd.f32 v53, v20  }
0x1ef: {  	v5 =	vmul.f32 v5, v8;
	v56 =	vmul.f32 v24, v8;
	v16 =	vadd.f32 v55, v54  }
0x1f0: {  	v10 =	vadd.f32 v13, v10;
	v7 =	vadd.f32 v7, v11;
	v4 =	vmul.f32 v4, v15  }
0x1f1: {  	v6 =	vmul.f32 v6, v8;
	v9 =	vadd.f32 v56, v9;
	v5 =	vadd.f32 v5, v16;
	v57 =	vpop (erf)  }
0x1f2: {  	v4 =	vadd.f32 v4, v10;
	v58 =	vmul.f32 v51, v8;
	v59 =	vpop (erf)  }
0x1f3: {  	v6 =	vadd.f32 v6, v7;
	v60 =	vmul.f32 v9, v57;
	v5 =	vmul.f32 v5, v59  }
0x1f4: {  	v61 =	vpop (erf)  }
0x1f5: {  	v4 =	vadd.f32 v58, v4;
	v6 =	vmul.f32 v6, v61;
	v5 =	vadd.f32 v5, v60  }
0x1f6: {  	v62 =	vpop (erf)  }
0x1f7: {  	v4 =	vmul.f32 v4, v62;
	v5 =	vadd.f32 v6, v5  }
0x1f8: {  	v63 =	vld [tilespmem:s26+$0x12A80]  }
0x1f9: {  	v4 =	vadd.f32 v4, v5  }
0x1fa: {  	v5 =	vld [tilespmem:s26+$0x12B80]  }
0x1fb: {  	s18 =	sadd.s32 $0x1, s18;
	v4 =	vadd.f32 v4, v3  }
0x1fc: {  	p0 =	sne.s32 s18, $0x8  }
.Ltmp6:
0x1fd: {  	v4 =	vadd.f32 v63, v4;
	(pc) =	sbr.rel @p0 .LBB2_12-.Ltmp6, $3  }
0x1fe: {  	_ = 	snop  }
0x1ff: {  	v4 =	vadd.f32 v5, v4;
	_ =	sdelay $0x1  }
0x200: {  	[tilespmem:s26+$0x12C00] =	vst v4  }
0x201: {  	s1 =	simm.s32 $0x0;
	s9 =	rddreg [dreg:$0x8]  }
0x202: {  	[hbm4b:s9+s1] =	stream.linear.scatter [tilespmem:s29], [sflag:$0x3], $0x80, $0x38;
	v4 =	vmov s1;
	[tilespmem:$0x12C90] =	vst v63  }
0x203: {  	_ =	swait.ge [sflag:s19], $0x80;
	v4 =	vshll.u32 v4, $0x3  }
0x204: {  	[sflag:s19] =	ssyncset.done $0x0;
	v4 =	vor.u32 v1, v4  }
0x205: {  	s10 =	simm.s32 $0x400;
	s14 =	rddreg [dreg:$0x9];
	[sflag:s19] =	ssyncadd.s32 $0xFFFFFF80;
	v5 =	vor.u32 $0x400, v4  }
0x206: {  	[tilespmem:s10], [sflag:$0x3] =	stream.linear.gather [hbm4b:s14+s1], $0x400, $0x38;
	[tilespmem:$0x12C90] =	vst v63  }
0x207: {  	_ =	swait.ge [sflag:s19], $0x400  }
0x208: {  	[sflag:s19] =	ssyncset.done $0x0  }
0x209: {  	[sflag:s19] =	ssyncadd.s32 $0xFFFFFC00  }
0x20a: {  	v5 =	vld.idx.msk [tilespmem:v5+s2+$0x0], $0xffff  }
0x20b: {  	v4 =	vor.u32 $0x401, v4;
	_ =	sdelay $0x1  }
0x20c: {  	s15 =	simm.s32 $0x10  }
0x20d: {  	s18 =	simm.s32 $0x880;
	v6 =	vmov s15  }
0x20e: {  	[tilespmem:s18+$0x0] =	vst v5;
	v5 =	vshll.u32 v6, $0x3  }
0x20f: {  	v4 =	vld.idx.msk [tilespmem:v4+s2+$0x0], $0xffff;
	v5 =	vor.u32 v1, v5  }
0x210: {  	v6 =	vor.u32 $0x400, v5;
	_ =	sdelay $0x2  }
0x211: {  	s1 =	simm.s32 $0x980  }
0x212: {  	[tilespmem:s1+$0x0] =	vst v4  }
0x213: {  	v6 =	vld.idx.msk [tilespmem:v6+s2+$0x0], $0xffff  }
0x214: {  	v4 =	vor.u32 $0x401, v5;
	_ =	sdelay $0x2  }
0x215: {  	s26 =	simm.s32 $0x20;
	s9 =	simm.s32 $0x890  }
0x216: {  	s10 =	simm.s32 $0x30;
	v5 =	vmov s26;
	[tilespmem:s9+$0x0] =	vst v6  }
.LBB2_16:
0x217: {  	p0 =	sne.s32 s10, $0x70;
	v5 =	vshll.u32 v5, $0x3;
	v4 =	vld.idx.msk [tilespmem:v4+s2+$0x0], $0xffff  }
0x218: {  	v5 =	vor.u32 v1, v5  }
0x219: {  	v6 =	vor.u32 $0x400, v5;
	_ =	sdelay $0x2  }
0x21a: {  	s1 =	sadd.s32 $0x10, s1  }
0x21b: {  	[tilespmem:s1+$0x0] =	vst v4  }
0x21c: {  	v6 =	vld.idx.msk [tilespmem:v6+s2+$0x0], $0xffff;
	_ =	sdelay $0x1  }
.Ltmp7:
0x21d: {  	v4 =	vor.u32 $0x401, v5;
	(pc) =	sbr.rel @p0 .LBB2_16-.Ltmp7, $3  }
0x21e: {  	_ =	sdelay $0x1  }
0x21f: {  	s9 =	sadd.s32 $0x10, s9  }
0x220: {  	v5 =	vmov s10;
	s10 =	sadd.s32 $0x10, s10;
	[tilespmem:s9+$0x0] =	vst v6  }
0x221: {  	_ =	sdelay $0x2  }
0x222: {  	v5 =	vshll.u32 v5, $0x3  }
0x223: {  	v4 =	vld.idx.msk [tilespmem:v4+s2+$0x0], $0xffff;
	v5 =	vor.u32 v1, v5  }
0x224: {  	v6 =	vor.u32 $0x400, v5;
	_ =	sdelay $0x2  }
0x225: {  	s1 =	sadd.s32 $0x10, s1  }
0x226: {  	[tilespmem:s1+$0x0] =	vst v4  }
0x227: {  	v4 =	vld.idx.msk [tilespmem:v6+s2+$0x0], $0xffff  }
0x228: {  	v5 =	vor.u32 $0x401, v5;
	_ =	sdelay $0x2  }
0x229: {  	s9 =	sadd.s32 $0x10, s9  }
0x22a: {  	[tilespmem:s9+$0x0] =	vst v4  }
0x22b: {  	v4 =	vld.idx.msk [tilespmem:v5+s2+$0x0], $0xffff;
	_ =	sdelay $0x3  }
0x22c: {  	s1 =	sadd.s32 $0x10, s1  }
0x22d: {  	s13 =	simm.s32 $0x4A00;
	[tilespmem:s1+$0x0] =	vst v4  }
0x22e: {  	[tilespmem:s13], [sflag:$0x2] =	stream.indirect.gather [hbm4b:s8+s20], $0x80, s30, s20, $0xb8;
	[tilespmem:$0x12C90] =	vst v63  }
0x22f: {  	s14 =	simm.s32 $0xCA00  }
0x230: {  	[tilespmem:s14], [sflag:$0x2] =	stream.indirect.gather [hbm4b:s7+s20], $0x80, s30, s20, $0xb8;
	[tilespmem:$0x12C90] =	vst v63  }
0x231: {  	s15 =	simm.s32 $0x11A00  }
0x232: {  	[tilespmem:s15], [sflag:$0x2] =	stream.indirect.gather [hbm4b:s3+s20], $0x20, s4, s20, $0xb8;
	[tilespmem:$0x12C90] =	vst v63  }
0x233: {  	s18 =	simm.s32 $0x12A80  }
0x234: {  	[tilespmem:s18], [sflag:$0x2] =	stream.indirect.gather [hbm4b:s5+s20], $0x1, s30, s20, $0xb8;
	[tilespmem:$0x12C90] =	vst v63  }
0x235: {  	s26 =	simm.s32 $0x12B80  }
0x236: {  	[tilespmem:s26], [sflag:$0x2] =	stream.indirect.gather [hbm4b:s6+s20], $0x1, s4, s20, $0xb8;
	[tilespmem:$0x12C90] =	vst v63  }
0x237: {  	_ =	swait.ge [sflag:s28], $0x4000  }
0x238: {  	[sflag:s28] =	ssyncset.done $0x0  }
0x239: {  	[sflag:s28] =	ssyncadd.s32 $0xFFFFC000  }
0x23a: {  	_ =	swait.ge [sflag:s28], $0x4000  }
0x23b: {  	[sflag:s28] =	ssyncset.done $0x0  }
0x23c: {  	[sflag:s28] =	ssyncadd.s32 $0xFFFFC000  }
0x23d: {  	_ =	swait.ge [sflag:s28], $0x1000  }
0x23e: {  	[sflag:s28] =	ssyncset.done $0x0  }
0x23f: {  	[sflag:s28] =	ssyncadd.s32 $0xFFFFF000  }
0x240: {  	_ =	swait.ge [sflag:s28], $0x80  }
0x241: {  	[sflag:s28] =	ssyncset.done $0x0  }
0x242: {  	[sflag:s28] =	ssyncadd.s32 $0xFFFFFF80  }
0x243: {  	_ =	swait.ge [sflag:s28], $0x80  }
0x244: {  	[sflag:s28] =	ssyncset.done $0x0  }
0x245: {  	s1 =	simm.s32 $0x0;
	s18 =	simm.s32 $0x0;
	[sflag:s28] =	ssyncadd.s32 $0xFFFFFF80  }
.LBB2_18:
0x246: {  	s9 =	simm.s32 $0x0  }
0x247: {  	v4 =	vmov s1;
	v5 =	vmov s9  }
0x248: {  	s26 =	sshll.u32 s18, $0x4;
	v4 =	vand.u32 $0x1C, v4;
	v5 =	vshrl.u32 v5, $0x3  }
0x249: {  	v6 =	vor.u32 s26, v0;
	v7 =	vbroadcast v4, $0x0;
	v5 =	vshll.u32 v5, v2  }
0x24a: {  	v4 =	vshll.u32 v6, $0x5;
	v9 =	vbroadcast v5, $0x0  }
0x24b: {  	v5 =	vshll.u32 v6, $0x7;
	v8 =	vor.u32 v4, v7  }
0x24c: {  	s10 =	simm.s32 $0x8;
	v6 =	vor.u32 $0x2, v5;
	v10 =	vor.u32 v5, v9  }
0x24d: {  	v12 =	vmov s10;
	v11 =	vadd.s32 v6, v9  }
0x24e: {  	v12 =	vshrl.u32 v12, $0x3  }
0x24f: {  	v12 =	vshll.u32 v12, v2;
	v7 =	vor.u32 $0x1, v5  }
0x250: {  	s11 =	simm.s32 $0x2;
	v12 =	vbroadcast v12, $0x0;
	v13 =	vadd.s32 v7, v9;
	v14 =	vld.idx.msk [tilespmem:v8+s25+$0x0], $0xffff  }
0x251: {  	v15 =	vmov s11;
	v8 =	vor.u32 $0x3, v5;
	v17 =	vld.idx.msk [tilespmem:v10+s23+$0x0], $0xffff  }
0x252: {  	s12 =	simm.s32 $0x4;
	v20 =	vadd.s32 v7, v12;
	v18 =	vadd.s32 v8, v9;
	v9 =	vand.u32 $0x1E, v15;
	v15 =	vld.idx.msk [tilespmem:v11+s23+$0x0], $0xffff  }
0x253: {  	v16 =	vmov s12;
	v21 =	vadd.s32 v5, v12;
	v19 =	vld.idx.msk [tilespmem:v11+s22+$0x0], $0xffff  }
0x254: {  	v26 =	vadd.s32 v6, v12;
	v11 =	vshrl.u32 v16, $0x3;
	v16 =	vld.idx.msk [tilespmem:v10+s22+$0x0], $0xffff  }
0x255: {  	v22 =	vld.idx.msk [tilespmem:v13+s23+$0x0], $0xffff  }
0x256: {  	s13 =	simm.s32 $0x1;
	v13 =	vld.idx.msk [tilespmem:v13+s22+$0x0], $0xffff  }
0x257: {  	v25 =	vmov s13;
	v28 =	vld.idx.msk [tilespmem:v20+s23+$0x0], $0xffff  }
0x258: {  	v23 =	vadd.s32 v8, v12;
	v12 =	vand.u32 $0x1D, v25;
	v9 =	vbroadcast v9, $0x0;
	v30 =	vld.idx.msk [tilespmem:v21+s22+$0x0], $0xffff  }
0x259: {  	v12 =	vbroadcast v12, $0x0;
	v35 =	vld.idx.msk [tilespmem:v26+s22+$0x0], $0xffff;
	v10 =	vshll.u32 v11, v2  }
0x25a: {  	v20 =	vld.idx.msk [tilespmem:v20+s22+$0x0], $0xffff;
	v11 =	vor.u32 v4, v9;
	v24 =	vbroadcast v10, $0x0  }
0x25b: {  	s14 =	simm.s32 $0x3;
	v21 =	vld.idx.msk [tilespmem:v21+s23+$0x0], $0xffff;
	v9 =	vor.u32 $0x5, v5;
	v32 =	vor.u32 v4, v12  }
0x25c: {  	v10 =	vor.u32 $0x4, v5;
	v12 =	vmov s14;
	v27 =	vld.idx.msk [tilespmem:v18+s22+$0x0], $0xffff;
	v25 =	vadd.s32 v9, v24  }
0x25d: {  	v12 =	vand.u32 $0x1F, v12;
	v29 =	vadd.s32 v10, v24;
	v33 =	vld.idx.msk [tilespmem:v23+s22+$0x0], $0xffff  }
0x25e: {  	v37 =	vbroadcast v12, $0x0;
	v18 =	vld.idx.msk [tilespmem:v18+s23+$0x0], $0xffff;
	v13 =	vmul.f32 v13, v14  }
0x25f: {  	s15 =	simm.s32 $0xC;
	v12 =	vor.u32 $0x7, v5;
	v16 =	vmul.f32 v16, v14;
	v40 =	vmul.f32 v19, v14;
	v31 =	vld.idx.msk [tilespmem:v11+s25+$0x0], $0xffff  }
0x260: {  	v19 =	vmov s15;
	v17 =	vadd.f32 v22, v17;
	v11 =	vor.u32 $0x6, v5;
	v32 =	vld.idx.msk [tilespmem:v32+s25+$0x0], $0xffff  }
0x261: {  	v19 =	vshrl.u32 v19, $0x3;
	v41 =	vmul.f32 $1.442695020e+00, v16;
	v34 =	vadd.s32 v11, v24;
	v36 =	vld.idx.msk [tilespmem:v25+s22+$0x0], $0xffff  }
0x262: {  	v19 =	vshll.u32 v19, v2;
	v13 =	vmul.f32 $1.442695020e+00, v13;
	v24 =	vadd.s32 v12, v24;
	v38 =	vld.idx.msk [tilespmem:v29+s22+$0x0], $0xffff  }
0x263: {  	v15 =	vadd.f32 v15, v17;
	v29 =	vld.idx.msk [tilespmem:v29+s23+$0x0], $0xffff;
	v27 =	vmul.f32 v27, v14;
	(erf) = vpow2.f32 v41  }
0x264: {  	v52 =	vor.u32 v4, v37;
	v19 =	vbroadcast v19, $0x0;
	v25 =	vld.idx.msk [tilespmem:v25+s23+$0x0], $0xffff;
	(erf) = vpow2.f32 v13  }
0x265: {  	v26 =	vld.idx.msk [tilespmem:v26+s23+$0x0], $0xffff;
	v15 =	vadd.f32 v18, v15;
	v27 =	vmul.f32 $1.442695020e+00, v27;
	v33 =	vmul.f32 v33, v31  }
0x266: {  	v54 =	vadd.s32 v12, v19;
	v30 =	vmul.f32 v30, v31;
	v35 =	vmul.f32 v35, v31;
	v39 =	vld.idx.msk [tilespmem:v34+s22+$0x0], $0xffff  }
0x267: {  	v13 =	vadd.f32 v28, v21;
	v20 =	vmul.f32 v20, v31;
	v17 =	vld.idx.msk [tilespmem:v24+s22+$0x0], $0xffff;
	v33 =	vmul.f32 $1.442695020e+00, v33  }
0x268: {  	v21 =	vadd.s32 v9, v19;
	v34 =	vld.idx.msk [tilespmem:v34+s23+$0x0], $0xffff;
	v22 =	vmul.f32 v36, v32;
	v51 =	vmul.f32 v38, v32  }
0x269: {  	v24 =	vld.idx.msk [tilespmem:v24+s23+$0x0], $0xffff;
	v16 =	vmul.f32 $1.442695020e+00, v35;
	v25 =	vadd.f32 v25, v29;
	v28 =	vmul.f32 $1.442695020e+00, v30  }
0x26a: {  	v29 =	vadd.s32 v10, v19;
	v35 =	vmul.f32 $1.442695020e+00, v51;
	v18 =	vmul.f32 $1.442695020e+00, v22;
	v22 =	vld.idx.msk [tilespmem:v23+s23+$0x0], $0xffff  }
0x26b: {  	v23 =	vadd.s32 v11, v19;
	v19 =	vmul.f32 v15, v14;
	v14 =	vadd.f32 v26, v13;
	v13 =	vld.idx.msk [tilespmem:v52+s25+$0x0], $0xffff  }
0x26c: {  	v20 =	vmul.f32 $1.442695020e+00, v20;
	v26 =	vld.idx.msk [tilespmem:v54+s22+$0x0], $0xffff;
	v17 =	vmul.f32 v17, v32  }
0x26d: {  	v53 =	vmul.f32 v39, v32;
	(erf) = vpow2.f32 v35  }
0x26e: {  	v15 =	vadd.f32 v34, v25;
	(erf) = vpow2.f32 v28;
	v17 =	vmul.f32 $1.442695020e+00, v17  }
0x26f: {  	v28 =	vld.idx.msk [tilespmem:v21+s23+$0x0], $0xffff;
	v25 =	vmul.f32 $1.442695020e+00, v53;
	(erf) = vpow2.f32 v18  }
0x270: {  	v30 =	vld.idx.msk [tilespmem:v29+s22+$0x0], $0xffff;
	v18 =	vmul.f32 $1.442695020e+00, v40;
	v24 =	vadd.f32 v24, v15;
	(erf) = vpow2.f32 v33  }
0x271: {  	v55 =	vpop (erf);
	v29 =	vld.idx.msk [tilespmem:v29+s23+$0x0], $0xffff;
	v14 =	vadd.f32 v22, v14;
	v58 =	vmul.f32 v26, v13;
	(erf) = vpow2.f32 v25  }
0x272: {  	v25 =	vld.idx.msk [tilespmem:v21+s22+$0x0], $0xffff;
	v21 =	vmul.f32 v55, v19;
	v22 =	vmul.f32 v24, v32  }
0x273: {  	v56 =	vpop (erf);
	v15 =	vimm.f32 $0.0e+00;
	(erf) = vpow2.f32 v27;
	v14 =	vmul.f32 v14, v31  }
0x274: {  	v59 =	vld.idx.msk [tilespmem:v23+s23+$0x0], $0xffff;
	v27 =	vadd.f32 v55, v15;
	v31 =	vmul.f32 v56, v19;
	v62 =	vmul.f32 $1.442695020e+00, v58  }
0x275: {  	v24 =	vld.idx.msk [tilespmem:v23+s22+$0x0], $0xffff;
	(erf) = vpow2.f32 v18;
	v18 =	vadd.f32 v56, v15;
	v30 =	vmul.f32 v30, v13  }
0x276: {  	v60 =	vadd.f32 v21, v15;
	(erf) = vpow2.f32 v17;
	v17 =	vadd.f32 v28, v29;
	v57 =	vpop (erf)  }
0x277: {  	v29 =	vmul.f32 $1.442695020e+00, v30;
	v32 =	vmul.f32 v25, v13;
	v25 =	vld.idx.msk [tilespmem:v54+s23+$0x0], $0xffff;
	v26 =	vadd.f32 v57, v27  }
0x278: {  	v21 =	vadd.f32 v31, v15;
	(erf) = vpow2.f32 v20;
	v27 =	vmul.f32 v57, v22;
	v23 =	vpop (erf)  }
0x279: {  	v17 =	vadd.f32 v59, v17;
	(erf) = vpow2.f32 v29;
	v31 =	vmul.f32 v23, v14;
	v61 =	vpop (erf)  }
0x27a: {  	v30 =	vadd.f32 v61, v18;
	v18 =	vmul.f32 v24, v13;
	v24 =	vadd.f32 v27, v60  }
0x27b: {  	(erf) = vpow2.f32 v62;
	v23 =	vadd.f32 v23, v26;
	v27 =	vmul.f32 v61, v22;
	v26 =	vpop (erf)  }
0x27c: {  	v24 =	vadd.f32 v31, v24;
	v25 =	vadd.f32 v25, v17;
	v31 =	vmul.f32 $1.442695020e+00, v18;
	v28 =	vpop (erf)  }
0x27d: {  	v18 =	vimm.f32 $0.0e+00;
	v17 =	vimm.f32 $0.0e+00;
	v20 =	vmul.f32 v26, v14;
	v63 =	vpop (erf)  }
0x27e: {  	s9 =	simm.s32 $0x4;
	s10 =	simm.s32 $0x1C;
	v29 =	vmul.f32 v28, v22;
	v34 =	vadd.f32 v63, v15;
	v35 =	vmul.f32 v63, v19;
	v33 =	vpop (erf)  }
.LBB2_19:
0x27f: {  	s12 =	sadd.s32 $0xFFFFFFF4, s10  }
0x280: {  	v37 =	vmov s9;
	s13 =	sadd.s32 $0xFFFFFFF8, s10;
	s14 =	sadd.s32 $0x2, s9;
	v15 =	vadd.f32 v35, v15;
	(erf) = vpow2.f32 v16;
	s11 =	smov.u32 s9  }
0x281: {  	p0 =	slt.u32 s9, $0x1C;
	s9 =	sadd.s32 $0x4, s9;
	v32 =	vmul.f32 $1.442695020e+00, v32;
	v16 =	vand.u32 $0x1C, v37;
	v35 =	vmov s12;
	s12 =	sadd.s32 $0x1, s11  }
0x282: {  	v19 =	vmul.f32 v33, v19;
	v16 =	vbroadcast v16, $0x0;
	v35 =	vshrl.u32 v35, $0x3;
	v36 =	vpop (erf)  }
0x283: {  	v37 =	vmov s13;
	v35 =	vshll.u32 v35, v2;
	v34 =	vadd.f32 v36, v34;
	v38 =	vpop (erf)  }
0x284: {  	v18 =	vadd.f32 v33, v18;
	s13 =	sadd.s32 $0xFFFFFFFC, s10;
	v16 =	vor.u32 v4, v16;
	v35 =	vbroadcast v35, $0x0  }
0x285: {  	v33 =	vmov s12;
	v39 =	vmov s13;
	v40 =	vmul.f32 v38, v14;
	v41 =	vpop (erf)  }
0x286: {  	v45 =	vmul.f32 v36, v22;
	v42 =	vor.u32 v5, v35;
	v43 =	vadd.s32 v7, v35  }
0x287: {  	v30 =	vadd.f32 v38, v30;
	v36 =	vadd.s32 v6, v35;
	v35 =	vadd.s32 v8, v35  }
0x288: {  	v37 =	vshrl.u32 v37, $0x3;
	v38 =	vmov s14;
	v15 =	vadd.f32 v45, v15;
	v22 =	vpop (erf)  }
0x289: {  	v17 =	vadd.f32 v19, v17;
	v33 =	vand.u32 $0x1D, v33;
	v39 =	vshrl.u32 v39, $0x3;
	v44 =	vpop (erf)  }
0x28a: {  	v19 =	vld.idx.msk [tilespmem:v16+s25+$0x0], $0xffff;
	v16 =	vand.u32 $0x1E, v38;
	v38 =	vshll.u32 v39, v2;
	(erf) = vpow2.f32 v32  }
0x28b: {  	v13 =	vmul.f32 v25, v13;
	v17 =	vadd.f32 v29, v17;
	v32 =	vld.idx.msk [tilespmem:v42+s23+$0x0], $0xffff;
	v38 =	vbroadcast v38, $0x0  }
0x28c: {  	v25 =	vshll.u32 v37, v2;
	v16 =	vbroadcast v16, $0x0;
	v29 =	vld.idx.msk [tilespmem:v36+s23+$0x0], $0xffff;
	(erf) = vpow2.f32 v31  }
0x28d: {  	v33 =	vbroadcast v33, $0x0;
	v31 =	vld.idx.msk [tilespmem:v36+s22+$0x0], $0xffff;
	v36 =	vadd.s32 v5, v38;
	v37 =	vadd.s32 v7, v38  }
0x28e: {  	v26 =	vadd.f32 v26, v34;
	v16 =	vor.u32 v4, v16;
	v39 =	vld.idx.msk [tilespmem:v42+s22+$0x0], $0xffff;
	v42 =	vadd.s32 v8, v38  }
0x28f: {  	v18 =	vadd.f32 v28, v18;
	v45 =	vbroadcast v25, $0x0;
	v33 =	vor.u32 v4, v33;
	v34 =	vld.idx.msk [tilespmem:v43+s23+$0x0], $0xffff  }
0x290: {  	v21 =	vadd.f32 v27, v21;
	v27 =	vmul.f32 v22, v13;
	v38 =	vadd.s32 v6, v38;
	v28 =	vld.idx.msk [tilespmem:v43+s22+$0x0], $0xffff  }
0x291: {  	v23 =	vadd.f32 v41, v23;
	v46 =	vadd.s32 v10, v45;
	v47 =	vadd.s32 v9, v45;
	v43 =	vld.idx.msk [tilespmem:v35+s22+$0x0], $0xffff  }
0x292: {  	v41 =	vmul.f32 v41, v13;
	v48 =	vadd.s32 v12, v45;
	v18 =	vadd.f32 v44, v18;
	v49 =	vld.idx.msk [tilespmem:v37+s23+$0x0], $0xffff  }
0x293: {  	s11 =	sadd.s32 $0x3, s11;
	v21 =	vadd.f32 v40, v21;
	v25 =	vadd.f32 v22, v26;
	v50 =	vld.idx.msk [tilespmem:v36+s22+$0x0], $0xffff;
	v22 =	vpop (erf)  }
0x294: {  	v14 =	vmul.f32 v44, v14;
	v26 =	vld.idx.msk [tilespmem:v16+s25+$0x0], $0xffff;
	v16 =	vmov s11;
	v40 =	vmul.f32 v22, v13  }
0x295: {  	v15 =	vadd.f32 v20, v15;
	v20 =	vadd.f32 v41, v24;
	v44 =	vadd.s32 v11, v45;
	v45 =	vld.idx.msk [tilespmem:v42+s22+$0x0], $0xffff;
	v24 =	vpop (erf)  }
0x296: {  	v14 =	vadd.f32 v14, v17;
	v16 =	vand.u32 $0x1F, v16;
	v41 =	vld.idx.msk [tilespmem:v47+s22+$0x0], $0xffff;
	v18 =	vadd.f32 v24, v18  }
0x297: {  	v17 =	vadd.f32 v34, v32;
	v16 =	vbroadcast v16, $0x0;
	v13 =	vmul.f32 v24, v13;
	v32 =	vld.idx.msk [tilespmem:v38+s22+$0x0], $0xffff  }
0x298: {  	v15 =	vadd.f32 v27, v15;
	v30 =	vadd.f32 v22, v30;
	v24 =	vld.idx.msk [tilespmem:v46+s22+$0x0], $0xffff  }
0x299: {  	v27 =	vmul.f32 v28, v19;
	v22 =	vadd.f32 v29, v17;
	v17 =	vadd.f32 v13, v14;
	v28 =	vld.idx.msk [tilespmem:v37+s22+$0x0], $0xffff  }
0x29a: {  	v21 =	vadd.f32 v40, v21;
	v29 =	vor.u32 v4, v16;
	v14 =	vmul.f32 v50, v26;
	v13 =	vld.idx.msk [tilespmem:v44+s22+$0x0], $0xffff  }
0x29b: {  	v16 =	vmul.f32 v39, v19;
	v34 =	vmul.f32 v45, v26;
	v33 =	vld.idx.msk [tilespmem:v33+s25+$0x0], $0xffff  }
0x29c: {  	v31 =	vmul.f32 v31, v19;
	v39 =	vmov s10;
	v37 =	vld.idx.msk [tilespmem:v46+s23+$0x0], $0xffff  }
0x29d: {  	v39 =	vshrl.u32 v39, $0x3;
	v32 =	vmul.f32 v32, v26;
	v34 =	vmul.f32 $1.442695020e+00, v34;
	v40 =	vld.idx.msk [tilespmem:v47+s23+$0x0], $0xffff  }
0x29e: {  	v43 =	vmul.f32 v43, v19;
	v45 =	vmul.f32 $1.442695020e+00, v16;
	v39 =	vshll.u32 v39, v2;
	v38 =	vld.idx.msk [tilespmem:v38+s23+$0x0], $0xffff  }
0x29f: {  	v16 =	vmul.f32 $1.442695020e+00, v32;
	v32 =	vbroadcast v39, $0x0;
	v36 =	vld.idx.msk [tilespmem:v36+s23+$0x0], $0xffff  }
0x2a0: {  	v28 =	vmul.f32 v28, v26;
	v35 =	vld.idx.msk [tilespmem:v35+s23+$0x0], $0xffff  }
0x2a1: {  	v27 =	vmul.f32 $1.442695020e+00, v27;
	v39 =	vmul.f32 v41, v33;
	v41 =	vld.idx.msk [tilespmem:v48+s22+$0x0], $0xffff  }
0x2a2: {  	v43 =	vmul.f32 $1.442695020e+00, v43;
	v46 =	vmul.f32 v13, v33  }
0x2a3: {  	v13 =	vmul.f32 v24, v33;
	v37 =	vadd.f32 v40, v37;
	(erf) = vpow2.f32 v45  }
0x2a4: {  	v40 =	vadd.s32 v10, v32;
	v24 =	vld.idx.msk [tilespmem:v44+s23+$0x0], $0xffff;
	v44 =	vadd.s32 v12, v32;
	(erf) = vpow2.f32 v27  }
0x2a5: {  	v27 =	vmul.f32 $1.442695020e+00, v13;
	v13 =	vadd.f32 v49, v36;
	v36 =	vadd.s32 v9, v32  }
0x2a6: {  	v28 =	vmul.f32 $1.442695020e+00, v28;
	v39 =	vmul.f32 $1.442695020e+00, v39;
	v22 =	vadd.f32 v35, v22;
	v35 =	vld.idx.msk [tilespmem:v48+s23+$0x0], $0xffff  }
0x2a7: {  	v14 =	vmul.f32 $1.442695020e+00, v14;
	v32 =	vadd.s32 v11, v32;
	v41 =	vmul.f32 v41, v33;
	v42 =	vld.idx.msk [tilespmem:v42+s23+$0x0], $0xffff  }
0x2a8: {  	v38 =	vadd.f32 v38, v13;
	v19 =	vmul.f32 v22, v19;
	v13 =	vld.idx.msk [tilespmem:v29+s25+$0x0], $0xffff;
	(erf) = vpow2.f32 v27  }
0x2a9: {  	v27 =	vmul.f32 $1.442695020e+00, v41;
	v29 =	vld.idx.msk [tilespmem:v44+s22+$0x0], $0xffff;
	(erf) = vpow2.f32 v14  }
0x2aa: {  	v31 =	vmul.f32 $1.442695020e+00, v31;
	v22 =	vmul.f32 $1.442695020e+00, v46;
	v14 =	vadd.f32 v24, v37;
	v24 =	vld.idx.msk [tilespmem:v36+s23+$0x0], $0xffff  }
0x2ab: {  	v37 =	vld.idx.msk [tilespmem:v40+s22+$0x0], $0xffff;
	(erf) = vpow2.f32 v39  }
0x2ac: {  	v14 =	vadd.f32 v35, v14;
	v35 =	vld.idx.msk [tilespmem:v36+s22+$0x0], $0xffff;
	v36 =	vpop (erf);
	(erf) = vpow2.f32 v34  }
0x2ad: {  	v23 =	vadd.f32 v36, v23;
	v34 =	vmul.f32 v36, v19;
	v36 =	vld.idx.msk [tilespmem:v40+s23+$0x0], $0xffff;
	v39 =	vpop (erf);
	(erf) = vpow2.f32 v22  }
0x2ae: {  	v22 =	vmul.f32 v14, v33;
	v14 =	vadd.f32 v42, v38;
	v33 =	vld.idx.msk [tilespmem:v32+s23+$0x0], $0xffff  }
0x2af: {  	v38 =	vld.idx.msk [tilespmem:v32+s22+$0x0], $0xffff;
	(erf) = vpow2.f32 v43  }
0x2b0: {  	v14 =	vmul.f32 v14, v26;
	(erf) = vpow2.f32 v31  }
0x2b1: {  	v30 =	vadd.f32 v39, v30;
	v29 =	vmul.f32 v29, v13;
	v26 =	vmul.f32 v39, v19;
	v31 =	vpop (erf)  }
0x2b2: {  	v37 =	vmul.f32 v37, v13;
	v23 =	vadd.f32 v31, v23;
	v31 =	vmul.f32 v31, v22;
	v32 =	vpop (erf)  }
0x2b3: {  	v20 =	vadd.f32 v34, v20;
	v21 =	vadd.f32 v26, v21;
	v39 =	vmul.f32 v32, v14  }
0x2b4: {  	v23 =	vadd.f32 v32, v23;
	v40 =	vld.idx.msk [tilespmem:v44+s23+$0x0], $0xffff;
	v32 =	vmul.f32 v35, v13;
	v34 =	vpop (erf);
	(erf) = vpow2.f32 v27  }
0x2b5: {  	v35 =	vadd.f32 v24, v36;
	v27 =	vmul.f32 $1.442695020e+00, v37;
	(erf) = vpow2.f32 v28;
	v26 =	vpop (erf)  }
.Ltmp8:
0x2b6: {  	v36 =	vmul.f32 v38, v13;
	v37 =	vmul.f32 $1.442695020e+00, v29;
	v30 =	vadd.f32 v34, v30;
	v28 =	vpop (erf);
	(pc) =	sbr.rel @p0 .LBB2_19-.Ltmp8, $4  }
0x2b7: {  	v31 =	vadd.f32 v31, v20;
	v20 =	vmul.f32 v26, v14;
	(erf) = vpow2.f32 v27  }
0x2b8: {  	v38 =	vadd.f32 v33, v35;
	v27 =	vmul.f32 v34, v22;
	v29 =	vmul.f32 v28, v22;
	v24 =	vpop (erf)  }
0x2b9: {  	v34 =	vadd.f32 v24, v25;
	v35 =	vmul.f32 v24, v19;
	v24 =	vadd.f32 v39, v31;
	v33 =	vpop (erf)  }
0x2ba: {  	s10 =	sadd.s32 $0x10, s10;
	v25 =	vadd.f32 v40, v38;
	v31 =	vmul.f32 $1.442695020e+00, v36;
	(erf) = vpow2.f32 v37  }
0x2bb: {  	v4 =	vmul.f32 $1.442695020e+00, v32  }
0x2bc: {  	(erf) = vpow2.f32 v16  }
0x2bd: {  	(erf) = vpow2.f32 v4;
	_ =	sdelay $0x1  }
0x2be: {  	(erf) = vpow2.f32 v31;
	_ =	sdelay $0x1  }
0x2bf: {  	v4 =	vpop (erf)  }
0x2c0: {  	v5 =	vpop (erf)  }
0x2c1: {  	v6 =	vadd.f32 v33, v18;
	v7 =	vpop (erf)  }
0x2c2: {  	v8 =	vpop (erf)  }
0x2c3: {  	v6 =	vadd.f32 v28, v6;
	v9 =	vadd.f32 v5, v30;
	v10 =	vpop (erf)  }
0x2c4: {  	v11 =	vadd.f32 v4, v34;
	v12 =	vadd.f32 v7, v23;
	v49 =	vpop (erf)  }
0x2c5: {  	v6 =	vadd.f32 v10, v6;
	v9 =	vadd.f32 v49, v9  }
0x2c6: {  	(erf) = vrcp.f32 v12;
	v50 =	vpop (erf)  }
0x2c7: {  	v11 =	vadd.f32 v26, v11;
	v6 =	vadd.f32 v50, v6;
	(erf) = vrcp.f32 v9;
	_ =	sdelay $0x1  }
0x2c8: {  	v51 =	vmul.f32 v33, v19;
	v11 =	vadd.f32 v8, v11;
	(erf) = vrcp.f32 v6  }
0x2c9: {  	v53 =	vadd.f32 v27, v21;
	v13 =	vmul.f32 v25, v13;
	v5 =	vmul.f32 v5, v14  }
0x2ca: {  	v52 =	vadd.f32 v35, v15;
	v9 =	vadd.f32 v51, v17;
	(erf) = vrcp.f32 v11  }
0x2cb: {  	v4 =	vmul.f32 v4, v22;
	v7 =	vmul.f32 v7, v13;
	v5 =	vadd.f32 v5, v53  }
0x2cc: {  	v10 =	vmul.f32 v10, v14;
	v54 =	vmul.f32 v49, v13;
	v9 =	vadd.f32 v29, v9  }
0x2cd: {  	v4 =	vadd.f32 v4, v52;
	v55 =	vadd.f32 v7, v24  }
0x2ce: {  	v57 =	vmul.f32 v50, v13;
	v5 =	vadd.f32 v54, v5;
	v56 =	vadd.f32 v10, v9;
	v58 =	vpop (erf)  }
0x2cf: {  	v8 =	vmul.f32 v8, v13;
	v4 =	vadd.f32 v20, v4;
	v59 =	vpop (erf)  }
0x2d0: {  	v6 =	vmul.f32 v55, v58;
	v7 =	vadd.f32 v57, v56;
	v5 =	vmul.f32 v5, v59  }
0x2d1: {  	v60 =	vpop (erf)  }
0x2d2: {  	v4 =	vadd.f32 v8, v4;
	v61 =	vmul.f32 v7, v60;
	v5 =	vadd.f32 v5, v6  }
0x2d3: {  	v62 =	vpop (erf)  }
0x2d4: {  	v4 =	vmul.f32 v4, v62;
	v5 =	vadd.f32 v61, v5  }
0x2d5: {  	v63 =	vld [tilespmem:s26+$0x12A00]  }
0x2d6: {  	v4 =	vadd.f32 v4, v5  }
0x2d7: {  	v5 =	vld [tilespmem:s26+$0x12B00]  }
0x2d8: {  	s18 =	sadd.s32 $0x1, s18;
	v4 =	vadd.f32 v4, v3  }
0x2d9: {  	p0 =	sne.s32 s18, $0x8  }
.Ltmp9:
0x2da: {  	v4 =	vadd.f32 v63, v4;
	(pc) =	sbr.rel @p0 .LBB2_18-.Ltmp9, $3  }
0x2db: {  	_ = 	snop  }
0x2dc: {  	v4 =	vadd.f32 v5, v4;
	_ =	sdelay $0x1  }
0x2dd: {  	[tilespmem:s26+$0x12C00] =	vst v4  }
0x2de: {  	s1 =	simm.s32 $0x0;
	s9 =	rddreg [dreg:$0xa]  }
0x2df: {  	[hbm4b:s9+s1] =	stream.linear.scatter [tilespmem:s29], [sflag:$0x3], $0x80, $0x38;
	[tilespmem:$0x12C90] =	vst v63  }
0x2e0: {  	_ =	swait.ge [sflag:s19], $0x80  }
0x2e1: {  	[sflag:s19] =	ssyncset.done $0x0  }
0x2e2: {  	[sflag:s19] =	ssyncadd.s32 $0xFFFFFF80  }
0x2e3: {  	_ =	swait.ge [sflag:s31], $0x4000  }
0x2e4: {  	[sflag:s31] =	ssyncset.done $0x0  }
0x2e5: {  	[sflag:s31] =	ssyncadd.s32 $0xFFFFC000  }
0x2e6: {  	_ =	swait.ge [sflag:s31], $0x4000  }
0x2e7: {  	[sflag:s31] =	ssyncset.done $0x0  }
0x2e8: {  	[sflag:s31] =	ssyncadd.s32 $0xFFFFC000  }
0x2e9: {  	_ =	swait.ge [sflag:s31], $0x1000  }
0x2ea: {  	[sflag:s31] =	ssyncset.done $0x0  }
0x2eb: {  	[sflag:s31] =	ssyncadd.s32 $0xFFFFF000  }
0x2ec: {  	_ =	swait.ge [sflag:s31], $0x80  }
0x2ed: {  	[sflag:s31] =	ssyncset.done $0x0  }
0x2ee: {  	[sflag:s31] =	ssyncadd.s32 $0xFFFFFF80  }
0x2ef: {  	_ =	swait.ge [sflag:s31], $0x80  }
0x2f0: {  	[sflag:s31] =	ssyncset.done $0x0  }
0x2f1: {  	s18 =	simm.s32 $0x0;
	[sflag:s31] =	ssyncadd.s32 $0xFFFFFF80  }
.LBB2_22:
0x2f2: {  	s9 =	simm.s32 $0x0;
	s26 =	sshll.u32 s18, $0x4;
	v9 =	vmov s1  }
0x2f3: {  	s13 =	simm.s32 $0x2;
	v4 =	vmov s9;
	v5 =	vor.u32 s26, v0;
	v9 =	vand.u32 $0x1C, v9  }
0x2f4: {  	v16 =	vmov s13;
	v6 =	vshrl.u32 v4, $0x3;
	v7 =	vshll.u32 v5, $0x5  }
0x2f5: {  	v4 =	vshll.u32 v5, $0x7;
	v9 =	vbroadcast v9, $0x0;
	v16 =	vand.u32 $0x1E, v16  }
0x2f6: {  	v8 =	vshll.u32 v6, v2;
	v5 =	vadd.s32 $0x1000, v7;
	v16 =	vbroadcast v16, $0x0  }
0x2f7: {  	v6 =	vadd.s32 $0x4000, v4;
	v7 =	vbroadcast v8, $0x0;
	v9 =	vor.u32 v5, v9  }
0x2f8: {  	v11 =	vadd.s32 $0x4002, v8;
	v12 =	vadd.s32 $0x4001, v8;
	v16 =	vor.u32 v5, v16  }
0x2f9: {  	s11 =	simm.s32 $0x1;
	s12 =	simm.s32 $0x4;
	v8 =	vadd.s32 $0x4003, v8;
	v11 =	vbroadcast v11, $0x0;
	v7 =	vor.u32 v6, v7  }
0x2fa: {  	v10 =	vmov s11;
	v13 =	vmov s12;
	v8 =	vbroadcast v8, $0x0  }
0x2fb: {  	v13 =	vshrl.u32 v13, $0x3;
	v12 =	vbroadcast v12, $0x0;
	v11 =	vadd.s32 v4, v11  }
0x2fc: {  	v10 =	vand.u32 $0x1D, v10;
	v13 =	vshll.u32 v13, v2;
	v14 =	vadd.s32 v4, v8;
	v9 =	vld.idx.msk [tilespmem:v9+s25+$0x0], $0xffff  }
0x2fd: {  	s10 =	simm.s32 $0x8;
	v17 =	vadd.s32 $0x4004, v13;
	v8 =	vbroadcast v10, $0x0;
	v10 =	vadd.s32 v4, v12;
	v16 =	vld.idx.msk [tilespmem:v16+s25+$0x0], $0xffff  }
0x2fe: {  	v19 =	vmov s10;
	v17 =	vbroadcast v17, $0x0;
	v15 =	vld.idx.msk [tilespmem:v7+s22+$0x0], $0xffff  }
0x2ff: {  	v19 =	vshrl.u32 v19, $0x3;
	v20 =	vadd.s32 $0x4007, v13;
	v7 =	vld.idx.msk [tilespmem:v7+s23+$0x0], $0xffff  }
0x300: {  	v19 =	vshll.u32 v19, v2;
	v20 =	vbroadcast v20, $0x0;
	v17 =	vadd.s32 v4, v17;
	v18 =	vld.idx.msk [tilespmem:v11+s22+$0x0], $0xffff  }
0x301: {  	s14 =	simm.s32 $0xC;
	v24 =	vadd.s32 $0x4002, v19;
	v21 =	vld.idx.msk [tilespmem:v14+s22+$0x0], $0xffff  }
0x302: {  	v29 =	vmov s14;
	v24 =	vbroadcast v24, $0x0;
	v20 =	vadd.s32 v4, v20;
	v22 =	vld.idx.msk [tilespmem:v10+s23+$0x0], $0xffff  }
0x303: {  	v29 =	vshrl.u32 v29, $0x3;
	v8 =	vor.u32 v5, v8;
	v11 =	vld.idx.msk [tilespmem:v11+s23+$0x0], $0xffff  }
0x304: {  	v29 =	vshll.u32 v29, v2;
	v12 =	vadd.s32 $0x4006, v13;
	v24 =	vadd.s32 v4, v24;
	v14 =	vld.idx.msk [tilespmem:v14+s23+$0x0], $0xffff  }
0x305: {  	v23 =	vadd.s32 $0x4003, v19;
	v13 =	vadd.s32 $0x4005, v13;
	v12 =	vbroadcast v12, $0x0;
	v27 =	vld.idx.msk [tilespmem:v17+s23+$0x0], $0xffff  }
0x306: {  	v25 =	vadd.s32 $0x4001, v19;
	v19 =	vbroadcast v19, $0x0;
	v13 =	vbroadcast v13, $0x0;
	v10 =	vld.idx.msk [tilespmem:v10+s22+$0x0], $0xffff  }
0x307: {  	v31 =	vadd.s32 $0x4007, v29;
	v32 =	vadd.s32 $0x4006, v29;
	v12 =	vadd.s32 v4, v12;
	v30 =	vld.idx.msk [tilespmem:v20+s22+$0x0], $0xffff  }
0x308: {  	s15 =	simm.s32 $0x3;
	v23 =	vbroadcast v23, $0x0;
	v25 =	vbroadcast v25, $0x0;
	v13 =	vadd.s32 v4, v13;
	v8 =	vld.idx.msk [tilespmem:v8+s25+$0x0], $0xffff  }
0x309: {  	v49 =	vmov s15;
	v31 =	vbroadcast v31, $0x0;
	v51 =	vbroadcast v32, $0x0;
	v48 =	vld.idx.msk [tilespmem:v24+s22+$0x0], $0xffff  }
0x30a: {  	v23 =	vadd.s32 v4, v23;
	v17 =	vld.idx.msk [tilespmem:v17+s22+$0x0], $0xffff;
	v18 =	vmul.f32 v18, v9;
	v21 =	vmul.f32 v21, v9  }
0x30b: {  	v20 =	vld.idx.msk [tilespmem:v20+s23+$0x0], $0xffff;
	v15 =	vmul.f32 v15, v9;
	v7 =	vadd.f32 v22, v7;
	v10 =	vmul.f32 v10, v9  }
0x30c: {  	v19 =	vadd.s32 v6, v19;
	v26 =	vld.idx.msk [tilespmem:v12+s22+$0x0], $0xffff;
	v18 =	vmul.f32 $1.442695020e+00, v18;
	v21 =	vmul.f32 $1.442695020e+00, v21  }
0x30d: {  	v34 =	vld.idx.msk [tilespmem:v13+s23+$0x0], $0xffff;
	v7 =	vadd.f32 v11, v7;
	v11 =	vmul.f32 $1.442695020e+00, v15;
	v30 =	vmul.f32 v30, v8  }
0x30e: {  	v13 =	vld.idx.msk [tilespmem:v13+s22+$0x0], $0xffff;
	v15 =	vadd.s32 v4, v25;
	v25 =	vmul.f32 v48, v16;
	v10 =	vmul.f32 $1.442695020e+00, v10  }
0x30f: {  	v17 =	vmul.f32 v17, v8;
	(erf) = vpow2.f32 v18;
	v18 =	vld.idx.msk [tilespmem:v24+s23+$0x0], $0xffff;
	v24 =	vand.u32 $0x1F, v49  }
0x310: {  	v22 =	vld.idx.msk [tilespmem:v23+s22+$0x0], $0xffff;
	(erf) = vpow2.f32 v21;
	v24 =	vbroadcast v24, $0x0  }
0x311: {  	v31 =	vadd.s32 v4, v31;
	v26 =	vmul.f32 v26, v8;
	(erf) = vpow2.f32 v11;
	v11 =	vld.idx.msk [tilespmem:v19+s22+$0x0], $0xffff  }
0x312: {  	v21 =	vadd.s32 $0x4004, v29;
	v29 =	vadd.s32 $0x4005, v29;
	v19 =	vld.idx.msk [tilespmem:v19+s23+$0x0], $0xffff;
	v24 =	vor.u32 v5, v24  }
0x313: {  	v28 =	vimm.f32 $0.0e+00;
	v26 =	vmul.f32 $1.442695020e+00, v26;
	v29 =	vbroadcast v29, $0x0;
	v33 =	vld.idx.msk [tilespmem:v15+s23+$0x0], $0xffff  }
0x314: {  	v53 =	vadd.f32 v34, v27;
	v13 =	vmul.f32 v13, v8;
	v25 =	vmul.f32 $1.442695020e+00, v25;
	v15 =	vld.idx.msk [tilespmem:v15+s22+$0x0], $0xffff  }
0x315: {  	v52 =	vld.idx.msk [tilespmem:v12+s23+$0x0], $0xffff;
	v21 =	vbroadcast v21, $0x0;
	(erf) = vpow2.f32 v26;
	v50 =	vadd.s32 v4, v29  }
0x316: {  	v29 =	vadd.s32 v4, v51;
	(erf) = vpow2.f32 v10;
	v10 =	vld.idx.msk [tilespmem:v31+s22+$0x0], $0xffff;
	v11 =	vmul.f32 v11, v16  }
0x317: {  	v7 =	vadd.f32 v14, v7;
	v14 =	vmul.f32 $1.442695020e+00, v30;
	v17 =	vmul.f32 $1.442695020e+00, v17;
	v12 =	vld.idx.msk [tilespmem:v24+s25+$0x0], $0xffff  }
0x318: {  	v22 =	vmul.f32 v22, v16;
	v21 =	vadd.s32 v4, v21;
	v11 =	vmul.f32 $1.442695020e+00, v11  }
0x319: {  	v23 =	vld.idx.msk [tilespmem:v23+s23+$0x0], $0xffff;
	v13 =	vmul.f32 $1.442695020e+00, v13;
	v19 =	vadd.f32 v33, v19;
	v15 =	vmul.f32 v15, v16  }
0x31a: {  	v7 =	vmul.f32 v7, v9;
	v22 =	vmul.f32 $1.442695020e+00, v22;
	v24 =	vadd.f32 v52, v53;
	v55 =	vld.idx.msk [tilespmem:v50+s22+$0x0], $0xffff  }
0x31b: {  	v58 =	vld.idx.msk [tilespmem:v29+s22+$0x0], $0xffff;
	v9 =	vadd.f32 v18, v19;
	v59 =	vmul.f32 $1.442695020e+00, v15;
	(erf) = vpow2.f32 v11  }
0x31c: {  	v19 =	vld.idx.msk [tilespmem:v50+s23+$0x0], $0xffff;
	v15 =	vadd.f32 v20, v24;
	v11 =	vpop (erf);
	(erf) = vpow2.f32 v25;
	v20 =	vmul.f32 v10, v12  }
0x31d: {  	v54 =	vpop (erf);
	(erf) = vpow2.f32 v17;
	v17 =	vld.idx.msk [tilespmem:v21+s23+$0x0], $0xffff;
	v57 =	vadd.f32 v11, v28;
	v11 =	vmul.f32 v11, v7  }
0x31e: {  	v23 =	vadd.f32 v23, v9;
	v18 =	vpop (erf);
	v9 =	vmul.f32 v54, v7;
	v20 =	vmul.f32 $1.442695020e+00, v20  }
0x31f: {  	v56 =	vadd.f32 v18, v28;
	v18 =	vmul.f32 v18, v7;
	v60 =	vpop (erf);
	v11 =	vadd.f32 v11, v28  }
0x320: {  	v29 =	vld.idx.msk [tilespmem:v29+s23+$0x0], $0xffff;
	v26 =	vadd.f32 v60, v57;
	v62 =	vpop (erf);
	(erf) = vpow2.f32 v13;
	v13 =	vmul.f32 v15, v8  }
0x321: {  	v61 =	vadd.f32 v18, v28;
	v18 =	vmul.f32 v55, v12;
	(erf) = vpow2.f32 v14  }
0x322: {  	v31 =	vld.idx.msk [tilespmem:v31+s23+$0x0], $0xffff;
	v35 =	vmul.f32 v62, v7;
	v17 =	vadd.f32 v19, v17;
	v19 =	vmul.f32 v58, v12  }
0x323: {  	v10 =	vadd.f32 v9, v28;
	(erf) = vpow2.f32 v22;
	v22 =	vmul.f32 $1.442695020e+00, v18  }
0x324: {  	v30 =	vadd.f32 v62, v28;
	v24 =	vmul.f32 v60, v13;
	v9 =	vpop (erf);
	v15 =	vmul.f32 $1.442695020e+00, v19  }
0x325: {  	v14 =	vadd.f32 v54, v28;
	v8 =	vadd.f32 v29, v17;
	v7 =	vpop (erf);
	(erf) = vpow2.f32 v22  }
0x326: {  	v18 =	vadd.f32 v35, v28;
	v11 =	vadd.f32 v24, v11;
	v19 =	vpop (erf);
	(erf) = vpow2.f32 v15  }
0x327: {  	v8 =	vadd.f32 v31, v8;
	v15 =	vmul.f32 v23, v16;
	v23 =	vld.idx.msk [tilespmem:v21+s22+$0x0], $0xffff;
	v63 =	vmul.f32 v19, v13  }
0x328: {  	v17 =	vadd.f32 v7, v26;
	v22 =	vadd.f32 v19, v56  }
0x329: {  	(erf) = vpow2.f32 v20;
	v8 =	vmul.f32 v8, v12;
	v20 =	vadd.f32 v63, v61;
	v19 =	vpop (erf)  }
0x32a: {  	s12 =	simm.s32 $0x4;
	s9 =	simm.s32 $0x1C;
	(erf) = vpow2.f32 v59;
	v16 =	vadd.f32 v19, v30;
	v21 =	vmul.f32 v19, v13;
	v19 =	vpop (erf)  }
.LBB2_23:
0x32b: {  	s10 =	sadd.s32 $0xFFFFFFF4, s9  }
0x32c: {  	v24 =	vmov s12;
	s13 =	sadd.s32 $0x1, s12;
	s14 =	sadd.s32 $0x2, s12;
	v25 =	vmul.f32 v9, v15;
	v12 =	vmul.f32 v23, v12;
	v23 =	vpop (erf);
	s11 =	smov.u32 s12  }
0x32d: {  	s15 =	sadd.s32 $0xFFFFFFFC, s9;
	v22 =	vadd.f32 v9, v22;
	v26 =	vmov s10;
	v27 =	vmov s13;
	s13 =	sadd.s32 $0xFFFFFFF8, s9;
	s10 =	sadd.s32 $0x4, s12  }
0x32e: {  	p0 =	slt.u32 s12, $0x1C;
	v9 =	vshrl.u32 v26, $0x3;
	v26 =	vand.u32 $0x1D, v27;
	v12 =	vmul.f32 $1.442695020e+00, v12  }
0x32f: {  	v18 =	vadd.f32 v21, v18;
	v27 =	vmov s14;
	v31 =	vshll.u32 v9, v2;
	v21 =	vpop (erf)  }
0x330: {  	v28 =	vadd.s32 $0x4001, v31;
	v29 =	vadd.s32 $0x4002, v31;
	(erf) = vpow2.f32 v12  }
0x331: {  	v20 =	vadd.f32 v25, v20;
	v12 =	vbroadcast v31, $0x0;
	v30 =	vadd.s32 $0x4003, v31;
	v9 =	vpop (erf)  }
0x332: {  	v25 =	vbroadcast v29, $0x0;
	v29 =	vmov s13;
	v31 =	vmul.f32 v9, v8;
	v32 =	vpop (erf)  }
0x333: {  	v24 =	vand.u32 $0x1C, v24;
	v12 =	vor.u32 v6, v12;
	v9 =	vadd.f32 v9, v17  }
0x334: {  	v17 =	vshrl.u32 v29, $0x3;
	v25 =	vadd.s32 v4, v25;
	v29 =	vmul.f32 v32, v8;
	v33 =	vpop (erf)  }
0x335: {  	v34 =	vadd.f32 v19, v14;
	v24 =	vbroadcast v24, $0x0;
	v17 =	vshll.u32 v17, v2  }
0x336: {  	v13 =	vmul.f32 v19, v13;
	v14 =	vbroadcast v30, $0x0;
	v30 =	vadd.s32 $0x4007, v17  }
0x337: {  	v35 =	vmul.f32 v23, v15;
	v19 =	vor.u32 v5, v24;
	v24 =	vmov s15  }
0x338: {  	v28 =	vbroadcast v28, $0x0;
	v36 =	vadd.s32 v4, v14;
	v14 =	vand.u32 $0x1E, v27;
	v37 =	vld.idx.msk [tilespmem:v12+s22+$0x0], $0xffff  }
0x339: {  	v10 =	vadd.f32 v13, v10;
	v26 =	vbroadcast v26, $0x0;
	v27 =	vadd.s32 $0x4004, v17;
	v12 =	vld.idx.msk [tilespmem:v12+s23+$0x0], $0xffff;
	v38 =	vpop (erf)  }
0x33a: {  	v28 =	vadd.s32 v4, v28;
	v13 =	vadd.s32 $0x4006, v17;
	v40 =	vmul.f32 v33, v15;
	v39 =	vld.idx.msk [tilespmem:v25+s22+$0x0], $0xffff  }
0x33b: {  	v10 =	vadd.f32 v35, v10;
	v26 =	vor.u32 v5, v26;
	v27 =	vbroadcast v27, $0x0  }
0x33c: {  	v35 =	vadd.s32 $0x4005, v17;
	v13 =	vbroadcast v13, $0x0;
	v18 =	vadd.f32 v40, v18  }
0x33d: {  	v30 =	vbroadcast v30, $0x0;
	v10 =	vadd.f32 v29, v10;
	v27 =	vadd.s32 v4, v27  }
0x33e: {  	v17 =	vld.idx.msk [tilespmem:v19+s25+$0x0], $0xffff;
	v19 =	vadd.s32 v4, v13;
	v13 =	vbroadcast v14, $0x0;
	v14 =	vmul.f32 v38, v8  }
0x33f: {  	v24 =	vshrl.u32 v24, $0x3;
	v33 =	vadd.f32 v33, v16;
	v30 =	vadd.s32 v4, v30;
	v29 =	vld.idx.msk [tilespmem:v36+s22+$0x0], $0xffff  }
0x340: {  	v24 =	vshll.u32 v24, v2;
	v40 =	vld.idx.msk [tilespmem:v28+s23+$0x0], $0xffff;
	v41 =	vor.u32 v5, v13;
	v16 =	vadd.f32 v14, v20  }
0x341: {  	v42 =	vadd.s32 $0x4003, v24;
	v14 =	vadd.f32 v21, v33;
	v20 =	vld.idx.msk [tilespmem:v25+s23+$0x0], $0xffff;
	v25 =	vadd.s32 $0x4001, v24  }
0x342: {  	v7 =	vmul.f32 v7, v15;
	v33 =	vbroadcast v42, $0x0;
	v13 =	vld.idx.msk [tilespmem:v26+s25+$0x0], $0xffff;
	v26 =	vadd.s32 $0x4002, v24  }
0x343: {  	v23 =	vadd.f32 v23, v34;
	v22 =	vadd.f32 v38, v22;
	v42 =	vld.idx.msk [tilespmem:v19+s22+$0x0], $0xffff;
	v15 =	vbroadcast v26, $0x0  }
0x344: {  	v11 =	vadd.f32 v7, v11;
	v25 =	vbroadcast v25, $0x0;
	v33 =	vadd.s32 v4, v33;
	v26 =	vld.idx.msk [tilespmem:v36+s23+$0x0], $0xffff  }
0x345: {  	v7 =	vadd.f32 v32, v23;
	v24 =	vbroadcast v24, $0x0;
	v34 =	vld.idx.msk [tilespmem:v27+s23+$0x0], $0xffff;
	v36 =	vadd.s32 v4, v15  }
0x346: {  	v32 =	vmov s9;
	v23 =	vbroadcast v35, $0x0;
	v21 =	vmul.f32 v21, v8;
	v27 =	vld.idx.msk [tilespmem:v27+s22+$0x0], $0xffff  }
0x347: {  	v8 =	vadd.f32 v31, v11;
	v35 =	vmul.f32 v39, v17;
	v29 =	vmul.f32 v29, v17;
	v38 =	vld.idx.msk [tilespmem:v30+s22+$0x0], $0xffff  }
0x348: {  	v24 =	vadd.s32 v6, v24;
	v11 =	vadd.f32 v40, v12;
	v12 =	vmul.f32 v37, v17;
	v15 =	vld.idx.msk [tilespmem:v41+s25+$0x0], $0xffff  }
0x349: {  	v32 =	vshrl.u32 v32, $0x3;
	v31 =	vmul.f32 $1.442695020e+00, v35;
	v29 =	vmul.f32 $1.442695020e+00, v29;
	v35 =	vld.idx.msk [tilespmem:v33+s22+$0x0], $0xffff  }
0x34a: {  	v11 =	vadd.f32 v20, v11;
	v12 =	vmul.f32 $1.442695020e+00, v12;
	v20 =	vadd.s32 v4, v25;
	v25 =	vld.idx.msk [tilespmem:v36+s22+$0x0], $0xffff  }
0x34b: {  	s11 =	sadd.s32 $0x3, s11;
	v23 =	vadd.s32 v4, v23;
	v18 =	vadd.f32 v21, v18;
	v36 =	vld.idx.msk [tilespmem:v36+s23+$0x0], $0xffff;
	(erf) = vpow2.f32 v31  }
0x34c: {  	v31 =	vshll.u32 v32, v2;
	v21 =	vld.idx.msk [tilespmem:v28+s22+$0x0], $0xffff;
	v28 =	vmov s11;
	(erf) = vpow2.f32 v29  }
0x34d: {  	v32 =	vadd.s32 $0x4004, v31;
	v37 =	vadd.s32 $0x4007, v31;
	v29 =	vld.idx.msk [tilespmem:v24+s22+$0x0], $0xffff;
	(erf) = vpow2.f32 v12  }
0x34e: {  	v39 =	vadd.s32 $0x4006, v31;
	v12 =	vmul.f32 v42, v13;
	v32 =	vbroadcast v32, $0x0;
	v24 =	vld.idx.msk [tilespmem:v24+s23+$0x0], $0xffff  }
0x34f: {  	v28 =	vand.u32 $0x1F, v28;
	v37 =	vbroadcast v37, $0x0;
	v35 =	vmul.f32 v35, v15;
	v40 =	vld.idx.msk [tilespmem:v20+s23+$0x0], $0xffff  }
0x350: {  	v31 =	vadd.s32 $0x4005, v31;
	v28 =	vbroadcast v28, $0x0;
	v12 =	vmul.f32 $1.442695020e+00, v12;
	v20 =	vld.idx.msk [tilespmem:v20+s22+$0x0], $0xffff  }
0x351: {  	v38 =	vmul.f32 v38, v13;
	v31 =	vbroadcast v31, $0x0;
	v37 =	vadd.s32 v4, v37;
	v41 =	vld.idx.msk [tilespmem:v23+s23+$0x0], $0xffff  }
0x352: {  	v28 =	vor.u32 v5, v28;
	v21 =	vmul.f32 v21, v17;
	v23 =	vld.idx.msk [tilespmem:v23+s22+$0x0], $0xffff;
	(erf) = vpow2.f32 v12  }
0x353: {  	v25 =	vmul.f32 v25, v15;
	v12 =	vmul.f32 v29, v15;
	v29 =	vadd.s32 v4, v31;
	v33 =	vld.idx.msk [tilespmem:v33+s23+$0x0], $0xffff  }
0x354: {  	v31 =	vadd.s32 v4, v32;
	v32 =	vbroadcast v39, $0x0;
	v21 =	vmul.f32 $1.442695020e+00, v21;
	v19 =	vld.idx.msk [tilespmem:v19+s23+$0x0], $0xffff;
	v39 =	vpop (erf)  }
0x355: {  	v27 =	vmul.f32 v27, v13;
	v24 =	vadd.f32 v40, v24;
	v40 =	vmul.f32 $1.442695020e+00, v12;
	v30 =	vld.idx.msk [tilespmem:v30+s23+$0x0], $0xffff;
	v42 =	vpop (erf)  }
0x356: {  	v25 =	vmul.f32 $1.442695020e+00, v25;
	v32 =	vadd.s32 v4, v32;
	v43 =	vld.idx.msk [tilespmem:v37+s22+$0x0], $0xffff;
	v44 =	vpop (erf);
	(erf) = vpow2.f32 v21  }
0x357: {  	v11 =	vadd.f32 v26, v11;
	v21 =	vmul.f32 $1.442695020e+00, v38;
	v12 =	vld.idx.msk [tilespmem:v28+s25+$0x0], $0xffff;
	(erf) = vpow2.f32 v40  }
0x358: {  	v26 =	vadd.f32 v41, v34;
	v34 =	vmul.f32 $1.442695020e+00, v27;
	v23 =	vmul.f32 v23, v13;
	v28 =	vld.idx.msk [tilespmem:v29+s22+$0x0], $0xffff  }
0x359: {  	v11 =	vmul.f32 v11, v17;
	v17 =	vadd.f32 v36, v24;
	v24 =	vld.idx.msk [tilespmem:v29+s23+$0x0], $0xffff;
	(erf) = vpow2.f32 v25  }
0x35a: {  	v20 =	vmul.f32 v20, v15;
	v19 =	vadd.f32 v19, v26;
	v25 =	vld.idx.msk [tilespmem:v31+s23+$0x0], $0xffff;
	(erf) = vpow2.f32 v34  }
0x35b: {  	v9 =	vadd.f32 v39, v9;
	v22 =	vadd.f32 v44, v22;
	v23 =	vmul.f32 $1.442695020e+00, v23;
	v26 =	vld.idx.msk [tilespmem:v32+s22+$0x0], $0xffff;
	v27 =	vpop (erf)  }
0x35c: {  	v33 =	vadd.f32 v33, v17;
	v29 =	vmul.f32 v44, v11;
	v34 =	vmul.f32 $1.442695020e+00, v20;
	v17 =	vld.idx.msk [tilespmem:v32+s23+$0x0], $0xffff  }
0x35d: {  	v20 =	vmul.f32 v39, v11;
	v19 =	vadd.f32 v30, v19;
	v30 =	vmul.f32 v43, v12  }
0x35e: {  	v16 =	vadd.f32 v29, v16;
	v29 =	vmul.f32 v42, v11;
	v28 =	vmul.f32 v28, v12  }
0x35f: {  	v35 =	vmul.f32 $1.442695020e+00, v35;
	v32 =	vadd.f32 v27, v9;
	v36 =	vld.idx.msk [tilespmem:v37+s23+$0x0], $0xffff;
	v37 =	vpop (erf);
	(erf) = vpow2.f32 v23  }
0x360: {  	v10 =	vadd.f32 v29, v10;
	v11 =	vmul.f32 v37, v11;
	(erf) = vpow2.f32 v21;
	v9 =	vpop (erf)  }
0x361: {  	v21 =	vadd.f32 v24, v25;
	v23 =	vmul.f32 v26, v12;
	(erf) = vpow2.f32 v35  }
0x362: {  	v24 =	vadd.f32 v37, v14;
	v14 =	vadd.f32 v42, v7;
	v25 =	vmul.f32 $1.442695020e+00, v28;
	v7 =	vpop (erf)  }
0x363: {  	v13 =	vmul.f32 v19, v13;
	v19 =	vadd.f32 v17, v21;
	v21 =	vmul.f32 $1.442695020e+00, v23;
	v26 =	vpop (erf)  }
0x364: {  	v18 =	vadd.f32 v11, v18;
	v17 =	vadd.f32 v7, v32;
	v23 =	vld.idx.msk [tilespmem:v31+s22+$0x0], $0xffff;
	(erf) = vpow2.f32 v25  }
.Ltmp10:
0x365: {  	v11 =	vmul.f32 v27, v13;
	v28 =	vadd.f32 v36, v19;
	v25 =	vmul.f32 $1.442695020e+00, v30;
	(pc) =	sbr.rel @p0 .LBB2_23-.Ltmp10, $4  }
0x366: {  	v27 =	vadd.f32 v20, v8;
	v20 =	vmul.f32 v26, v13;
	(erf) = vpow2.f32 v21  }
0x367: {  	v22 =	vadd.f32 v26, v22;
	v8 =	vmul.f32 v28, v12;
	(erf) = vpow2.f32 v25  }
0x368: {  	v15 =	vmul.f32 v33, v15;
	v11 =	vadd.f32 v11, v27;
	v20 =	vadd.f32 v20, v16;
	v19 =	vpop (erf)  }
0x369: {  	s12 =	smov.u32 s10;
	s9 =	sadd.s32 $0x10, s9;
	v16 =	vadd.f32 v19, v24;
	v21 =	vmul.f32 v19, v13;
	v19 =	vpop (erf);
	(erf) = vpow2.f32 v34  }
0x36a: {  	v4 =	vmul.f32 v23, v12;
	_ =	sdelay $0x1  }
0x36b: {  	v4 =	vmul.f32 $1.442695020e+00, v4;
	_ =	sdelay $0x1  }
0x36c: {  	(erf) = vpow2.f32 v4;
	_ =	sdelay $0x3  }
0x36d: {  	v4 =	vpop (erf)  }
0x36e: {  	v5 =	vpop (erf)  }
0x36f: {  	v6 =	vpop (erf)  }
0x370: {  	v51 =	vpop (erf)  }
0x371: {  	v22 =	vadd.f32 v9, v22;
	v52 =	vpop (erf)  }
0x372: {  	v16 =	vadd.f32 v52, v16;
	v24 =	vpop (erf)  }
0x373: {  	v22 =	vadd.f32 v24, v22  }
0x374: {  	v14 =	vadd.f32 v19, v14;
	v16 =	vadd.f32 v5, v16  }
0x375: {  	(erf) = vrcp.f32 v22  }
0x376: {  	v14 =	vadd.f32 v4, v14;
	v17 =	vadd.f32 v6, v17;
	(erf) = vrcp.f32 v16;
	_ =	sdelay $0x1  }
0x377: {  	v14 =	vadd.f32 v51, v14;
	(erf) = vrcp.f32 v17  }
0x378: {  	v53 =	vmul.f32 v9, v15  }
0x379: {  	v54 =	vadd.f32 v21, v18;
	v55 =	vmul.f32 v52, v15;
	(erf) = vrcp.f32 v14  }
0x37a: {  	v13 =	vmul.f32 v19, v13;
	v7 =	vmul.f32 v7, v15;
	v9 =	vadd.f32 v53, v20  }
0x37b: {  	v5 =	vmul.f32 v5, v8;
	v56 =	vmul.f32 v24, v8;
	v16 =	vadd.f32 v55, v54  }
0x37c: {  	v10 =	vadd.f32 v13, v10;
	v7 =	vadd.f32 v7, v11;
	v4 =	vmul.f32 v4, v15  }
0x37d: {  	v6 =	vmul.f32 v6, v8;
	v9 =	vadd.f32 v56, v9;
	v5 =	vadd.f32 v5, v16;
	v57 =	vpop (erf)  }
0x37e: {  	v4 =	vadd.f32 v4, v10;
	v58 =	vmul.f32 v51, v8;
	v59 =	vpop (erf)  }
0x37f: {  	v6 =	vadd.f32 v6, v7;
	v60 =	vmul.f32 v9, v57;
	v5 =	vmul.f32 v5, v59  }
0x380: {  	v61 =	vpop (erf)  }
0x381: {  	v4 =	vadd.f32 v58, v4;
	v6 =	vmul.f32 v6, v61;
	v5 =	vadd.f32 v5, v60  }
0x382: {  	v62 =	vpop (erf)  }
0x383: {  	v4 =	vmul.f32 v4, v62;
	v5 =	vadd.f32 v6, v5  }
0x384: {  	v63 =	vld [tilespmem:s26+$0x12A80]  }
0x385: {  	v4 =	vadd.f32 v4, v5  }
0x386: {  	v5 =	vld [tilespmem:s26+$0x12B80]  }
0x387: {  	s18 =	sadd.s32 $0x1, s18;
	v4 =	vadd.f32 v4, v3  }
0x388: {  	p0 =	sne.s32 s18, $0x8  }
.Ltmp11:
0x389: {  	v4 =	vadd.f32 v63, v4;
	(pc) =	sbr.rel @p0 .LBB2_22-.Ltmp11, $3  }
0x38a: {  	_ = 	snop  }
0x38b: {  	v4 =	vadd.f32 v5, v4;
	_ =	sdelay $0x1  }
0x38c: {  	[tilespmem:s26+$0x12C00] =	vst v4  }
0x38d: {  	s0 =	sadd.s32 $0x1, s0  }
0x38e: {  	p0 =	sne.s32 s0, s17  }
.Ltmp12:
0x38f: {  	_ = 	snop;
	(pc) =	sbr.rel @p0 .LBB2_1-.Ltmp12, $4  }
0x390: {  	[hbm4b:s16+s2] =	stream.linear.scatter [tilespmem:s29], [sflag:$0x3], $0x80, $0x38;
	[tilespmem:$0x12C90] =	vst v63  }
0x391: {  	_ =	swait.ge [sflag:s19], $0x80  }
0x392: {  	[sflag:s19] =	ssyncset.done $0x0  }
0x393: {  	[sflag:s19] =	ssyncadd.s32 $0xFFFFFF80  }
0x394: {  	_ =	sfence.sel $0x180000  }
0x395: {  	[bflag:$0x0] =	sbarrier.arrive $0xFFFF  }
0x396: {  	_ =	strace $0x9000004D  }
0x397: {  	s0 =	stileid.u32;
	[bflag:$0x2] =	sbarrier.arrive $0xFFFF  }
0x398: {  	p0 =	sne.s32 s0, $0x0;
	s0 =	rddreg [dreg:$0x3]  }
0x399: {  	s0 =	sadd.s32 @!p0 $0x100000, s0  }
0x39a: {  	[sflag:s0] =	ssyncadd.tile.s32 @!p0 $0x1;
	_ =	shalt  }
.Lfunc_end2:
_tile_overlayer_lowered:
.L_overlay_start_2:
0x39b: {  	(tag) =	ssettag $0x2  }
0x39c: {  	s0 =	rddreg [dreg:$0x0];
	s2 =	stileid.u32  }
0x39d: {  	s1 =	rddreg [dreg:$0x1];
	p0 =	sne.s32 s2, $0x0  }
0x39e: {  	s3 =	rddreg [dreg:$0x2];
	[bflag:$0x3] =	sbarrier.arrive $0xFFFF;
	s2 =	simm.s32 @!p0 $0x1C03  }
0x39f: {  	[timem:s3], [sflag:s2] =	dma.local @!p0 [hbm:s0], s1  }
0x3a0: {  	s0 =	simm.s32 @!p0 $0x3  }
0x3a1: {  	_ =	swait.ge @!p0 [sflag:s0], s1  }
0x3a2: {  	s1 =	ssub.s32 @!p0 $0x0, s1;
	[sflag:s0] =	ssyncset.done @!p0 $0x0  }
0x3a3: {  	[sflag:s0] =	ssyncadd.s32 @!p0 s1  }
0x3a4: {  	[bflag:$0x3] =	sbarrier.arrive $0xFFFF  }
0x3a5: {  	_ =	shalt  }

// kernel: sparse-core-data-format-call.1.cloned.1.call-start
scs
called_computation.1_lowered:
.L_overlay_start_0:
0x0: {  	s2 =	sld [smem:$0x3FD9]  }
0x1: {  	s3 =	sld [smem:$0x3FFE];
	_ =	sdelay $0x1  }
0x2: {  	s1 =	srdreg.scid  }
0x3: {  	s0 =	sand.u32 $0x1, s1  }
0x4: {  	s18 =	sshll.u32 s0, $0xA;
	s2 =	sadd.s32 s3, s2  }
0x5: {  	s2 =	sadd.s32 s2, s18  }
0x6: {  	[smem:$0x3FC1] =	sst s2  }
0x7: {  	_ = 	snop  }
0x8: {  	(tm) =	ssettm $0x1  }
0x9: {  	s19 =	sld [smem:$0x3FFB];
	_ =	sdelay $0x3  }
0xa: {  	_ =	strace s19  }
0xb: {  	s2 =	sld [smem:$0x3FFC];
	_ =	sdelay $0x3  }
0xc: {  	_ =	strace s2  }
0xd: {  	s2 =	sld [smem:$0x3FFD];
	_ =	sdelay $0x3  }
0xe: {  	_ =	strace s2  }
0xf: {  	_ =	strace $0x8FFFFFFF  }
0x10: {  	s20 =	sld [smem:$0x3FDB];
	_ =	sdelay $0x1  }
0x11: {  	s21 =	simm.s32 $_scs_section_size  }
0x12: {  	s4 =	simm.s32 $_size__tile_overlayer_lowered;
	s5 =	simm.s32 $_tile_overlayer_lowered  }
0x13: {  	s6 =	simm.s32 $0x1BFF;
	s22 =	sshll.u32 s5, $0x1;
	s3 =	sadd.s32 s21, s20  }
0x14: {  	s23 =	simm.s32 $0x0;
	s4 =	sshll.u32 s4, $0x1;
	s5 =	sadd.s32 s22, s3  }
0x15: {  	[timem:s23], [sflag:s6] =	dma.local [hbm:s5], s4  }
0x16: {  	_ =	swait.ge [sflag:s6], s4  }
0x17: {  	s4 =	ssub.s32 $0x0, s4;
	[sflag:s6] =	ssyncset.done $0x0  }
0x18: {  	[sflag:s6] =	ssyncadd.s32 s4;
	_ =	sdelay $0x1  }
0x19: {  	s24 =	simm.s32 $0x1B8B  }
0x1a: {  	_ =	swait.ge [sflag:s24], $0x1  }
0x1b: {  	[sflag:s24] =	ssyncset.done $0x0  }
0x1c: {  	[sflag:s24] =	ssyncadd.s32 $0xFFFFFFFF  }
0x1d: {  	s4 =	sld [smem:$0x0]  }
0x1e: {  	s5 =	sand.u32 $0xFFFFFFFE, s1  }
0x1f: {  	p0 =	sne.s32 s1, s5  }
0x20: {  	s5 =	sshll.u32 @p0 s5, $0xE  }
0x21: {  	s5 =	sadd.s32 @p0 $0x11B8D, s5;
	s6 =	sshll.u32 @p0 s4, $0x11  }
0x22: {  	s5 =	sor.u32 @p0 s6, s5  }
0x23: {  	[sflag:s5] =	ssyncadd.remote.s32 @p0 $0x1;
	_ =	sdelay $0x1  }
0x24: {  	s5 =	simm.s32 @p0 $0x1B8D  }
0x25: {  	_ =	swait.eq @p0 [sflag:s5], $0x1  }
0x26: {  	[sflag:s5] =	ssyncadd.s32 @p0 $0xFFFFFFFF  }
0x27: {  	s6 =	sshll.u32 @!p0 s1, $0xE  }
0x28: {  	s6 =	sor.u32 @!p0 $0x4000, s6;
	s5 =	simm.s32 @!p0 $0x1B8D  }
0x29: {  	s4 =	sshll.u32 @!p0 s4, $0x11;
	s6 =	sadd.s32 @!p0 $0x11B8D, s6;
	_ =	swait.eq @!p0 [sflag:s5], $0x1  }
0x2a: {  	s4 =	sor.u32 @!p0 s4, s6;
	[sflag:s5] =	ssyncadd.s32 @!p0 $0xFFFFFFFF  }
0x2b: {  	s26 =	simm.s32 $0x1B8E;
	s25 =	sld [smem:$0x3FFE];
	[sflag:s4] =	ssyncadd.remote.s32 @!p0 $0x1  }
0x2c: {  	s27 =	simm.s32 $execute0_lowered;
	[smem:$0x3FD2] =	sst s26  }
0x2d: {  	s5 =	sshll.u32 s27, $0x1;
	_ =	strace $0x80000049;
	[dreg:$0x1] =	wrdreg $0xFFFFFFFF  }
0x2e: {  	s28 =	simm.s32 $_size_execute0_lowered;
	s3 =	sadd.s32 s3, s5;
	[dreg:$0x0] =	wrdreg $0x0  }
0x2f: {  	s5 =	sshll.u32 s28, $0x1;
	[dreg:$0x2] =	wrdreg s3  }
0x30: {  	[dreg:$0x3] =	wrdreg s5  }
0x31: {  	[dreg:$0x4] =	wrdreg $0xC0  }
0x32: {  	_ =	task [dreg:s23], $0x5FFFF  }
0x33: {  	[dreg:$0x1] =	wrdreg $0xFFFFFFFF  }
0x34: {  	[dreg:$0x0] =	wrdreg $0x60  }
0x35: {  	[dreg:$0x2] =	wrdreg s25  }
0x36: {  	[dreg:$0x3] =	wrdreg $0xA  }
0x37: {  	_ =	task.clear_ibuf [dreg:s23], $0x4FFFF;
	_ =	strace $0x90000049  }
0x38: {  	s29 =	simm.s32 $0xA;
	_ =	strace $0x8000004B  }
0x39: {  	_ =	swait.ge [sflag:s29], $0x1  }
0x3a: {  	[sflag:s29] =	ssyncadd.s32 $0xFFFFFFFF  }
0x3b: {  	_ =	strace $0x9000004B  }
0x3c: {  	_ =	sfence  }
0x3d: {  	s30 =	sld [smem:$0x0];
	_ =	sdelay $0x2  }
0x3e: {  	s31 =	sshll.u32 s1, $0xD;
	s1 =	sshrl.u32 s1, $0x2  }
0x3f: {  	s4 =	sand.u32 $0x4000, s31;
	s1 =	sadd.s32 s1, s30  }
0x40: {  	s0 =	sor.u32 s4, s0;
	s1 =	sshll.u32 s1, $0x11  }
0x41: {  	s0 =	sor.u32 s1, s0  }
0x42: {  	s0 =	sadd.s32 $0x8F2B, s0  }
0x43: {  	[sflag:s0] =	ssyncadd.remote.s32 $0x1  }
0x44: {  	_ =	sfence.sel $0xFFFF  }
0x45: {  	[dreg:$0x0] =	wrdreg $0xFFFFFFFF;
	(pc) =	sbr.abs _section_cstart, $3  }
0x46: {  	[dreg:$0x1] =	wrdreg $0xFFFFFFFF  }
0x47: {  	_ =	task.clear_ibuf [dreg:s23], $0x2FFFF;
	_ =	strace $0x9FFFFFFF  }
0x48: {  	(tm) =	ssettm $0x7FFFFFFF  }
0x49: {  	_ =	shalt  }
tec
execute0_lowered:
.L_overlay_start_1:
0x0: {  	(tag) =	ssettag $0x1  }
0x1: {  	s0 =	srdreg.scid  }
0x2: {  	s4 =	rddreg [dreg:$0x0];
	s1 =	stileid.u32  }
0x3: {  	s5 =	simm.s32 $0x1;
	s7 =	simm.s32 $0x2;
	s14 =	simm.s32 $0x0  }
0x4: {  	p0 =	por $0x0, $0x0;
	s13 =	simm.s32 $0x0;
	s0 =	sshll.u32 s0, $0x4  }
0x5: {  	s8 =	simm.s32 $0x0;
	s9 =	simm.s32 $0x0;
	s2 =	sand.u32 $0x10, s0  }
.Ltmp0:
0x6: {  	s11 =	simm.s32 $0x0;
	s3 =	sor.u32 s1, s2;
	(pc) =	sbr.rel .LBB1_1-.Ltmp0, $4  }
0x7: {  	s0 =	rddreg [dreg:$0x1];
	_ =	strace $0x8000004A;
	s3 =	sshll.u32 s3, $0x7  }
0x8: {  	s12 =	simm.s32 $0x0;
	s2 =	sadd.s32 $0x30F200, s4;
	s6 =	ssub.s32 $0x18680, s3  }
0x9: {  	s4 =	sadd.s32 $0x496200, s4;
	[sflag:s5] =	ssyncpa.u1 $0x0;
	s6 =	sshrl.u32 s6, $0xC  }
0xa: {  	[sflag:s7] =	ssyncpa.u1 $0x0;
	s10 =	smov.u32 s3;
	s7 =	sadd.s32 $0x2, s6  }
.LBB1_5:
0xb: {  	p1 =	slt.u32 s12, $0x2  }
0xc: {  	p2 =	sgt.s32 @!p1 s14, $0x18620  }
0xd: {  	s15 =	smov.u32 s14;
	s16 =	sshra.s32 @!p1 s14, $0x1F;
	p2 =	por !p2, p1  }
0xe: {  	s14 =	sand.u32 @!p1 s16, s14;
	s15 =	simm.s32 @p2 $0x18620  }
0xf: {  	s14 =	ssub.s32 @!p1 s15, s14;
	s15 =	ssub.s32 @!p1 $0x0, s13  }
0x10: {  	s17 =	smov.u32 s11;
	s16 =	sadd.s32 @!p1 $0xFFFE79E0, s14;
	s13 =	smin.u32 @!p1 s13, s15  }
0x11: {  	s14 =	ssub.s32 @!p1 $0x186A0, s14;
	p2 =	sgt.s32 @!p1 s16, $0x7F;
	p3 =	sgt.s32 @!p1 s13, $0x7F  }
0x12: {  	s13 =	ssub.s32 @!p1 $0x80, s13;
	p2 =	por !p2, p1;
	p3 =	por !p3, p1  }
0x13: {  	s15 =	sadd.s32 $0x1000, s10;
	s14 =	simm.s32 @!p2 $0x0;
	s13 =	simm.s32 @!p3 $0x0  }
0x14: {  	p2 =	sgt.s32 s15, $0x1869F;
	s13 =	smul.u32 @!p1 s13, s14;
	s14 =	sadd.s32 $0x80, s11  }
0x15: {  	s17 =	smov.u32 @p2 s14  }
0x16: {  	s15 =	smov.u32 @p2 s3;
	p2 =	sgt.s32 s17, $0x7F  }
0x17: {  	s17 =	simm.s32 @p2 $0x0;
	p2 =	sne.s32 s12, s7  }
.Ltmp1:
0x18: {  	p0 =	por !p0, !p0;
	s16 =	simm.s32 @!p1 $0x2;
	(pc) =	sbr.rel @!p2 .LBB1_6-.Ltmp1, $4  }
0x19: {  	s14 =	smov.u32 s8;
	s8 =	smov.u32 s10;
	s13 =	sand.u32 @!p1 $0x3FFFFFFF, s13  }
0x1a: {  	s10 =	smov.u32 s15;
	_ =	swait.ge @!p1 [sflag:s16], s13;
	s18 =	ssub.s32 @!p1 $0x0, s13  }
0x1b: {  	s13 =	smov.u32 s9;
	s12 =	sadd.s32 $0x1, s12;
	[sflag:s16] =	ssyncset.done @!p1 $0x0  }
0x1c: {  	s9 =	smov.u32 s11;
	s11 =	smov.u32 s17;
	[sflag:s16] =	ssyncadd.s32 @!p1 s18  }
.LBB1_1:
0x1d: {  	p1 =	sgt.u32 s12, s6  }
0x1e: {  	s15 =	sshrl.u32 @!p1 s11, $0x3  }
0x1f: {  	s16 =	sshll.u32 @!p1 s10, $0x3;
	s15 =	smul.u32 @!p1 $0xC3800, s15  }
0x20: {  	s17 =	sshll.u32 @!p1 s11, $0x7;
	s16 =	sand.u32 @!p1 $0xFFFFFC00, s16  }
0x21: {  	s15 =	sadd.s32 @!p1 s15, s16;
	s16 =	sand.u32 @!p1 $0x380, s17  }
0x22: {  	s17 =	sand.u32 @!p1 $0x7F, s10;
	s15 =	sor.u32 @!p1 s16, s15  }
0x23: {  	s16 =	sor.u32 @!p1 s17, s15  }
0x24: {  	s17 =	smulhi.u32 @!p1 $0xA79C7B17, s16;
	_ =	sdelay $0x1  }
0x25: {  	s15 =	smulhi.u32 @!p1 $0xA79C7B17, s15;
	s17 =	sshrl.u32 @!p1 s17, $0x10  }
0x26: {  	s17 =	smul.u32 @!p1 $0x18700, s17  }
0x27: {  	s18 =	sxor.u32 @!p1 $0xFFFFFFFF, s12;
	s15 =	sshrl.u32 @!p1 s15, $0x10  }
0x28: {  	s18 =	sshll.u32 @!p1 s18, $0xE;
	s15 =	sand.u32 @!p1 $0x7F, s15;
	s16 =	ssub.s32 @!p1 s16, s17  }
0x29: {  	s15 =	smul.u32 @!p1 $0x30E0, s15;
	s17 =	sshrl.u32 @!p1 s16, $0x3;
	s16 =	sand.u32 @!p1 $0x7, s16  }
0x2a: {  	s18 =	sand.u32 @!p1 $0x4000, s18;
	s17 =	sadd.s32 @!p1 s2, s17;
	s16 =	sshll.u32 @!p1 s16, $0x12  }
0x2b: {  	s15 =	sadd.s32 @!p1 s15, s17;
	s16 =	sor.u32 @!p1 $0x400, s16;
	s17 =	simm.s32 @!p1 $0xC3800  }
0x2c: {  	[tilespmem:s18], [sflag:$0x1] =	stream.strided.gather @!p1 [hbm4b:s15+s16], $0x4000, s17, s16, $0x38;
	[tilespmem:$0x10100] =	vst v63  }
0x2d: {  	p1 =	seq.s32 s12, $0x0  }
0x2e: {  	p2 =	sge.u32 @!p1 s12, s7  }
0x2f: {  	p1 =	por p1, p2  }
.Ltmp2:
0x30: {  	_ = 	snop;
	(pc) =	sbr.rel @p1 .LBB1_5-.Ltmp2, $1  }
0x31: {  	_ =	sdelay $0x3  }
0x32: {  	s15 =	simm.s32 $0x1  }
0x33: {  	_ =	swait.ge [sflag:s5], $0x4000;
	s15 =	simm.s32 @!p0 $0x0  }
0x34: {  	[sflag:s5] =	ssyncset.done $0x0;
	s16 =	sshll.u32 s15, $0xE  }
0x35: {  	[sflag:s5] =	ssyncadd.s32 $0xFFFFC000;
	s16 =	sor.u32 $0x40, s16  }
0x36: {  	s15 =	smul.u32 $0x10200, s15;
	v0 =	vld [tilespmem:s16+$0x30]  }
0x37: {  	v1 =	vld [tilespmem:s16+$0xFFFFFFD0]  }
0x38: {  	s15 =	sshrl.u32 s15, $0x2;
	v5 =	vld [tilespmem:s16+$0xFFFFFFE0]  }
0x39: {  	v6 =	vld [tilespmem:s16+$0xFFFFFFF0];
	s18 =	sor.u32 $0x8000, s15  }
0x3a: {  	s31 =	sand.u32 $0x1, s12;
	v4 =	vld [tilespmem:s16+$0x0];
	s17 =	sadd.s32 $0x0, s18  }
0x3b: {  	v3 =	vld [tilespmem:s16+$0x10];
	s15 =	smul.u32 $0x10200, s31;
	[tilespmem:s17+$0x3870 ss:$0x81] =	vst.msk $0xffff, v0  }
0x3c: {  	v2 =	vld [tilespmem:s16+$0x20];
	[tilespmem:s17+$0x810 ss:$0x81] =	vst.msk $0xffff, v1  }
0x3d: {  	s15 =	sshrl.u32 s15, $0x2;
	v0 =	vld [tilespmem:s16+$0xFFFFFFC0];
	[tilespmem:s17+$0x1020 ss:$0x81] =	vst.msk $0xffff, v5;
	s16 =	sadd.s32 $0x80, s16  }
0x3e: {  	s19 =	simm.s32 $0x4;
	s20 =	simm.s32 $0x8;
	s15 =	sor.u32 $0x8000, s15;
	[tilespmem:s17+$0x1830 ss:$0x81] =	vst.msk $0xffff, v6;
	v1 =	vld [tilespmem:s16+$0x30]  }
.LBB1_3:
0x3f: {  	p1 =	sne.s32 s20, $0x1FC;
	v5 =	vld [tilespmem:s16+$0xFFFFFFD0];
	[tilespmem:s17+$0x2040 ss:$0x81] =	vst.msk $0xffff, v4  }
0x40: {  	v6 =	vld [tilespmem:s16+$0xFFFFFFE0];
	[tilespmem:s17+$0x2850 ss:$0x81] =	vst.msk $0xffff, v3  }
0x41: {  	s21 =	sshra.s32 s19, $0x2;
	s19 =	smov.u32 s20;
	v7 =	vld [tilespmem:s16+$0xFFFFFFF0];
	[tilespmem:s17+$0x3060 ss:$0x81] =	vst.msk $0xffff, v2  }
.Ltmp3:
0x42: {  	v4 =	vld [tilespmem:s16+$0x0];
	[tilespmem:s17+$0x0 ss:$0x81] =	vst.msk $0xffff, v0;
	s17 =	sadd.s32 s21, s18;
	(pc) =	sbr.rel @p1 .LBB1_3-.Ltmp3, $4  }
0x43: {  	v3 =	vld [tilespmem:s16+$0x10];
	[tilespmem:s17+$0x3870 ss:$0x81] =	vst.msk $0xffff, v1  }
0x44: {  	[tilespmem:s17+$0x810 ss:$0x81] =	vst.msk $0xffff, v5;
	v2 =	vld [tilespmem:s16+$0x20]  }
0x45: {  	v0 =	vld [tilespmem:s16+$0xFFFFFFC0];
	[tilespmem:s17+$0x1020 ss:$0x81] =	vst.msk $0xffff, v6;
	s16 =	sadd.s32 $0x80, s16  }
0x46: {  	s20 =	sadd.s32 $0x4, s20;
	v1 =	vld [tilespmem:s16+$0x30];
	[tilespmem:s17+$0x1830 ss:$0x81] =	vst.msk $0xffff, v7  }
0x47: {  	s20 =	sshll.u32 s8, $0x7;
	s21 =	sshll.u32 s9, $0x3;
	s19 =	sshra.s32 s19, $0x2  }
0x48: {  	v5 =	vld [tilespmem:s16+$0xFFFFFFD0];
	[tilespmem:s17+$0x2040 ss:$0x81] =	vst.msk $0xffff, v4;
	p1 =	sgt.s32 s8, $0x18620;
	s22 =	sand.u32 $0xFFFFFC00, s20;
	s21 =	sand.u32 $0xFFFFFC00, s21  }
0x49: {  	v58 =	vld [tilespmem:s16+$0xFFFFFFE0];
	s24 =	sshra.s32 s8, $0x1F;
	s20 =	sand.u32 $0x380, s20;
	[tilespmem:s17+$0x2850 ss:$0x81] =	vst.msk $0xffff, v3;
	s21 =	sadd.s32 s21, s22  }
0x4a: {  	v59 =	vld [tilespmem:s16+$0xFFFFFFF0];
	s26 =	ssub.s32 $0x0, s9;
	s18 =	sadd.s32 s19, s18;
	[tilespmem:s17+$0x3060 ss:$0x81] =	vst.msk $0xffff, v2;
	s23 =	sor.u32 s20, s21  }
0x4b: {  	v60 =	vld [tilespmem:s16+$0x0];
	s28 =	smin.u32 s9, s26;
	s20 =	smov.u32 s8;
	[tilespmem:s17+$0x0 ss:$0x81] =	vst.msk $0xffff, v0;
	s19 =	sshrl.u32 s23, $0x7  }
0x4c: {  	v61 =	vld [tilespmem:s16+$0x10];
	s21 =	sand.u32 s24, s8;
	s20 =	simm.s32 @!p1 $0x18620;
	[tilespmem:s18+$0x3870 ss:$0x81] =	vst.msk $0xffff, v1;
	s25 =	smulhi.u32 $0x14F8B59, s19  }
0x4d: {  	v62 =	vld [tilespmem:s16+$0x20];
	s29 =	sshrl.u32 s9, $0x3;
	p2 =	sgt.s32 s28, $0x7F;
	s20 =	ssub.s32 s20, s21;
	[tilespmem:s18+$0x810 ss:$0x81] =	vst.msk $0xffff, v5  }
0x4e: {  	v63 =	vld [tilespmem:s16+$0xFFFFFFC0];
	[tilespmem:s18+$0x1020 ss:$0x81] =	vst.msk $0xffff, v58;
	s21 =	sadd.s32 $0xFFFE79E0, s20;
	s20 =	ssub.s32 $0x186A0, s20;
	s17 =	sshrl.u32 s25, $0x9  }
0x4f: {  	[tilespmem:s18+$0x1830 ss:$0x81] =	vst.msk $0xffff, v59;
	p1 =	sgt.s32 s21, $0x7F;
	s27 =	smul.u32 $0x186A0, s17;
	s17 =	ssub.s32 $0x80, s28  }
.Ltmp4:
0x50: {  	[tilespmem:s18+$0x2040 ss:$0x81] =	vst.msk $0xffff, v60;
	s20 =	simm.s32 @p1 $0x0;
	s17 =	simm.s32 @p2 $0x0;
	(pc) =	sbr.rel .LBB1_5-.Ltmp4, $4  }
0x51: {  	s30 =	sand.u32 $0xF, s29;
	[tilespmem:s18+$0x2850 ss:$0x81] =	vst.msk $0xffff, v61;
	s16 =	ssub.s32 s19, s27;
	s17 =	smul.u32 s17, s20  }
0x52: {  	[tilespmem:s18+$0x3060 ss:$0x81] =	vst.msk $0xffff, v62;
	s19 =	sadd.s32 s4, s30;
	s16 =	sshll.u32 s16, $0x4  }
0x53: {  	s31 =	sand.u32 $0x7, s9;
	[tilespmem:s18+$0x0 ss:$0x81] =	vst.msk $0xffff, v63;
	s17 =	sand.u32 $0x3FFFFFFF, s17;
	s16 =	sadd.s32 s16, s19  }
0x54: {  	[hbm4b:s16+s31] =	stream.linear.scatter [tilespmem:s15], [sflag:$0x2], s17, $0x20;
	[tilespmem:$0x10100] =	vst v63  }
.LBB1_6:
0x55: {  	_ =	sfence.sel $0x180000  }
0x56: {  	s2 =	simm.s32 $0x1;
	[bflag:$0x0] =	sbarrier.arrive $0xFFFF  }
0x57: {  	s31 =	simm.s32 $0x2;
	[sflag:s2] =	ssyncpa.u1 $0x1  }
0x58: {  	[sflag:s31] =	ssyncpa.u1 $0x1  }
0x59: {  	p0 =	sne.s32 s1, $0x0;
	_ =	strace $0x9000004A  }
0x5a: {  	s0 =	sadd.s32 @!p0 $0x100000, s0;
	[bflag:$0x2] =	sbarrier.arrive $0xFFFF  }
0x5b: {  	[sflag:s0] =	ssyncadd.tile.s32 @!p0 $0x1;
	_ =	shalt  }
.Lfunc_end1:
_tile_overlayer_lowered:
.L_overlay_start_2:
0x5c: {  	(tag) =	ssettag $0x2  }
0x5d: {  	s0 =	rddreg [dreg:$0x0];
	s2 =	stileid.u32  }
0x5e: {  	s1 =	rddreg [dreg:$0x1];
	p0 =	sne.s32 s2, $0x0  }
0x5f: {  	s3 =	rddreg [dreg:$0x2];
	[bflag:$0x3] =	sbarrier.arrive $0xFFFF;
	s2 =	simm.s32 @!p0 $0x1C01  }
0x60: {  	[timem:s3], [sflag:s2] =	dma.local @!p0 [hbm:s0], s1  }
0x61: {  	s0 =	simm.s32 @!p0 $0x1  }
0x62: {  	_ =	swait.ge @!p0 [sflag:s0], s1  }
0x63: {  	s1 =	ssub.s32 @!p0 $0x0, s1;
	[sflag:s0] =	ssyncset.done @!p0 $0x0  }
0x64: {  	[sflag:s0] =	ssyncadd.s32 @!p0 s1  }
0x65: {  	[bflag:$0x3] =	sbarrier.arrive $0xFFFF  }
0x66: {  	_ =	shalt  }

// kernel: sparse-core-data-format-call.cloned.1.call-start
scs
called_computation_lowered:
.L_overlay_start_0:
0x0: {  	s1 =	sld [smem:$0x3FD9]  }
0x1: {  	s2 =	sld [smem:$0x3FFE];
	_ =	sdelay $0x1  }
0x2: {  	s3 =	srdreg.scid  }
0x3: {  	s0 =	sand.u32 $0x1, s3  }
0x4: {  	s17 =	sshll.u32 s0, $0xA;
	s1 =	sadd.s32 s2, s1  }
0x5: {  	s1 =	sadd.s32 s1, s17  }
0x6: {  	[smem:$0x3FC1] =	sst s1  }
0x7: {  	_ = 	snop  }
0x8: {  	(tm) =	ssettm $0x1  }
0x9: {  	s18 =	sld [smem:$0x3FFB];
	_ =	sdelay $0x3  }
0xa: {  	_ =	strace s18  }
0xb: {  	s1 =	sld [smem:$0x3FFC];
	_ =	sdelay $0x3  }
0xc: {  	_ =	strace s1  }
0xd: {  	s1 =	sld [smem:$0x3FFD];
	_ =	sdelay $0x3  }
0xe: {  	_ =	strace s1  }
0xf: {  	_ =	strace $0x8FFFFFFF  }
0x10: {  	s19 =	sld [smem:$0x3FDB];
	_ =	sdelay $0x1  }
0x11: {  	s20 =	simm.s32 $_scs_section_size  }
0x12: {  	s4 =	simm.s32 $_size__tile_overlayer_lowered;
	s5 =	simm.s32 $_tile_overlayer_lowered  }
0x13: {  	s23 =	simm.s32 $0x1BFF;
	s22 =	sshll.u32 s5, $0x1;
	s1 =	sadd.s32 s20, s19  }
0x14: {  	s6 =	simm.s32 $0x0;
	s21 =	sshll.u32 s4, $0x1;
	s4 =	sadd.s32 s22, s1  }
0x15: {  	[timem:s6], [sflag:s23] =	dma.local [hbm:s4], s21  }
0x16: {  	_ =	swait.ge [sflag:s23], s21  }
0x17: {  	s2 =	ssub.s32 $0x0, s21;
	[sflag:s23] =	ssyncset.done $0x0  }
0x18: {  	[sflag:s23] =	ssyncadd.s32 s2;
	_ =	sdelay $0x1  }
0x19: {  	s24 =	simm.s32 $0x1B8B  }
0x1a: {  	_ =	swait.ge [sflag:s24], $0x1  }
0x1b: {  	[sflag:s24] =	ssyncset.done $0x0  }
0x1c: {  	s26 =	simm.s32 $0x1B8E;
	s25 =	sld [smem:$0x3FFE];
	[sflag:s24] =	ssyncadd.s32 $0xFFFFFFFF  }
0x1d: {  	s27 =	simm.s32 $execute0_lowered;
	[smem:$0x3FD2] =	sst s26  }
0x1e: {  	s4 =	sshll.u32 s27, $0x1;
	_ =	strace $0x80000046;
	[dreg:$0x1] =	wrdreg $0xFFFFFFFF  }
0x1f: {  	s28 =	simm.s32 $_size_execute0_lowered;
	s1 =	sadd.s32 s1, s4;
	[dreg:$0x0] =	wrdreg $0x0  }
0x20: {  	s4 =	sshll.u32 s28, $0x1;
	[dreg:$0x2] =	wrdreg s1  }
0x21: {  	[dreg:$0x3] =	wrdreg s4  }
0x22: {  	[dreg:$0x4] =	wrdreg $0xC0  }
0x23: {  	_ =	task [dreg:s6], $0x5FFFF  }
0x24: {  	[dreg:$0x1] =	wrdreg $0xFFFFFFFF  }
0x25: {  	[dreg:$0x0] =	wrdreg $0x60  }
0x26: {  	[dreg:$0x2] =	wrdreg s25  }
0x27: {  	[dreg:$0x3] =	wrdreg $0x9  }
0x28: {  	_ =	task.clear_ibuf [dreg:s6], $0x4FFFF;
	_ =	strace $0x90000046  }
0x29: {  	s29 =	simm.s32 $0x9;
	_ =	strace $0x80000048  }
0x2a: {  	_ =	swait.ge [sflag:s29], $0x1  }
0x2b: {  	[sflag:s29] =	ssyncadd.s32 $0xFFFFFFFF  }
0x2c: {  	_ =	strace $0x90000048  }
0x2d: {  	_ =	sfence  }
0x2e: {  	s30 =	sld [smem:$0x0];
	_ =	sdelay $0x2  }
0x2f: {  	s31 =	sshll.u32 s3, $0xD;
	s3 =	sshrl.u32 s3, $0x2  }
0x30: {  	s2 =	sand.u32 $0x4000, s31;
	s1 =	sadd.s32 s3, s30  }
0x31: {  	s0 =	sor.u32 s2, s0;
	s1 =	sshll.u32 s1, $0x11  }
0x32: {  	s0 =	sor.u32 s1, s0  }
0x33: {  	s0 =	sadd.s32 $0x8F2B, s0  }
0x34: {  	[sflag:s0] =	ssyncadd.remote.s32 $0x1  }
0x35: {  	_ =	sfence.sel $0xFFFF  }
0x36: {  	[dreg:$0x0] =	wrdreg $0xFFFFFFFF;
	(pc) =	sbr.abs _section_cstart, $3  }
0x37: {  	[dreg:$0x1] =	wrdreg $0xFFFFFFFF  }
0x38: {  	_ =	task.clear_ibuf [dreg:s6], $0x2FFFF;
	_ =	strace $0x9FFFFFFF  }
0x39: {  	(tm) =	ssettm $0x7FFFFFFF  }
tec
execute0_lowered:
.L_overlay_start_1:
0x0: {  	(tag) =	ssettag $0x1  }
0x1: {  	s0 =	srdreg.scid  }
0x2: {  	s4 =	rddreg [dreg:$0x0];
	s1 =	stileid.u32  }
0x3: {  	s5 =	simm.s32 $0x1;
	s7 =	simm.s32 $0x2;
	s14 =	simm.s32 $0x0  }
0x4: {  	p0 =	por $0x0, $0x0;
	s13 =	simm.s32 $0x0;
	s0 =	sshll.u32 s0, $0x4  }
0x5: {  	s8 =	simm.s32 $0x0;
	s9 =	simm.s32 $0x0;
	s2 =	sand.u32 $0x10, s0  }
.Ltmp0:
0x6: {  	s11 =	simm.s32 $0x0;
	s3 =	sor.u32 s1, s2;
	(pc) =	sbr.rel .LBB1_1-.Ltmp0, $4  }
0x7: {  	s12 =	simm.s32 $0x0;
	s0 =	rddreg [dreg:$0x1];
	s3 =	sshll.u32 s3, $0x7  }
0x8: {  	_ =	strace $0x80000047;
	s2 =	sadd.s32 $0x1800, s4;
	s6 =	ssub.s32 $0x18680, s3  }
0x9: {  	s4 =	sadd.s32 $0x188800, s4;
	[sflag:s5] =	ssyncpa.u1 $0x0;
	s6 =	sshrl.u32 s6, $0xC  }
0xa: {  	[sflag:s7] =	ssyncpa.u1 $0x0;
	s10 =	smov.u32 s3;
	s7 =	sadd.s32 $0x2, s6  }
.LBB1_5:
0xb: {  	p1 =	slt.u32 s12, $0x2  }
0xc: {  	p2 =	sgt.s32 @!p1 s14, $0x18620  }
0xd: {  	s15 =	smov.u32 s14;
	s16 =	sshra.s32 @!p1 s14, $0x1F;
	p2 =	por !p2, p1  }
0xe: {  	s14 =	sand.u32 @!p1 s16, s14;
	s15 =	simm.s32 @p2 $0x18620  }
0xf: {  	s14 =	ssub.s32 @!p1 s15, s14;
	s15 =	ssub.s32 @!p1 $0x0, s13  }
0x10: {  	s17 =	smov.u32 s11;
	s16 =	sadd.s32 @!p1 $0xFFFE79E0, s14;
	s13 =	smin.u32 @!p1 s13, s15  }
0x11: {  	s14 =	ssub.s32 @!p1 $0x186A0, s14;
	p2 =	sgt.s32 @!p1 s16, $0x7F;
	p3 =	sgt.s32 @!p1 s13, $0x7F  }
0x12: {  	s13 =	ssub.s32 @!p1 $0x80, s13;
	p2 =	por !p2, p1;
	p3 =	por !p3, p1  }
0x13: {  	s15 =	sadd.s32 $0x1000, s10;
	s14 =	simm.s32 @!p2 $0x0;
	s13 =	simm.s32 @!p3 $0x0  }
0x14: {  	p2 =	sgt.s32 s15, $0x1869F;
	s13 =	smul.u32 @!p1 s13, s14;
	s14 =	sadd.s32 $0x80, s11  }
0x15: {  	s17 =	smov.u32 @p2 s14  }
0x16: {  	s15 =	smov.u32 @p2 s3;
	p2 =	sgt.s32 s17, $0x7F  }
0x17: {  	s17 =	simm.s32 @p2 $0x0;
	p2 =	sne.s32 s12, s7  }
.Ltmp1:
0x18: {  	p0 =	por !p0, !p0;
	s16 =	simm.s32 @!p1 $0x2;
	(pc) =	sbr.rel @!p2 .LBB1_6-.Ltmp1, $4  }
0x19: {  	s14 =	smov.u32 s8;
	s8 =	smov.u32 s10;
	s13 =	sand.u32 @!p1 $0x3FFFFFFF, s13  }
0x1a: {  	s10 =	smov.u32 s15;
	_ =	swait.ge @!p1 [sflag:s16], s13;
	s18 =	ssub.s32 @!p1 $0x0, s13  }
0x1b: {  	s13 =	smov.u32 s9;
	s12 =	sadd.s32 $0x1, s12;
	[sflag:s16] =	ssyncset.done @!p1 $0x0  }
0x1c: {  	s9 =	smov.u32 s11;
	s11 =	smov.u32 s17;
	[sflag:s16] =	ssyncadd.s32 @!p1 s18  }
.LBB1_1:
0x1d: {  	p1 =	sgt.u32 s12, s6  }
0x1e: {  	s15 =	sshrl.u32 @!p1 s11, $0x3  }
0x1f: {  	s16 =	sshll.u32 @!p1 s10, $0x3;
	s15 =	smul.u32 @!p1 $0xC3800, s15  }
0x20: {  	s17 =	sshll.u32 @!p1 s11, $0x7;
	s16 =	sand.u32 @!p1 $0xFFFFFC00, s16  }
0x21: {  	s15 =	sadd.s32 @!p1 s15, s16;
	s16 =	sand.u32 @!p1 $0x380, s17  }
0x22: {  	s17 =	sand.u32 @!p1 $0x7F, s10;
	s15 =	sor.u32 @!p1 s16, s15  }
0x23: {  	s16 =	sor.u32 @!p1 s17, s15  }
0x24: {  	s17 =	smulhi.u32 @!p1 $0xA79C7B17, s16;
	_ =	sdelay $0x1  }
0x25: {  	s15 =	smulhi.u32 @!p1 $0xA79C7B17, s15;
	s17 =	sshrl.u32 @!p1 s17, $0x10  }
0x26: {  	s17 =	smul.u32 @!p1 $0x18700, s17  }
0x27: {  	s18 =	sxor.u32 @!p1 $0xFFFFFFFF, s12;
	s15 =	sshrl.u32 @!p1 s15, $0x10  }
0x28: {  	s18 =	sshll.u32 @!p1 s18, $0xE;
	s15 =	sand.u32 @!p1 $0x7F, s15;
	s16 =	ssub.s32 @!p1 s16, s17  }
0x29: {  	s15 =	smul.u32 @!p1 $0x30E0, s15;
	s17 =	sshrl.u32 @!p1 s16, $0x3;
	s16 =	sand.u32 @!p1 $0x7, s16  }
0x2a: {  	s18 =	sand.u32 @!p1 $0x4000, s18;
	s17 =	sadd.s32 @!p1 s2, s17;
	s16 =	sshll.u32 @!p1 s16, $0x12  }
0x2b: {  	s15 =	sadd.s32 @!p1 s15, s17;
	s16 =	sor.u32 @!p1 $0x400, s16;
	s17 =	simm.s32 @!p1 $0xC3800  }
0x2c: {  	[tilespmem:s18], [sflag:$0x1] =	stream.strided.gather @!p1 [hbm4b:s15+s16], $0x4000, s17, s16, $0x38;
	[tilespmem:$0x10100] =	vst v63  }
0x2d: {  	p1 =	seq.s32 s12, $0x0  }
0x2e: {  	p2 =	sge.u32 @!p1 s12, s7  }
0x2f: {  	p1 =	por p1, p2  }
.Ltmp2:
0x30: {  	_ = 	snop;
	(pc) =	sbr.rel @p1 .LBB1_5-.Ltmp2, $1  }
0x31: {  	_ =	sdelay $0x3  }
0x32: {  	s15 =	simm.s32 $0x1  }
0x33: {  	_ =	swait.ge [sflag:s5], $0x4000;
	s15 =	simm.s32 @!p0 $0x0  }
0x34: {  	[sflag:s5] =	ssyncset.done $0x0;
	s16 =	sshll.u32 s15, $0xE  }
0x35: {  	[sflag:s5] =	ssyncadd.s32 $0xFFFFC000;
	s16 =	sor.u32 $0x40, s16  }
0x36: {  	s15 =	smul.u32 $0x10200, s15;
	v0 =	vld [tilespmem:s16+$0x30]  }
0x37: {  	v1 =	vld [tilespmem:s16+$0xFFFFFFD0]  }
0x38: {  	s15 =	sshrl.u32 s15, $0x2;
	v5 =	vld [tilespmem:s16+$0xFFFFFFE0]  }
0x39: {  	v6 =	vld [tilespmem:s16+$0xFFFFFFF0];
	s18 =	sor.u32 $0x8000, s15  }
0x3a: {  	s31 =	sand.u32 $0x1, s12;
	v4 =	vld [tilespmem:s16+$0x0];
	s17 =	sadd.s32 $0x0, s18  }
0x3b: {  	v3 =	vld [tilespmem:s16+$0x10];
	s15 =	smul.u32 $0x10200, s31;
	[tilespmem:s17+$0x3870 ss:$0x81] =	vst.msk $0xffff, v0  }
0x3c: {  	v2 =	vld [tilespmem:s16+$0x20];
	[tilespmem:s17+$0x810 ss:$0x81] =	vst.msk $0xffff, v1  }
0x3d: {  	s15 =	sshrl.u32 s15, $0x2;
	v0 =	vld [tilespmem:s16+$0xFFFFFFC0];
	[tilespmem:s17+$0x1020 ss:$0x81] =	vst.msk $0xffff, v5;
	s16 =	sadd.s32 $0x80, s16  }
0x3e: {  	s19 =	simm.s32 $0x4;
	s20 =	simm.s32 $0x8;
	s15 =	sor.u32 $0x8000, s15;
	[tilespmem:s17+$0x1830 ss:$0x81] =	vst.msk $0xffff, v6;
	v1 =	vld [tilespmem:s16+$0x30]  }
.LBB1_3:
0x3f: {  	p1 =	sne.s32 s20, $0x1FC;
	v5 =	vld [tilespmem:s16+$0xFFFFFFD0];
	[tilespmem:s17+$0x2040 ss:$0x81] =	vst.msk $0xffff, v4  }
0x40: {  	v6 =	vld [tilespmem:s16+$0xFFFFFFE0];
	[tilespmem:s17+$0x2850 ss:$0x81] =	vst.msk $0xffff, v3  }
0x41: {  	s21 =	sshra.s32 s19, $0x2;
	s19 =	smov.u32 s20;
	v7 =	vld [tilespmem:s16+$0xFFFFFFF0];
	[tilespmem:s17+$0x3060 ss:$0x81] =	vst.msk $0xffff, v2  }
.Ltmp3:
0x42: {  	v4 =	vld [tilespmem:s16+$0x0];
	[tilespmem:s17+$0x0 ss:$0x81] =	vst.msk $0xffff, v0;
	s17 =	sadd.s32 s21, s18;
	(pc) =	sbr.rel @p1 .LBB1_3-.Ltmp3, $4  }
0x43: {  	v3 =	vld [tilespmem:s16+$0x10];
	[tilespmem:s17+$0x3870 ss:$0x81] =	vst.msk $0xffff, v1  }
0x44: {  	[tilespmem:s17+$0x810 ss:$0x81] =	vst.msk $0xffff, v5;
	v2 =	vld [tilespmem:s16+$0x20]  }
0x45: {  	v0 =	vld [tilespmem:s16+$0xFFFFFFC0];
	[tilespmem:s17+$0x1020 ss:$0x81] =	vst.msk $0xffff, v6;
	s16 =	sadd.s32 $0x80, s16  }
0x46: {  	s20 =	sadd.s32 $0x4, s20;
	v1 =	vld [tilespmem:s16+$0x30];
	[tilespmem:s17+$0x1830 ss:$0x81] =	vst.msk $0xffff, v7  }
0x47: {  	s20 =	sshll.u32 s8, $0x7;
	s21 =	sshll.u32 s9, $0x3;
	s19 =	sshra.s32 s19, $0x2  }
0x48: {  	v5 =	vld [tilespmem:s16+$0xFFFFFFD0];
	[tilespmem:s17+$0x2040 ss:$0x81] =	vst.msk $0xffff, v4;
	p1 =	sgt.s32 s8, $0x18620;
	s22 =	sand.u32 $0xFFFFFC00, s20;
	s21 =	sand.u32 $0xFFFFFC00, s21  }
0x49: {  	v58 =	vld [tilespmem:s16+$0xFFFFFFE0];
	s24 =	sshra.s32 s8, $0x1F;
	s20 =	sand.u32 $0x380, s20;
	[tilespmem:s17+$0x2850 ss:$0x81] =	vst.msk $0xffff, v3;
	s21 =	sadd.s32 s21, s22  }
0x4a: {  	v59 =	vld [tilespmem:s16+$0xFFFFFFF0];
	s26 =	ssub.s32 $0x0, s9;
	s18 =	sadd.s32 s19, s18;
	[tilespmem:s17+$0x3060 ss:$0x81] =	vst.msk $0xffff, v2;
	s23 =	sor.u32 s20, s21  }
0x4b: {  	v60 =	vld [tilespmem:s16+$0x0];
	s28 =	smin.u32 s9, s26;
	s20 =	smov.u32 s8;
	[tilespmem:s17+$0x0 ss:$0x81] =	vst.msk $0xffff, v0;
	s19 =	sshrl.u32 s23, $0x7  }
0x4c: {  	v61 =	vld [tilespmem:s16+$0x10];
	s21 =	sand.u32 s24, s8;
	s20 =	simm.s32 @!p1 $0x18620;
	[tilespmem:s18+$0x3870 ss:$0x81] =	vst.msk $0xffff, v1;
	s25 =	smulhi.u32 $0x14F8B59, s19  }
0x4d: {  	v62 =	vld [tilespmem:s16+$0x20];
	s29 =	sshrl.u32 s9, $0x3;
	p2 =	sgt.s32 s28, $0x7F;
	s20 =	ssub.s32 s20, s21;
	[tilespmem:s18+$0x810 ss:$0x81] =	vst.msk $0xffff, v5  }
0x4e: {  	v63 =	vld [tilespmem:s16+$0xFFFFFFC0];
	[tilespmem:s18+$0x1020 ss:$0x81] =	vst.msk $0xffff, v58;
	s21 =	sadd.s32 $0xFFFE79E0, s20;
	s20 =	ssub.s32 $0x186A0, s20;
	s17 =	sshrl.u32 s25, $0x9  }
0x4f: {  	[tilespmem:s18+$0x1830 ss:$0x81] =	vst.msk $0xffff, v59;
	p1 =	sgt.s32 s21, $0x7F;
	s27 =	smul.u32 $0x186A0, s17;
	s17 =	ssub.s32 $0x80, s28  }
.Ltmp4:
0x50: {  	[tilespmem:s18+$0x2040 ss:$0x81] =	vst.msk $0xffff, v60;
	s20 =	simm.s32 @p1 $0x0;
	s17 =	simm.s32 @p2 $0x0;
	(pc) =	sbr.rel .LBB1_5-.Ltmp4, $4  }
0x51: {  	s30 =	sand.u32 $0xF, s29;
	[tilespmem:s18+$0x2850 ss:$0x81] =	vst.msk $0xffff, v61;
	s16 =	ssub.s32 s19, s27;
	s17 =	smul.u32 s17, s20  }
0x52: {  	[tilespmem:s18+$0x3060 ss:$0x81] =	vst.msk $0xffff, v62;
	s19 =	sadd.s32 s4, s30;
	s16 =	sshll.u32 s16, $0x4  }
0x53: {  	s31 =	sand.u32 $0x7, s9;
	[tilespmem:s18+$0x0 ss:$0x81] =	vst.msk $0xffff, v63;
	s17 =	sand.u32 $0x3FFFFFFF, s17;
	s16 =	sadd.s32 s16, s19  }
0x54: {  	[hbm4b:s16+s31] =	stream.linear.scatter [tilespmem:s15], [sflag:$0x2], s17, $0x20;
	[tilespmem:$0x10100] =	vst v63  }
.LBB1_6:
0x55: {  	_ =	sfence.sel $0x180000  }
0x56: {  	s2 =	simm.s32 $0x1;
	[bflag:$0x0] =	sbarrier.arrive $0xFFFF  }
0x57: {  	s31 =	simm.s32 $0x2;
	[sflag:s2] =	ssyncpa.u1 $0x1  }
0x58: {  	[sflag:s31] =	ssyncpa.u1 $0x1  }
0x59: {  	p0 =	sne.s32 s1, $0x0;
	_ =	strace $0x90000047  }
0x5a: {  	s0 =	sadd.s32 @!p0 $0x100000, s0;
	[bflag:$0x2] =	sbarrier.arrive $0xFFFF  }
0x5b: {  	[sflag:s0] =	ssyncadd.tile.s32 @!p0 $0x1;
	_ =	shalt  }
.Lfunc_end1:
_tile_overlayer_lowered:
.L_overlay_start_2:
0x5c: {  	(tag) =	ssettag $0x2  }
0x5d: {  	s0 =	rddreg [dreg:$0x0];
	s2 =	stileid.u32  }
0x5e: {  	s1 =	rddreg [dreg:$0x1];
	p0 =	sne.s32 s2, $0x0  }
0x5f: {  	s3 =	rddreg [dreg:$0x2];
	[bflag:$0x3] =	sbarrier.arrive $0xFFFF;
	s2 =	simm.s32 @!p0 $0x1C01  }
0x60: {  	[timem:s3], [sflag:s2] =	dma.local @!p0 [hbm:s0], s1  }
0x61: {  	s0 =	simm.s32 @!p0 $0x1  }
0x62: {  	_ =	swait.ge @!p0 [sflag:s0], s1  }
0x63: {  	s1 =	ssub.s32 @!p0 $0x0, s1;
	[sflag:s0] =	ssyncset.done @!p0 $0x0  }
0x64: {  	[sflag:s0] =	ssyncadd.s32 @!p0 s1  }
0x65: {  	[bflag:$0x3] =	sbarrier.arrive $0xFFFF  }
0x66: {  	_ =	shalt  }

</sc_bundles>
